<compile_context>
chip_gen: v7x
topology: tpu7x:2x2x1
jax: 0.10.2.dev20260603
libtpu: 0.0.44.dev20260713+nightly
codegen_flags: <defaults>
</compile_context>

<pallas_src>
import functools

import jax
import jax.numpy as jnp
from jax import lax
from jax.experimental import pallas as pl
from jax.experimental.pallas import tpu as pltpu
from jax.experimental.pallas import tpu_sc as plsc

F32 = jnp.float32
W = 128
NC, NS = 2, 16
NW = NC * NS


def _seg_sum_sc(y, src2d, dst2d, n_pad, n0, n1):
    D = y.shape[1]
    rpt = n_pad // NS
    n_max = max(n0, n1)

    mesh = plsc.VectorSubcoreMesh(core_axis_name="c", subcore_axis_name="s")

    @functools.partial(
        pl.kernel,
        out_type=(jax.ShapeDtypeStruct((NC, n_pad, D), F32),
                  jax.ShapeDtypeStruct((NC, n_pad, 16), F32)),
        mesh=mesh,
        scratch_types=[
            pltpu.VMEM((n_max, W), jnp.int32),
            pltpu.VMEM((2, W), jnp.int32),
            pltpu.VMEM((2, W, D), F32),
            pltpu.VMEM((W, 16), F32),
            pltpu.VMEM_SHARED((n_pad, D), F32),
            pltpu.VMEM_SHARED((n_pad, 16), F32),
            pltpu.SemaphoreType.DMA,
            pltpu.SemaphoreType.DMA,
            pltpu.SemaphoreType.DMA,
            pltpu.SemaphoreType.DMA,
        ],
        compiler_params=pltpu.CompilerParams(use_tc_tiling_on_sc=False),
    )
    def ker(y_hbm, src_hbm, dst_hbm, z_d_hbm, z_c_hbm, ones_hbm,
            acc_out, cnt_out,
            sidx_v, didx_v, rows_v, ones_v, acc_sh, cnt_sh,
            gsem0, gsem1, dsem0, dsem1):
        cid = lax.axis_index("c")
        sid = lax.axis_index("s")
        row0 = sid * rpt
        gsems = (gsem0, gsem1)
        dsems = (dsem0, dsem1)

        pltpu.sync_copy(z_d_hbm.at[pl.ds(row0, rpt)], acc_sh.at[pl.ds(row0, rpt)])
        pltpu.sync_copy(z_c_hbm.at[pl.ds(row0, rpt)], cnt_sh.at[pl.ds(row0, rpt)])
        pltpu.sync_copy(ones_hbm, ones_v)
        plsc.subcore_barrier()

        def pipeline(n_chunks, chunk0):
            pltpu.sync_copy(src_hbm.at[pl.ds(chunk0, n_chunks)],
                            sidx_v.at[pl.ds(0, n_chunks)])
            pltpu.async_copy(dst_hbm.at[chunk0], didx_v.at[0], dsem0)
            pltpu.async_copy(y_hbm.at[sidx_v.at[0]], rows_v.at[0], gsem0)

            @pl.loop(0, n_chunks, step=2)
            def _(k0):
                for b in range(2):
                    k = k0 + b

                    @pl.when(k + 1 < n_chunks)
                    def _():
                        pltpu.async_copy(dst_hbm.at[chunk0 + k + 1],
                                         didx_v.at[1 - b], dsems[1 - b])
                        pltpu.async_copy(y_hbm.at[sidx_v.at[k + 1]],
                                         rows_v.at[1 - b], gsems[1 - b])

                    pltpu.make_async_copy(y_hbm.at[sidx_v.at[k]],
                                          rows_v.at[b], gsems[b]).wait()
                    pltpu.make_async_copy(dst_hbm.at[chunk0 + k],
                                          didx_v.at[b], dsems[b]).wait()
                    pltpu.sync_copy(rows_v.at[b], acc_sh.at[didx_v.at[b]],
                                    add=True)
                    pltpu.sync_copy(ones_v, cnt_sh.at[didx_v.at[b]],
                                    add=True)

        @pl.when(cid == 0)
        def _():
            pipeline(n0, sid * n0)

        @pl.when(cid == 1)
        def _():
            pipeline(n1, NS * n0 + sid * n1)

        plsc.subcore_barrier()
        pltpu.sync_copy(acc_sh.at[pl.ds(row0, rpt)],
                        acc_out.at[cid, pl.ds(row0, rpt)])
        pltpu.sync_copy(cnt_sh.at[pl.ds(row0, rpt)],
                        cnt_out.at[cid, pl.ds(row0, rpt)])

    zeros_d = jnp.zeros((n_pad, D), F32)
    zeros_c = jnp.zeros((n_pad, 16), F32)
    ones = jnp.ones((W, 16), F32)
    return ker(y, src2d, dst2d, zeros_d, zeros_c, ones)


def _pad_edges(src, dst, n_seg, e_pad):
    E = src.shape[0]
    src = jnp.concatenate([src, jnp.zeros((e_pad - E,), src.dtype)])
    dst = jnp.concatenate([dst, jnp.full((e_pad - E,), n_seg, dst.dtype)])
    return src.reshape(-1, W), dst.reshape(-1, W)


def _mm_body(x_ref, w_ref, o_ref):
    o_ref[...] = jnp.dot(x_ref[...], w_ref[...], preferred_element_type=F32)


def _project(x, w, bm):
    M, K = x.shape
    N = w.shape[1]
    return pl.pallas_call(
        _mm_body,
        grid=(M // bm,),
        in_specs=[pl.BlockSpec((bm, K), lambda i: (i, 0)),
                  pl.BlockSpec((K, N), lambda i: (0, 0))],
        out_specs=pl.BlockSpec((bm, N), lambda i: (i, 0)),
        out_shape=jax.ShapeDtypeStruct((M, N), F32),
    )(x, w)


def _combine1_body(x_ref, wt_ref, b_ref, a0_ref, a1_ref, c0_ref, c1_ref,
                   wb2_ref, h_ref, z_ref):
    cnt = c0_ref[:, :1] + c1_ref[:, :1]
    agg = (a0_ref[...] + a1_ref[...]) / jnp.maximum(cnt, 1.0)
    h = jnp.dot(x_ref[...], wt_ref[...], preferred_element_type=F32)
    h = jnp.maximum(h + b_ref[...] + agg, 0.0)
    h_ref[...] = h
    z_ref[...] = jnp.dot(h, wb2_ref[...], preferred_element_type=F32)


def _combine1(x, wt, b, a0, a1, c0, c1, wb2, bm):
    M, K = x.shape
    N = wt.shape[1]
    return pl.pallas_call(
        _combine1_body,
        grid=(M // bm,),
        in_specs=[pl.BlockSpec((bm, K), lambda i: (i, 0)),
                  pl.BlockSpec((K, N), lambda i: (0, 0)),
                  pl.BlockSpec((1, N), lambda i: (0, 0)),
                  pl.BlockSpec((bm, N), lambda i: (i, 0)),
                  pl.BlockSpec((bm, N), lambda i: (i, 0)),
                  pl.BlockSpec((bm, 16), lambda i: (i, 0)),
                  pl.BlockSpec((bm, 16), lambda i: (i, 0)),
                  pl.BlockSpec((N, N), lambda i: (0, 0))],
        out_specs=[pl.BlockSpec((bm, N), lambda i: (i, 0)),
                   pl.BlockSpec((bm, N), lambda i: (i, 0))],
        out_shape=[jax.ShapeDtypeStruct((M, N), F32),
                   jax.ShapeDtypeStruct((M, N), F32)],
    )(x, wt, b, a0, a1, c0, c1, wb2)


def _combine2_body(h_ref, wt_ref, b_ref, a0_ref, a1_ref, c0_ref, c1_ref,
                   o_ref):
    cnt = c0_ref[:, :1] + c1_ref[:, :1]
    agg = (a0_ref[...] + a1_ref[...]) / jnp.maximum(cnt, 1.0)
    o_ref[...] = (jnp.dot(h_ref[...], wt_ref[...], preferred_element_type=F32)
                  + b_ref[...] + agg)


def _combine2(h, wt, b, a0, a1, c0, c1):
    M, K = h.shape
    N = wt.shape[1]
    return pl.pallas_call(
        _combine2_body,
        grid=(1,),
        in_specs=[pl.BlockSpec((M, K), lambda i: (0, 0)),
                  pl.BlockSpec((K, N), lambda i: (0, 0)),
                  pl.BlockSpec((1, N), lambda i: (0, 0)),
                  pl.BlockSpec((M, N), lambda i: (0, 0)),
                  pl.BlockSpec((M, N), lambda i: (0, 0)),
                  pl.BlockSpec((M, 16), lambda i: (0, 0)),
                  pl.BlockSpec((M, 16), lambda i: (0, 0))],
        out_specs=pl.BlockSpec((M, N), lambda i: (0, 0)),
        out_shape=jax.ShapeDtypeStruct((M, N), F32),
    )(h, wt, b, a0, a1, c0, c1)


def kernel(x, src1, dst1, src2, dst2, w1, b1, w2, b2):
    D = 64
    N2, N3 = 10000, 2048
    w1t, w1b = w1[:2 * D], w1[2 * D:]
    w2t, w2b = w2[:D], w2[D:]

    y1 = _project(x, w1b, 2000)
    s1p, d1p = _pad_edges(src1, dst1, N2, 819200)
    acc1, cnt1 = _seg_sum_sc(y1, s1p, d1p, 10112, 280, 120)

    h, z2 = _combine1(x[:N2], w1t, b1.reshape(1, -1),
                      acc1[0], acc1[1], cnt1[0], cnt1[1], w2b, 1000)

    s2p, d2p = _pad_edges(src2, dst2, N3, 163840)
    acc2, cnt2 = _seg_sum_sc(z2, s2p, d2p, 2176, 56, 24)

    out = _combine2(h[:N3], w2t, b2.reshape(1, -1),
                    acc2[0], acc2[1], cnt2[0], cnt2[1])
    return out

# --- scband reference (transcript-rebuilt; emitter-appended) ---
"""Pipeline reference for scband-graph-sage-76459007803689 (READ-ONLY COPY).

The authoritative reference and input builder live on the scoring server;
editing this copy changes nothing except your own understanding.
"""

import jax, jax.numpy as jnp
import numpy as np

N1 = 50000   # full sampled frontier (layer-1 sources)
N2 = 10000   # layer-1 targets / layer-2 sources
N3 = 2048    # seed (batch) nodes
D = 64       # latent_dim
E1 = 800000
E2 = 160000


def setup_inputs(seed: int = 0) -> dict:
    key = jax.random.key(seed)
    ks = jax.random.split(key, 10)
    x = jax.random.normal(ks[0], (N1, 2 * D), dtype=jnp.float32)
    src1 = jax.random.randint(ks[1], (E1,), 0, N1, dtype=jnp.int64) if jax.config.jax_enable_x64 else jax.random.randint(ks[1], (E1,), 0, N1).astype(jnp.int32)
    dst1 = jax.random.randint(ks[2], (E1,), 0, N2).astype(src1.dtype)
    src2 = jax.random.randint(ks[3], (E2,), 0, N2).astype(src1.dtype)
    dst2 = jax.random.randint(ks[4], (E2,), 0, N3).astype(src1.dtype)
    # w_linears[0]: Linear(latent_dim*4, latent_dim); w_linears[1]: Linear(latent_dim*2, latent_dim)
    w1 = jax.random.normal(ks[5], (4 * D, D), dtype=jnp.float32) * 0.05
    b1 = jnp.zeros((D,), dtype=jnp.float32)
    w2 = jax.random.normal(ks[6], (2 * D, D), dtype=jnp.float32) * 0.05
    b2 = jnp.zeros((D,), dtype=jnp.float32)
    return {"x": x, "src1": src1, "dst1": dst1, "src2": src2, "dst2": dst2,
            "w1": w1, "b1": b1, "w2": w2, "b2": b2}


def _sage_layer(x, src, dst, n_target, w, b, apply_relu):
    # gather source node features along each edge (memory-bound gather)
    msgs = jnp.take(x, src, axis=0)
    # mean aggregation over destination (target) nodes via segment_sum
    agg = jax.ops.segment_sum(msgs, dst, num_segments=n_target)
    cnt = jax.ops.segment_sum(jnp.ones((src.shape[0], 1), dtype=x.dtype), dst, num_segments=n_target)
    agg = agg / jnp.maximum(cnt, 1.0)
    # target-node self features: x_target = x[:size[1]] (bipartite sampling convention)
    tgt = x[:n_target]
    out = jnp.concatenate([tgt, agg], axis=1) @ w + b
    if apply_relu:
        out = jax.nn.relu(out)
    return out


def reference(x, src1, dst1, src2, dst2, w1, b1, w2, b2):
    # layer 0: in = latent*4 (cat of 2D self + 2D aggregated), out = latent
    h = _sage_layer(x, src1, dst1, N2, w1, b1, True)
    # layer 1 (last): in = latent*2, out = latent, no relu on final layer
    out = _sage_layer(h, src2, dst2, N3, w2, b2, False)
    return out

if __name__ == "__main__":
    import jax
    _d = setup_inputs()
    print(jax.jit(kernel)(*tuple(_d.values())))

</pallas_src>

<mosaic_0001>
#map = affine_map<(d0, d1) -> (0, 0)>
#map1 = affine_map<(d0, d1) -> (0, 0, 0)>
module attributes {stable_mosaic.version = 14 : i64} {
  func.func @ker(%arg0: i32, %arg1: i32, %arg2: memref<10000x64xf32, #tpu.memory_space<hbm>>, %arg3: memref<1280x128xi32, #tpu.memory_space<hbm>>, %arg4: memref<1280x128xi32, #tpu.memory_space<hbm>>, %arg5: memref<2176x64xf32, #tpu.memory_space<hbm>>, %arg6: memref<2176x16xf32, #tpu.memory_space<hbm>>, %arg7: memref<128x16xf32, #tpu.memory_space<hbm>>, %arg8: memref<2x2176x64xf32, #tpu.memory_space<hbm>>, %arg9: memref<2x2176x16xf32, #tpu.memory_space<hbm>>, %arg10: memref<56x128xi32, #tpu.memory_space<vmem>>, %arg11: memref<2x128xi32, #tpu.memory_space<vmem>>, %arg12: memref<2x128x64xf32, #tpu.memory_space<vmem>>, %arg13: memref<128x16xf32, #tpu.memory_space<vmem>>, %arg14: memref<2176x64xf32, #tpu.memory_space<vmem_shared>>, %arg15: memref<2176x16xf32, #tpu.memory_space<vmem_shared>>, %arg16: memref<!tpu.dma_semaphore, #tpu.memory_space<semaphore_mem>>, %arg17: memref<!tpu.dma_semaphore, #tpu.memory_space<semaphore_mem>>, %arg18: memref<!tpu.dma_semaphore, #tpu.memory_space<semaphore_mem>>, %arg19: memref<!tpu.dma_semaphore, #tpu.memory_space<semaphore_mem>>) attributes {dimension_semantics = [#tpu.dimension_semantics<core_parallel>, #tpu.dimension_semantics<subcore_parallel>], iteration_bounds = array<i64: 2, 16>, scalar_prefetch = 0 : i64, scratch_operands = 10 : i64, tpu.core_type = #tpu.core_type<sc_vector_subcore>, window_params = [{transform_indices = #map}, {transform_indices = #map}, {transform_indices = #map}, {transform_indices = #map}, {transform_indices = #map}, {transform_indices = #map}, {transform_indices = #map1}, {transform_indices = #map1}]} {
    %mul3A = arith.constant 136 : i32
    %mul3A_0 = arith.muli %arg1, %mul3A : i32
    "tpu.region"() ({
      %run_scoped3A = tpu.sem_alloc : memref<!tpu.dma_semaphore, #tpu.memory_space<semaphore_mem>>
      %dma_start3A = arith.constant 0 : i32
      %dma_start3A_9 = tpu.memref_slice %arg14[%mul3A_0, %dma_start3A] : memref<2176x64xf32, #tpu.memory_space<vmem_shared>> -> memref<136x64xf32, #tpu.memory_space<vmem_shared>>
      %dma_start3A_10 = arith.constant 0 : i32
      %dma_start3A_11 = tpu.memref_slice %arg5[%mul3A_0, %dma_start3A_10] : memref<2176x64xf32, #tpu.memory_space<hbm>> -> memref<136x64xf32, #tpu.memory_space<hbm>>
      tpu.enqueue_dma source(%dma_start3A_11 : memref<136x64xf32, #tpu.memory_space<hbm>>) target(%dma_start3A_9 : memref<136x64xf32, #tpu.memory_space<vmem_shared>>) target_semaphore(%run_scoped3A : memref<!tpu.dma_semaphore, #tpu.memory_space<semaphore_mem>>)
      %dma_wait3A = arith.constant 0 : i32
      %dma_wait3A_12 = tpu.memref_slice %arg14[%mul3A_0, %dma_wait3A] : memref<2176x64xf32, #tpu.memory_space<vmem_shared>> -> memref<136x64xf32, #tpu.memory_space<vmem_shared>>
      %dma_wait3A_13 = arith.constant 0 : i32
      %dma_wait3A_14 = tpu.memref_slice %arg5[%mul3A_0, %dma_wait3A_13] : memref<2176x64xf32, #tpu.memory_space<hbm>> -> memref<136x64xf32, #tpu.memory_space<hbm>>
      tpu.wait_dma2 semaphore(%run_scoped3A : memref<!tpu.dma_semaphore, #tpu.memory_space<semaphore_mem>>) src(%dma_wait3A_14 : memref<136x64xf32, #tpu.memory_space<hbm>>) dst(%dma_wait3A_12 : memref<136x64xf32, #tpu.memory_space<vmem_shared>>)
      tpu.yield
    }) : () -> ()
    "tpu.region"() ({
      %run_scoped3A = tpu.sem_alloc : memref<!tpu.dma_semaphore, #tpu.memory_space<semaphore_mem>>
      %dma_start3A = arith.constant 0 : i32
      %dma_start3A_9 = tpu.memref_slice %arg15[%mul3A_0, %dma_start3A] : memref<2176x16xf32, #tpu.memory_space<vmem_shared>> -> memref<136x16xf32, #tpu.memory_space<vmem_shared>>
      %dma_start3A_10 = arith.constant 0 : i32
      %dma_start3A_11 = tpu.memref_slice %arg6[%mul3A_0, %dma_start3A_10] : memref<2176x16xf32, #tpu.memory_space<hbm>> -> memref<136x16xf32, #tpu.memory_space<hbm>>
      tpu.enqueue_dma source(%dma_start3A_11 : memref<136x16xf32, #tpu.memory_space<hbm>>) target(%dma_start3A_9 : memref<136x16xf32, #tpu.memory_space<vmem_shared>>) target_semaphore(%run_scoped3A : memref<!tpu.dma_semaphore, #tpu.memory_space<semaphore_mem>>)
      %dma_wait3A = arith.constant 0 : i32
      %dma_wait3A_12 = tpu.memref_slice %arg15[%mul3A_0, %dma_wait3A] : memref<2176x16xf32, #tpu.memory_space<vmem_shared>> -> memref<136x16xf32, #tpu.memory_space<vmem_shared>>
      %dma_wait3A_13 = arith.constant 0 : i32
      %dma_wait3A_14 = tpu.memref_slice %arg6[%mul3A_0, %dma_wait3A_13] : memref<2176x16xf32, #tpu.memory_space<hbm>> -> memref<136x16xf32, #tpu.memory_space<hbm>>
      tpu.wait_dma2 semaphore(%run_scoped3A : memref<!tpu.dma_semaphore, #tpu.memory_space<semaphore_mem>>) src(%dma_wait3A_14 : memref<136x16xf32, #tpu.memory_space<hbm>>) dst(%dma_wait3A_12 : memref<136x16xf32, #tpu.memory_space<vmem_shared>>)
      tpu.yield
    }) : () -> ()
    "tpu.region"() ({
      %run_scoped3A = tpu.sem_alloc : memref<!tpu.dma_semaphore, #tpu.memory_space<semaphore_mem>>
      tpu.enqueue_dma source(%arg7 : memref<128x16xf32, #tpu.memory_space<hbm>>) target(%arg13 : memref<128x16xf32, #tpu.memory_space<vmem>>) target_semaphore(%run_scoped3A : memref<!tpu.dma_semaphore, #tpu.memory_space<semaphore_mem>>)
      tpu.wait_dma2 semaphore(%run_scoped3A : memref<!tpu.dma_semaphore, #tpu.memory_space<semaphore_mem>>) src(%arg7 : memref<128x16xf32, #tpu.memory_space<hbm>>) dst(%arg13 : memref<128x16xf32, #tpu.memory_space<vmem>>)
      tpu.yield
    }) : () -> ()
    %barrier3A = arith.constant 0 : index
    tpu.barrier barrier_id(%barrier3A)
    %eq3A = arith.constant 0 : i32
    %eq3A_1 = arith.cmpi eq, %arg0, %eq3A : i32
    %convert_element_type3A = arith.extui %eq3A_1 : i1 to i32
    %cond3A = arith.constant 0 : i32
    %cond3A_2 = arith.cmpi ne, %convert_element_type3A, %cond3A : i32
    scf.if %cond3A_2 {
      %mul3A_9 = arith.constant 56 : i32
      %mul3A_10 = arith.muli %arg1, %mul3A_9 : i32
      "tpu.region"() ({
        %run_scoped3A = tpu.sem_alloc : memref<!tpu.dma_semaphore, #tpu.memory_space<semaphore_mem>>
        %dma_start3A_39 = arith.constant 0 : i32
        %dma_start3A_40 = arith.constant 0 : i32
        %dma_start3A_41 = tpu.memref_slice %arg10[%dma_start3A_39, %dma_start3A_40] : memref<56x128xi32, #tpu.memory_space<vmem>> -> memref<56x128xi32, #tpu.memory_space<vmem>>
        %dma_start3A_42 = arith.constant 0 : i32
        %dma_start3A_43 = tpu.memref_slice %arg3[%mul3A_10, %dma_start3A_42] : memref<1280x128xi32, #tpu.memory_space<hbm>> -> memref<56x128xi32, #tpu.memory_space<hbm>>
        %dma_start3A_44 = arith.constant 0 : i32
        %dma_start3A_45 = arith.constant 0 : i32
        %dma_start3A_46 = tpu.memref_slice %arg10[%dma_start3A_44, %dma_start3A_45] : memref<56x128xi32, #tpu.memory_space<vmem>> -> memref<56x128xi32, #tpu.memory_space<vmem>>
        %dma_start3A_47 = arith.constant 0 : i32
        %dma_start3A_48 = tpu.memref_slice %arg3[%mul3A_10, %dma_start3A_47] : memref<1280x128xi32, #tpu.memory_space<hbm>> -> memref<56x128xi32, #tpu.memory_space<hbm>>
        tpu.enqueue_dma source(%dma_start3A_48 : memref<56x128xi32, #tpu.memory_space<hbm>>) target(%dma_start3A_46 : memref<56x128xi32, #tpu.memory_space<vmem>>) target_semaphore(%run_scoped3A : memref<!tpu.dma_semaphore, #tpu.memory_space<semaphore_mem>>)
        %dma_wait3A = arith.constant 0 : i32
        %dma_wait3A_49 = arith.constant 0 : i32
        %dma_wait3A_50 = tpu.memref_slice %arg10[%dma_wait3A, %dma_wait3A_49] : memref<56x128xi32, #tpu.memory_space<vmem>> -> memref<56x128xi32, #tpu.memory_space<vmem>>
        %dma_wait3A_51 = arith.constant 0 : i32
        %dma_wait3A_52 = tpu.memref_slice %arg3[%mul3A_10, %dma_wait3A_51] : memref<1280x128xi32, #tpu.memory_space<hbm>> -> memref<56x128xi32, #tpu.memory_space<hbm>>
        %dma_wait3A_53 = arith.constant 0 : i32
        %dma_wait3A_54 = arith.constant 0 : i32
        %dma_wait3A_55 = tpu.memref_slice %arg10[%dma_wait3A_53, %dma_wait3A_54] : memref<56x128xi32, #tpu.memory_space<vmem>> -> memref<56x128xi32, #tpu.memory_space<vmem>>
        %dma_wait3A_56 = arith.constant 0 : i32
        %dma_wait3A_57 = tpu.memref_slice %arg3[%mul3A_10, %dma_wait3A_56] : memref<1280x128xi32, #tpu.memory_space<hbm>> -> memref<56x128xi32, #tpu.memory_space<hbm>>
        tpu.wait_dma2 semaphore(%run_scoped3A : memref<!tpu.dma_semaphore, #tpu.memory_space<semaphore_mem>>) src(%dma_wait3A_57 : memref<56x128xi32, #tpu.memory_space<hbm>>) dst(%dma_wait3A_55 : memref<56x128xi32, #tpu.memory_space<vmem>>)
        tpu.yield
      }) : () -> ()
      %dma_start3A = arith.constant 0 : i32
      %dma_start3A_11 = arith.constant 0 : i32
      %dma_start3A_12 = tpu.memref_slice %arg11[%dma_start3A, %dma_start3A_11] : memref<2x128xi32, #tpu.memory_space<vmem>> -> memref<1x128xi32, #tpu.memory_space<vmem>>
      %dma_start3A_13 = tpu.memref_squeeze %dma_start3A_12 : memref<1x128xi32, #tpu.memory_space<vmem>> -> memref<128xi32, #tpu.memory_space<vmem>>
      %dma_start3A_14 = arith.constant 0 : i32
      %dma_start3A_15 = tpu.memref_slice %arg4[%mul3A_10, %dma_start3A_14] : memref<1280x128xi32, #tpu.memory_space<hbm>> -> memref<1x128xi32, #tpu.memory_space<hbm>>
      %dma_start3A_16 = tpu.memref_squeeze %dma_start3A_15 : memref<1x128xi32, #tpu.memory_space<hbm>> -> memref<128xi32, #tpu.memory_space<hbm>>
      %dma_start3A_17 = arith.constant 0 : i32
      %dma_start3A_18 = tpu.memref_slice %arg11[%dma_start3A, %dma_start3A_17] : memref<2x128xi32, #tpu.memory_space<vmem>> -> memref<1x128xi32, #tpu.memory_space<vmem>>
      %dma_start3A_19 = tpu.memref_squeeze %dma_start3A_18 : memref<1x128xi32, #tpu.memory_space<vmem>> -> memref<128xi32, #tpu.memory_space<vmem>>
      %dma_start3A_20 = arith.constant 0 : i32
      %dma_start3A_21 = tpu.memref_slice %arg4[%mul3A_10, %dma_start3A_20] : memref<1280x128xi32, #tpu.memory_space<hbm>> -> memref<1x128xi32, #tpu.memory_space<hbm>>
      %dma_start3A_22 = tpu.memref_squeeze %dma_start3A_21 : memref<1x128xi32, #tpu.memory_space<hbm>> -> memref<128xi32, #tpu.memory_space<hbm>>
      tpu.enqueue_dma source(%dma_start3A_22 : memref<128xi32, #tpu.memory_space<hbm>>) target(%dma_start3A_19 : memref<128xi32, #tpu.memory_space<vmem>>) target_semaphore(%arg18 : memref<!tpu.dma_semaphore, #tpu.memory_space<semaphore_mem>>)
      %dma_start3A_23 = arith.constant 0 : i32
      %dma_start3A_24 = arith.constant 0 : i32
      %dma_start3A_25 = arith.constant 0 : i32
      %dma_start3A_26 = arith.constant 0 : i32
      %dma_start3A_27 = tpu.memref_slice %arg12[%dma_start3A_24, %dma_start3A_25, %dma_start3A_26] : memref<2x128x64xf32, #tpu.memory_space<vmem>> -> memref<1x128x64xf32, #tpu.memory_space<vmem>>
      %dma_start3A_28 = tpu.memref_squeeze %dma_start3A_27 : memref<1x128x64xf32, #tpu.memory_space<vmem>> -> memref<128x64xf32, #tpu.memory_space<vmem>>
      %dma_start3A_29 = arith.constant 0 : i32
      %dma_start3A_30 = tpu.memref_slice %arg10[%dma_start3A_23, %dma_start3A_29] : memref<56x128xi32, #tpu.memory_space<vmem>> -> memref<1x128xi32, #tpu.memory_space<vmem>>
      %dma_start3A_31 = tpu.memref_squeeze %dma_start3A_30 : memref<1x128xi32, #tpu.memory_space<vmem>> -> memref<128xi32, #tpu.memory_space<vmem>>
      %dma_start3A_32 = arith.constant 0 : i32
      %dma_start3A_33 = arith.constant 0 : i32
      %dma_start3A_34 = tpu.memref_slice %arg2[%dma_start3A_32, %dma_start3A_33] : memref<10000x64xf32, #tpu.memory_space<hbm>> -> memref<10000x64xf32, #tpu.memory_space<hbm>>
      tpu.enqueue_indirect_dma source(%dma_start3A_34 : memref<10000x64xf32, #tpu.memory_space<hbm>>) target(%dma_start3A_28 : memref<128x64xf32, #tpu.memory_space<vmem>>) offsets(%dma_start3A_31 : memref<128xi32, #tpu.memory_space<vmem>>) semaphore(%arg16 : memref<!tpu.dma_semaphore, #tpu.memory_space<semaphore_mem>>)
      %scan3A = arith.constant 0 : i32
      %scan3A_35 = arith.constant 28 : i32
      %scan3A_36 = arith.addi %scan3A, %scan3A_35 : i32
      %scan3A_37 = arith.constant 1 : i32
      scf.for %scan3A_39 = %scan3A to %scan3A_36 step %scan3A_37  : i32 {
        %mul3A_40 = arith.constant 2 : i32
        %mul3A_41 = arith.muli %scan3A_39, %mul3A_40 : i32
        %add3A = arith.constant 0 : i32
        %add3A_42 = arith.addi %add3A, %mul3A_41 : i32
        %add3A_43 = arith.constant 0 : i32
        %add3A_44 = arith.addi %add3A_42, %add3A_43 : i32
        %add3A_45 = arith.constant 1 : i32
        %add3A_46 = arith.addi %add3A_44, %add3A_45 : i32
        %lt3A = arith.constant 56 : i32
        %lt3A_47 = arith.cmpi slt, %add3A_46, %lt3A : i32
        %convert_element_type3A_48 = arith.extui %lt3A_47 : i1 to i32
        %cond3A_49 = arith.constant 0 : i32
        %cond3A_50 = arith.cmpi ne, %convert_element_type3A_48, %cond3A_49 : i32
        scf.if %cond3A_50 {
          %add3A_114 = arith.addi %mul3A_10, %add3A_44 : i32
          %add3A_115 = arith.constant 1 : i32
          %add3A_116 = arith.addi %add3A_114, %add3A_115 : i32
          %dma_start3A_117 = arith.constant 1 : i32
          %dma_start3A_118 = arith.constant 0 : i32
          %dma_start3A_119 = tpu.memref_slice %arg11[%dma_start3A_117, %dma_start3A_118] : memref<2x128xi32, #tpu.memory_space<vmem>> -> memref<1x128xi32, #tpu.memory_space<vmem>>
          %dma_start3A_120 = tpu.memref_squeeze %dma_start3A_119 : memref<1x128xi32, #tpu.memory_space<vmem>> -> memref<128xi32, #tpu.memory_space<vmem>>
          %dma_start3A_121 = arith.constant 0 : i32
          %dma_start3A_122 = tpu.memref_slice %arg4[%add3A_116, %dma_start3A_121] : memref<1280x128xi32, #tpu.memory_space<hbm>> -> memref<1x128xi32, #tpu.memory_space<hbm>>
          %dma_start3A_123 = tpu.memref_squeeze %dma_start3A_122 : memref<1x128xi32, #tpu.memory_space<hbm>> -> memref<128xi32, #tpu.memory_space<hbm>>
          %dma_start3A_124 = arith.constant 0 : i32
          %dma_start3A_125 = tpu.memref_slice %arg11[%dma_start3A_117, %dma_start3A_124] : memref<2x128xi32, #tpu.memory_space<vmem>> -> memref<1x128xi32, #tpu.memory_space<vmem>>
          %dma_start3A_126 = tpu.memref_squeeze %dma_start3A_125 : memref<1x128xi32, #tpu.memory_space<vmem>> -> memref<128xi32, #tpu.memory_space<vmem>>
          %dma_start3A_127 = arith.constant 0 : i32
          %dma_start3A_128 = tpu.memref_slice %arg4[%add3A_116, %dma_start3A_127] : memref<1280x128xi32, #tpu.memory_space<hbm>> -> memref<1x128xi32, #tpu.memory_space<hbm>>
          %dma_start3A_129 = tpu.memref_squeeze %dma_start3A_128 : memref<1x128xi32, #tpu.memory_space<hbm>> -> memref<128xi32, #tpu.memory_space<hbm>>
          tpu.enqueue_dma source(%dma_start3A_129 : memref<128xi32, #tpu.memory_space<hbm>>) target(%dma_start3A_126 : memref<128xi32, #tpu.memory_space<vmem>>) target_semaphore(%arg19 : memref<!tpu.dma_semaphore, #tpu.memory_space<semaphore_mem>>)
          %add3A_130 = arith.constant 1 : i32
          %add3A_131 = arith.addi %add3A_44, %add3A_130 : i32
          %dma_start3A_132 = arith.constant 1 : i32
          %dma_start3A_133 = arith.constant 0 : i32
          %dma_start3A_134 = arith.constant 0 : i32
          %dma_start3A_135 = tpu.memref_slice %arg12[%dma_start3A_132, %dma_start3A_133, %dma_start3A_134] : memref<2x128x64xf32, #tpu.memory_space<vmem>> -> memref<1x128x64xf32, #tpu.memory_space<vmem>>
          %dma_start3A_136 = tpu.memref_squeeze %dma_start3A_135 : memref<1x128x64xf32, #tpu.memory_space<vmem>> -> memref<128x64xf32, #tpu.memory_space<vmem>>
          %dma_start3A_137 = arith.constant 0 : i32
          %dma_start3A_138 = tpu.memref_slice %arg10[%add3A_131, %dma_start3A_137] : memref<56x128xi32, #tpu.memory_space<vmem>> -> memref<1x128xi32, #tpu.memory_space<vmem>>
          %dma_start3A_139 = tpu.memref_squeeze %dma_start3A_138 : memref<1x128xi32, #tpu.memory_space<vmem>> -> memref<128xi32, #tpu.memory_space<vmem>>
          %dma_start3A_140 = arith.constant 0 : i32
          %dma_start3A_141 = arith.constant 0 : i32
          %dma_start3A_142 = tpu.memref_slice %arg2[%dma_start3A_140, %dma_start3A_141] : memref<10000x64xf32, #tpu.memory_space<hbm>> -> memref<10000x64xf32, #tpu.memory_space<hbm>>
          tpu.enqueue_indirect_dma source(%dma_start3A_142 : memref<10000x64xf32, #tpu.memory_space<hbm>>) target(%dma_start3A_136 : memref<128x64xf32, #tpu.memory_space<vmem>>) offsets(%dma_start3A_139 : memref<128xi32, #tpu.memory_space<vmem>>) semaphore(%arg17 : memref<!tpu.dma_semaphore, #tpu.memory_space<semaphore_mem>>)
        } else {
        }
        %dma_wait3A = arith.constant 0 : i32
        %dma_wait3A_51 = arith.constant 0 : i32
        %dma_wait3A_52 = arith.constant 0 : i32
        %dma_wait3A_53 = tpu.memref_slice %arg12[%dma_wait3A, %dma_wait3A_51, %dma_wait3A_52] : memref<2x128x64xf32, #tpu.memory_space<vmem>> -> memref<1x128x64xf32, #tpu.memory_space<vmem>>
        %dma_wait3A_54 = tpu.memref_squeeze %dma_wait3A_53 : memref<1x128x64xf32, #tpu.memory_space<vmem>> -> memref<128x64xf32, #tpu.memory_space<vmem>>
        %dma_wait3A_55 = arith.constant 0 : i32
        %dma_wait3A_56 = tpu.memref_slice %arg10[%add3A_44, %dma_wait3A_55] : memref<56x128xi32, #tpu.memory_space<vmem>> -> memref<1x128xi32, #tpu.memory_space<vmem>>
        %dma_wait3A_57 = tpu.memref_squeeze %dma_wait3A_56 : memref<1x128xi32, #tpu.memory_space<vmem>> -> memref<128xi32, #tpu.memory_space<vmem>>
        %dma_wait3A_58 = arith.constant 0 : i32
        %dma_wait3A_59 = arith.constant 0 : i32
        %dma_wait3A_60 = tpu.memref_slice %arg2[%dma_wait3A_58, %dma_wait3A_59] : memref<10000x64xf32, #tpu.memory_space<hbm>> -> memref<10000x64xf32, #tpu.memory_space<hbm>>
        tpu.wait_indirect_dma semaphore(%arg16 : memref<!tpu.dma_semaphore, #tpu.memory_space<semaphore_mem>>) src(%dma_wait3A_60 : memref<10000x64xf32, #tpu.memory_space<hbm>>) dst(%dma_wait3A_54 : memref<128x64xf32, #tpu.memory_space<vmem>>)
        %add3A_61 = arith.addi %mul3A_10, %add3A_44 : i32
        %dma_wait3A_62 = arith.constant 0 : i32
        %dma_wait3A_63 = arith.constant 0 : i32
        %dma_wait3A_64 = tpu.memref_slice %arg11[%dma_wait3A_62, %dma_wait3A_63] : memref<2x128xi32, #tpu.memory_space<vmem>> -> memref<1x128xi32, #tpu.memory_space<vmem>>
        %dma_wait3A_65 = tpu.memref_squeeze %dma_wait3A_64 : memref<1x128xi32, #tpu.memory_space<vmem>> -> memref<128xi32, #tpu.memory_space<vmem>>
        %dma_wait3A_66 = arith.constant 0 : i32
        %dma_wait3A_67 = tpu.memref_slice %arg4[%add3A_61, %dma_wait3A_66] : memref<1280x128xi32, #tpu.memory_space<hbm>> -> memref<1x128xi32, #tpu.memory_space<hbm>>
        %dma_wait3A_68 = tpu.memref_squeeze %dma_wait3A_67 : memref<1x128xi32, #tpu.memory_space<hbm>> -> memref<128xi32, #tpu.memory_space<hbm>>
        %dma_wait3A_69 = arith.constant 0 : i32
        %dma_wait3A_70 = tpu.memref_slice %arg11[%dma_wait3A_62, %dma_wait3A_69] : memref<2x128xi32, #tpu.memory_space<vmem>> -> memref<1x128xi32, #tpu.memory_space<vmem>>
        %dma_wait3A_71 = tpu.memref_squeeze %dma_wait3A_70 : memref<1x128xi32, #tpu.memory_space<vmem>> -> memref<128xi32, #tpu.memory_space<vmem>>
        %dma_wait3A_72 = arith.constant 0 : i32
        %dma_wait3A_73 = tpu.memref_slice %arg4[%add3A_61, %dma_wait3A_72] : memref<1280x128xi32, #tpu.memory_space<hbm>> -> memref<1x128xi32, #tpu.memory_space<hbm>>
        %dma_wait3A_74 = tpu.memref_squeeze %dma_wait3A_73 : memref<1x128xi32, #tpu.memory_space<hbm>> -> memref<128xi32, #tpu.memory_space<hbm>>
        tpu.wait_dma2 semaphore(%arg18 : memref<!tpu.dma_semaphore, #tpu.memory_space<semaphore_mem>>) src(%dma_wait3A_74 : memref<128xi32, #tpu.memory_space<hbm>>) dst(%dma_wait3A_71 : memref<128xi32, #tpu.memory_space<vmem>>)
        %run_scoped3A = arith.constant 0 : i32
        %run_scoped3A_75 = arith.constant 0 : i32
        "tpu.region"() ({
          %run_scoped3A_114 = tpu.sem_alloc : memref<!tpu.dma_semaphore, #tpu.memory_space<semaphore_mem>>
          %dma_start3A_115 = arith.constant 0 : i32
          %dma_start3A_116 = arith.constant 0 : i32
          %dma_start3A_117 = tpu.memref_slice %arg12[%run_scoped3A, %dma_start3A_115, %dma_start3A_116] : memref<2x128x64xf32, #tpu.memory_space<vmem>> -> memref<1x128x64xf32, #tpu.memory_space<vmem>>
          %dma_start3A_118 = tpu.memref_squeeze %dma_start3A_117 : memref<1x128x64xf32, #tpu.memory_space<vmem>> -> memref<128x64xf32, #tpu.memory_space<vmem>>
          %dma_start3A_119 = arith.constant 0 : i32
          %dma_start3A_120 = tpu.memref_slice %arg11[%run_scoped3A_75, %dma_start3A_119] : memref<2x128xi32, #tpu.memory_space<vmem>> -> memref<1x128xi32, #tpu.memory_space<vmem>>
          %dma_start3A_121 = tpu.memref_squeeze %dma_start3A_120 : memref<1x128xi32, #tpu.memory_space<vmem>> -> memref<128xi32, #tpu.memory_space<vmem>>
          %dma_start3A_122 = arith.constant 0 : i32
          %dma_start3A_123 = arith.constant 0 : i32
          %dma_start3A_124 = tpu.memref_slice %arg14[%dma_start3A_122, %dma_start3A_123] : memref<2176x64xf32, #tpu.memory_space<vmem_shared>> -> memref<2176x64xf32, #tpu.memory_space<vmem_shared>>
          tpu.enqueue_indirect_dma source(%dma_start3A_118 : memref<128x64xf32, #tpu.memory_space<vmem>>) target(%dma_start3A_124 : memref<2176x64xf32, #tpu.memory_space<vmem_shared>>) offsets(%dma_start3A_121 : memref<128xi32, #tpu.memory_space<vmem>>) semaphore(%run_scoped3A_114 : memref<!tpu.dma_semaphore, #tpu.memory_space<semaphore_mem>>) {add = true}
          %dma_wait3A_125 = arith.constant 0 : i32
          %dma_wait3A_126 = arith.constant 0 : i32
          %dma_wait3A_127 = tpu.memref_slice %arg12[%run_scoped3A, %dma_wait3A_125, %dma_wait3A_126] : memref<2x128x64xf32, #tpu.memory_space<vmem>> -> memref<1x128x64xf32, #tpu.memory_space<vmem>>
          %dma_wait3A_128 = tpu.memref_squeeze %dma_wait3A_127 : memref<1x128x64xf32, #tpu.memory_space<vmem>> -> memref<128x64xf32, #tpu.memory_space<vmem>>
          %dma_wait3A_129 = arith.constant 0 : i32
          %dma_wait3A_130 = tpu.memref_slice %arg11[%run_scoped3A_75, %dma_wait3A_129] : memref<2x128xi32, #tpu.memory_space<vmem>> -> memref<1x128xi32, #tpu.memory_space<vmem>>
          %dma_wait3A_131 = tpu.memref_squeeze %dma_wait3A_130 : memref<1x128xi32, #tpu.memory_space<vmem>> -> memref<128xi32, #tpu.memory_space<vmem>>
          %dma_wait3A_132 = arith.constant 0 : i32
          %dma_wait3A_133 = arith.constant 0 : i32
          %dma_wait3A_134 = tpu.memref_slice %arg14[%dma_wait3A_132, %dma_wait3A_133] : memref<2176x64xf32, #tpu.memory_space<vmem_shared>> -> memref<2176x64xf32, #tpu.memory_space<vmem_shared>>
          tpu.wait_indirect_dma semaphore(%run_scoped3A_114 : memref<!tpu.dma_semaphore, #tpu.memory_space<semaphore_mem>>) src(%dma_wait3A_128 : memref<128x64xf32, #tpu.memory_space<vmem>>) dst(%dma_wait3A_134 : memref<2176x64xf32, #tpu.memory_space<vmem_shared>>)
          tpu.yield
        }) : () -> ()
        %run_scoped3A_76 = arith.constant 0 : i32
        "tpu.region"() ({
          %run_scoped3A_114 = tpu.sem_alloc : memref<!tpu.dma_semaphore, #tpu.memory_space<semaphore_mem>>
          %dma_start3A_115 = arith.constant 0 : i32
          %dma_start3A_116 = tpu.memref_slice %arg11[%run_scoped3A_76, %dma_start3A_115] : memref<2x128xi32, #tpu.memory_space<vmem>> -> memref<1x128xi32, #tpu.memory_space<vmem>>
          %dma_start3A_117 = tpu.memref_squeeze %dma_start3A_116 : memref<1x128xi32, #tpu.memory_space<vmem>> -> memref<128xi32, #tpu.memory_space<vmem>>
          %dma_start3A_118 = arith.constant 0 : i32
          %dma_start3A_119 = arith.constant 0 : i32
          %dma_start3A_120 = tpu.memref_slice %arg15[%dma_start3A_118, %dma_start3A_119] : memref<2176x16xf32, #tpu.memory_space<vmem_shared>> -> memref<2176x16xf32, #tpu.memory_space<vmem_shared>>
          tpu.enqueue_indirect_dma source(%arg13 : memref<128x16xf32, #tpu.memory_space<vmem>>) target(%dma_start3A_120 : memref<2176x16xf32, #tpu.memory_space<vmem_shared>>) offsets(%dma_start3A_117 : memref<128xi32, #tpu.memory_space<vmem>>) semaphore(%run_scoped3A_114 : memref<!tpu.dma_semaphore, #tpu.memory_space<semaphore_mem>>) {add = true}
          %dma_wait3A_121 = arith.constant 0 : i32
          %dma_wait3A_122 = tpu.memref_slice %arg11[%run_scoped3A_76, %dma_wait3A_121] : memref<2x128xi32, #tpu.memory_space<vmem>> -> memref<1x128xi32, #tpu.memory_space<vmem>>
          %dma_wait3A_123 = tpu.memref_squeeze %dma_wait3A_122 : memref<1x128xi32, #tpu.memory_space<vmem>> -> memref<128xi32, #tpu.memory_space<vmem>>
          %dma_wait3A_124 = arith.constant 0 : i32
          %dma_wait3A_125 = arith.constant 0 : i32
          %dma_wait3A_126 = tpu.memref_slice %arg15[%dma_wait3A_124, %dma_wait3A_125] : memref<2176x16xf32, #tpu.memory_space<vmem_shared>> -> memref<2176x16xf32, #tpu.memory_space<vmem_shared>>
          tpu.wait_indirect_dma semaphore(%run_scoped3A_114 : memref<!tpu.dma_semaphore, #tpu.memory_space<semaphore_mem>>) src(%arg13 : memref<128x16xf32, #tpu.memory_space<vmem>>) dst(%dma_wait3A_126 : memref<2176x16xf32, #tpu.memory_space<vmem_shared>>)
          tpu.yield
        }) : () -> ()
        %add3A_77 = arith.constant 1 : i32
        %add3A_78 = arith.addi %add3A_42, %add3A_77 : i32
        %add3A_79 = arith.constant 1 : i32
        %add3A_80 = arith.addi %add3A_78, %add3A_79 : i32
        %lt3A_81 = arith.constant 56 : i32
        %lt3A_82 = arith.cmpi slt, %add3A_80, %lt3A_81 : i32
        %convert_element_type3A_83 = arith.extui %lt3A_82 : i1 to i32
        %cond3A_84 = arith.constant 0 : i32
        %cond3A_85 = arith.cmpi ne, %convert_element_type3A_83, %cond3A_84 : i32
        scf.if %cond3A_85 {
          %add3A_114 = arith.addi %mul3A_10, %add3A_78 : i32
          %add3A_115 = arith.constant 1 : i32
          %add3A_116 = arith.addi %add3A_114, %add3A_115 : i32
          %dma_start3A_117 = arith.constant 0 : i32
          %dma_start3A_118 = arith.constant 0 : i32
          %dma_start3A_119 = tpu.memref_slice %arg11[%dma_start3A_117, %dma_start3A_118] : memref<2x128xi32, #tpu.memory_space<vmem>> -> memref<1x128xi32, #tpu.memory_space<vmem>>
          %dma_start3A_120 = tpu.memref_squeeze %dma_start3A_119 : memref<1x128xi32, #tpu.memory_space<vmem>> -> memref<128xi32, #tpu.memory_space<vmem>>
          %dma_start3A_121 = arith.constant 0 : i32
          %dma_start3A_122 = tpu.memref_slice %arg4[%add3A_116, %dma_start3A_121] : memref<1280x128xi32, #tpu.memory_space<hbm>> -> memref<1x128xi32, #tpu.memory_space<hbm>>
          %dma_start3A_123 = tpu.memref_squeeze %dma_start3A_122 : memref<1x128xi32, #tpu.memory_space<hbm>> -> memref<128xi32, #tpu.memory_space<hbm>>
          %dma_start3A_124 = arith.constant 0 : i32
          %dma_start3A_125 = tpu.memref_slice %arg11[%dma_start3A_117, %dma_start3A_124] : memref<2x128xi32, #tpu.memory_space<vmem>> -> memref<1x128xi32, #tpu.memory_space<vmem>>
          %dma_start3A_126 = tpu.memref_squeeze %dma_start3A_125 : memref<1x128xi32, #tpu.memory_space<vmem>> -> memref<128xi32, #tpu.memory_space<vmem>>
          %dma_start3A_127 = arith.constant 0 : i32
          %dma_start3A_128 = tpu.memref_slice %arg4[%add3A_116, %dma_start3A_127] : memref<1280x128xi32, #tpu.memory_space<hbm>> -> memref<1x128xi32, #tpu.memory_space<hbm>>
          %dma_start3A_129 = tpu.memref_squeeze %dma_start3A_128 : memref<1x128xi32, #tpu.memory_space<hbm>> -> memref<128xi32, #tpu.memory_space<hbm>>
          tpu.enqueue_dma source(%dma_start3A_129 : memref<128xi32, #tpu.memory_space<hbm>>) target(%dma_start3A_126 : memref<128xi32, #tpu.memory_space<vmem>>) target_semaphore(%arg18 : memref<!tpu.dma_semaphore, #tpu.memory_space<semaphore_mem>>)
          %add3A_130 = arith.constant 1 : i32
          %add3A_131 = arith.addi %add3A_78, %add3A_130 : i32
          %dma_start3A_132 = arith.constant 0 : i32
          %dma_start3A_133 = arith.constant 0 : i32
          %dma_start3A_134 = arith.constant 0 : i32
          %dma_start3A_135 = tpu.memref_slice %arg12[%dma_start3A_132, %dma_start3A_133, %dma_start3A_134] : memref<2x128x64xf32, #tpu.memory_space<vmem>> -> memref<1x128x64xf32, #tpu.memory_space<vmem>>
          %dma_start3A_136 = tpu.memref_squeeze %dma_start3A_135 : memref<1x128x64xf32, #tpu.memory_space<vmem>> -> memref<128x64xf32, #tpu.memory_space<vmem>>
          %dma_start3A_137 = arith.constant 0 : i32
          %dma_start3A_138 = tpu.memref_slice %arg10[%add3A_131, %dma_start3A_137] : memref<56x128xi32, #tpu.memory_space<vmem>> -> memref<1x128xi32, #tpu.memory_space<vmem>>
          %dma_start3A_139 = tpu.memref_squeeze %dma_start3A_138 : memref<1x128xi32, #tpu.memory_space<vmem>> -> memref<128xi32, #tpu.memory_space<vmem>>
          %dma_start3A_140 = arith.constant 0 : i32
          %dma_start3A_141 = arith.constant 0 : i32
          %dma_start3A_142 = tpu.memref_slice %arg2[%dma_start3A_140, %dma_start3A_141] : memref<10000x64xf32, #tpu.memory_space<hbm>> -> memref<10000x64xf32, #tpu.memory_space<hbm>>
          tpu.enqueue_indirect_dma source(%dma_start3A_142 : memref<10000x64xf32, #tpu.memory_space<hbm>>) target(%dma_start3A_136 : memref<128x64xf32, #tpu.memory_space<vmem>>) offsets(%dma_start3A_139 : memref<128xi32, #tpu.memory_space<vmem>>) semaphore(%arg16 : memref<!tpu.dma_semaphore, #tpu.memory_space<semaphore_mem>>)
        } else {
        }
        %dma_wait3A_86 = arith.constant 1 : i32
        %dma_wait3A_87 = arith.constant 0 : i32
        %dma_wait3A_88 = arith.constant 0 : i32
        %dma_wait3A_89 = tpu.memref_slice %arg12[%dma_wait3A_86, %dma_wait3A_87, %dma_wait3A_88] : memref<2x128x64xf32, #tpu.memory_space<vmem>> -> memref<1x128x64xf32, #tpu.memory_space<vmem>>
        %dma_wait3A_90 = tpu.memref_squeeze %dma_wait3A_89 : memref<1x128x64xf32, #tpu.memory_space<vmem>> -> memref<128x64xf32, #tpu.memory_space<vmem>>
        %dma_wait3A_91 = arith.constant 0 : i32
        %dma_wait3A_92 = tpu.memref_slice %arg10[%add3A_78, %dma_wait3A_91] : memref<56x128xi32, #tpu.memory_space<vmem>> -> memref<1x128xi32, #tpu.memory_space<vmem>>
        %dma_wait3A_93 = tpu.memref_squeeze %dma_wait3A_92 : memref<1x128xi32, #tpu.memory_space<vmem>> -> memref<128xi32, #tpu.memory_space<vmem>>
        %dma_wait3A_94 = arith.constant 0 : i32
        %dma_wait3A_95 = arith.constant 0 : i32
        %dma_wait3A_96 = tpu.memref_slice %arg2[%dma_wait3A_94, %dma_wait3A_95] : memref<10000x64xf32, #tpu.memory_space<hbm>> -> memref<10000x64xf32, #tpu.memory_space<hbm>>
        tpu.wait_indirect_dma semaphore(%arg17 : memref<!tpu.dma_semaphore, #tpu.memory_space<semaphore_mem>>) src(%dma_wait3A_96 : memref<10000x64xf32, #tpu.memory_space<hbm>>) dst(%dma_wait3A_90 : memref<128x64xf32, #tpu.memory_space<vmem>>)
        %add3A_97 = arith.addi %mul3A_10, %add3A_78 : i32
        %dma_wait3A_98 = arith.constant 1 : i32
        %dma_wait3A_99 = arith.constant 0 : i32
        %dma_wait3A_100 = tpu.memref_slice %arg11[%dma_wait3A_98, %dma_wait3A_99] : memref<2x128xi32, #tpu.memory_space<vmem>> -> memref<1x128xi32, #tpu.memory_space<vmem>>
        %dma_wait3A_101 = tpu.memref_squeeze %dma_wait3A_100 : memref<1x128xi32, #tpu.memory_space<vmem>> -> memref<128xi32, #tpu.memory_space<vmem>>
        %dma_wait3A_102 = arith.constant 0 : i32
        %dma_wait3A_103 = tpu.memref_slice %arg4[%add3A_97, %dma_wait3A_102] : memref<1280x128xi32, #tpu.memory_space<hbm>> -> memref<1x128xi32, #tpu.memory_space<hbm>>
        %dma_wait3A_104 = tpu.memref_squeeze %dma_wait3A_103 : memref<1x128xi32, #tpu.memory_space<hbm>> -> memref<128xi32, #tpu.memory_space<hbm>>
        %dma_wait3A_105 = arith.constant 0 : i32
        %dma_wait3A_106 = tpu.memref_slice %arg11[%dma_wait3A_98, %dma_wait3A_105] : memref<2x128xi32, #tpu.memory_space<vmem>> -> memref<1x128xi32, #tpu.memory_space<vmem>>
        %dma_wait3A_107 = tpu.memref_squeeze %dma_wait3A_106 : memref<1x128xi32, #tpu.memory_space<vmem>> -> memref<128xi32, #tpu.memory_space<vmem>>
        %dma_wait3A_108 = arith.constant 0 : i32
        %dma_wait3A_109 = tpu.memref_slice %arg4[%add3A_97, %dma_wait3A_108] : memref<1280x128xi32, #tpu.memory_space<hbm>> -> memref<1x128xi32, #tpu.memory_space<hbm>>
        %dma_wait3A_110 = tpu.memref_squeeze %dma_wait3A_109 : memref<1x128xi32, #tpu.memory_space<hbm>> -> memref<128xi32, #tpu.memory_space<hbm>>
        tpu.wait_dma2 semaphore(%arg19 : memref<!tpu.dma_semaphore, #tpu.memory_space<semaphore_mem>>) src(%dma_wait3A_110 : memref<128xi32, #tpu.memory_space<hbm>>) dst(%dma_wait3A_107 : memref<128xi32, #tpu.memory_space<vmem>>)
        %run_scoped3A_111 = arith.constant 1 : i32
        %run_scoped3A_112 = arith.constant 1 : i32
        "tpu.region"() ({
          %run_scoped3A_114 = tpu.sem_alloc : memref<!tpu.dma_semaphore, #tpu.memory_space<semaphore_mem>>
          %dma_start3A_115 = arith.constant 0 : i32
          %dma_start3A_116 = arith.constant 0 : i32
          %dma_start3A_117 = tpu.memref_slice %arg12[%run_scoped3A_111, %dma_start3A_115, %dma_start3A_116] : memref<2x128x64xf32, #tpu.memory_space<vmem>> -> memref<1x128x64xf32, #tpu.memory_space<vmem>>
          %dma_start3A_118 = tpu.memref_squeeze %dma_start3A_117 : memref<1x128x64xf32, #tpu.memory_space<vmem>> -> memref<128x64xf32, #tpu.memory_space<vmem>>
          %dma_start3A_119 = arith.constant 0 : i32
          %dma_start3A_120 = tpu.memref_slice %arg11[%run_scoped3A_112, %dma_start3A_119] : memref<2x128xi32, #tpu.memory_space<vmem>> -> memref<1x128xi32, #tpu.memory_space<vmem>>
          %dma_start3A_121 = tpu.memref_squeeze %dma_start3A_120 : memref<1x128xi32, #tpu.memory_space<vmem>> -> memref<128xi32, #tpu.memory_space<vmem>>
          %dma_start3A_122 = arith.constant 0 : i32
          %dma_start3A_123 = arith.constant 0 : i32
          %dma_start3A_124 = tpu.memref_slice %arg14[%dma_start3A_122, %dma_start3A_123] : memref<2176x64xf32, #tpu.memory_space<vmem_shared>> -> memref<2176x64xf32, #tpu.memory_space<vmem_shared>>
          tpu.enqueue_indirect_dma source(%dma_start3A_118 : memref<128x64xf32, #tpu.memory_space<vmem>>) target(%dma_start3A_124 : memref<2176x64xf32, #tpu.memory_space<vmem_shared>>) offsets(%dma_start3A_121 : memref<128xi32, #tpu.memory_space<vmem>>) semaphore(%run_scoped3A_114 : memref<!tpu.dma_semaphore, #tpu.memory_space<semaphore_mem>>) {add = true}
          %dma_wait3A_125 = arith.constant 0 : i32
          %dma_wait3A_126 = arith.constant 0 : i32
          %dma_wait3A_127 = tpu.memref_slice %arg12[%run_scoped3A_111, %dma_wait3A_125, %dma_wait3A_126] : memref<2x128x64xf32, #tpu.memory_space<vmem>> -> memref<1x128x64xf32, #tpu.memory_space<vmem>>
          %dma_wait3A_128 = tpu.memref_squeeze %dma_wait3A_127 : memref<1x128x64xf32, #tpu.memory_space<vmem>> -> memref<128x64xf32, #tpu.memory_space<vmem>>
          %dma_wait3A_129 = arith.constant 0 : i32
          %dma_wait3A_130 = tpu.memref_slice %arg11[%run_scoped3A_112, %dma_wait3A_129] : memref<2x128xi32, #tpu.memory_space<vmem>> -> memref<1x128xi32, #tpu.memory_space<vmem>>
          %dma_wait3A_131 = tpu.memref_squeeze %dma_wait3A_130 : memref<1x128xi32, #tpu.memory_space<vmem>> -> memref<128xi32, #tpu.memory_space<vmem>>
          %dma_wait3A_132 = arith.constant 0 : i32
          %dma_wait3A_133 = arith.constant 0 : i32
          %dma_wait3A_134 = tpu.memref_slice %arg14[%dma_wait3A_132, %dma_wait3A_133] : memref<2176x64xf32, #tpu.memory_space<vmem_shared>> -> memref<2176x64xf32, #tpu.memory_space<vmem_shared>>
          tpu.wait_indirect_dma semaphore(%run_scoped3A_114 : memref<!tpu.dma_semaphore, #tpu.memory_space<semaphore_mem>>) src(%dma_wait3A_128 : memref<128x64xf32, #tpu.memory_space<vmem>>) dst(%dma_wait3A_134 : memref<2176x64xf32, #tpu.memory_space<vmem_shared>>)
          tpu.yield
        }) : () -> ()
        %run_scoped3A_113 = arith.constant 1 : i32
        "tpu.region"() ({
          %run_scoped3A_114 = tpu.sem_alloc : memref<!tpu.dma_semaphore, #tpu.memory_space<semaphore_mem>>
          %dma_start3A_115 = arith.constant 0 : i32
          %dma_start3A_116 = tpu.memref_slice %arg11[%run_scoped3A_113, %dma_start3A_115] : memref<2x128xi32, #tpu.memory_space<vmem>> -> memref<1x128xi32, #tpu.memory_space<vmem>>
          %dma_start3A_117 = tpu.memref_squeeze %dma_start3A_116 : memref<1x128xi32, #tpu.memory_space<vmem>> -> memref<128xi32, #tpu.memory_space<vmem>>
          %dma_start3A_118 = arith.constant 0 : i32
          %dma_start3A_119 = arith.constant 0 : i32
          %dma_start3A_120 = tpu.memref_slice %arg15[%dma_start3A_118, %dma_start3A_119] : memref<2176x16xf32, #tpu.memory_space<vmem_shared>> -> memref<2176x16xf32, #tpu.memory_space<vmem_shared>>
          tpu.enqueue_indirect_dma source(%arg13 : memref<128x16xf32, #tpu.memory_space<vmem>>) target(%dma_start3A_120 : memref<2176x16xf32, #tpu.memory_space<vmem_shared>>) offsets(%dma_start3A_117 : memref<128xi32, #tpu.memory_space<vmem>>) semaphore(%run_scoped3A_114 : memref<!tpu.dma_semaphore, #tpu.memory_space<semaphore_mem>>) {add = true}
          %dma_wait3A_121 = arith.constant 0 : i32
          %dma_wait3A_122 = tpu.memref_slice %arg11[%run_scoped3A_113, %dma_wait3A_121] : memref<2x128xi32, #tpu.memory_space<vmem>> -> memref<1x128xi32, #tpu.memory_space<vmem>>
          %dma_wait3A_123 = tpu.memref_squeeze %dma_wait3A_122 : memref<1x128xi32, #tpu.memory_space<vmem>> -> memref<128xi32, #tpu.memory_space<vmem>>
          %dma_wait3A_124 = arith.constant 0 : i32
          %dma_wait3A_125 = arith.constant 0 : i32
          %dma_wait3A_126 = tpu.memref_slice %arg15[%dma_wait3A_124, %dma_wait3A_125] : memref<2176x16xf32, #tpu.memory_space<vmem_shared>> -> memref<2176x16xf32, #tpu.memory_space<vmem_shared>>
          tpu.wait_indirect_dma semaphore(%run_scoped3A_114 : memref<!tpu.dma_semaphore, #tpu.memory_space<semaphore_mem>>) src(%arg13 : memref<128x16xf32, #tpu.memory_space<vmem>>) dst(%dma_wait3A_126 : memref<2176x16xf32, #tpu.memory_space<vmem_shared>>)
          tpu.yield
        }) : () -> ()
      }
      %scan3A_38 = arith.constant 28 : i32
    } else {
    }
    %eq3A_3 = arith.constant 1 : i32
    %eq3A_4 = arith.cmpi eq, %arg0, %eq3A_3 : i32
    %convert_element_type3A_5 = arith.extui %eq3A_4 : i1 to i32
    %cond3A_6 = arith.constant 0 : i32
    %cond3A_7 = arith.cmpi ne, %convert_element_type3A_5, %cond3A_6 : i32
    scf.if %cond3A_7 {
      %mul3A_9 = arith.constant 24 : i32
      %mul3A_10 = arith.muli %arg1, %mul3A_9 : i32
      %add3A = arith.constant 896 : i32
      %add3A_11 = arith.addi %add3A, %mul3A_10 : i32
      "tpu.region"() ({
        %run_scoped3A = tpu.sem_alloc : memref<!tpu.dma_semaphore, #tpu.memory_space<semaphore_mem>>
        %dma_start3A_40 = arith.constant 0 : i32
        %dma_start3A_41 = arith.constant 0 : i32
        %dma_start3A_42 = tpu.memref_slice %arg10[%dma_start3A_40, %dma_start3A_41] : memref<56x128xi32, #tpu.memory_space<vmem>> -> memref<24x128xi32, #tpu.memory_space<vmem>>
        %dma_start3A_43 = arith.constant 0 : i32
        %dma_start3A_44 = tpu.memref_slice %arg3[%add3A_11, %dma_start3A_43] : memref<1280x128xi32, #tpu.memory_space<hbm>> -> memref<24x128xi32, #tpu.memory_space<hbm>>
        %dma_start3A_45 = arith.constant 0 : i32
        %dma_start3A_46 = arith.constant 0 : i32
        %dma_start3A_47 = tpu.memref_slice %arg10[%dma_start3A_45, %dma_start3A_46] : memref<56x128xi32, #tpu.memory_space<vmem>> -> memref<24x128xi32, #tpu.memory_space<vmem>>
        %dma_start3A_48 = arith.constant 0 : i32
        %dma_start3A_49 = tpu.memref_slice %arg3[%add3A_11, %dma_start3A_48] : memref<1280x128xi32, #tpu.memory_space<hbm>> -> memref<24x128xi32, #tpu.memory_space<hbm>>
        tpu.enqueue_dma source(%dma_start3A_49 : memref<24x128xi32, #tpu.memory_space<hbm>>) target(%dma_start3A_47 : memref<24x128xi32, #tpu.memory_space<vmem>>) target_semaphore(%run_scoped3A : memref<!tpu.dma_semaphore, #tpu.memory_space<semaphore_mem>>)
        %dma_wait3A = arith.constant 0 : i32
        %dma_wait3A_50 = arith.constant 0 : i32
        %dma_wait3A_51 = tpu.memref_slice %arg10[%dma_wait3A, %dma_wait3A_50] : memref<56x128xi32, #tpu.memory_space<vmem>> -> memref<24x128xi32, #tpu.memory_space<vmem>>
        %dma_wait3A_52 = arith.constant 0 : i32
        %dma_wait3A_53 = tpu.memref_slice %arg3[%add3A_11, %dma_wait3A_52] : memref<1280x128xi32, #tpu.memory_space<hbm>> -> memref<24x128xi32, #tpu.memory_space<hbm>>
        %dma_wait3A_54 = arith.constant 0 : i32
        %dma_wait3A_55 = arith.constant 0 : i32
        %dma_wait3A_56 = tpu.memref_slice %arg10[%dma_wait3A_54, %dma_wait3A_55] : memref<56x128xi32, #tpu.memory_space<vmem>> -> memref<24x128xi32, #tpu.memory_space<vmem>>
        %dma_wait3A_57 = arith.constant 0 : i32
        %dma_wait3A_58 = tpu.memref_slice %arg3[%add3A_11, %dma_wait3A_57] : memref<1280x128xi32, #tpu.memory_space<hbm>> -> memref<24x128xi32, #tpu.memory_space<hbm>>
        tpu.wait_dma2 semaphore(%run_scoped3A : memref<!tpu.dma_semaphore, #tpu.memory_space<semaphore_mem>>) src(%dma_wait3A_58 : memref<24x128xi32, #tpu.memory_space<hbm>>) dst(%dma_wait3A_56 : memref<24x128xi32, #tpu.memory_space<vmem>>)
        tpu.yield
      }) : () -> ()
      %dma_start3A = arith.constant 0 : i32
      %dma_start3A_12 = arith.constant 0 : i32
      %dma_start3A_13 = tpu.memref_slice %arg11[%dma_start3A, %dma_start3A_12] : memref<2x128xi32, #tpu.memory_space<vmem>> -> memref<1x128xi32, #tpu.memory_space<vmem>>
      %dma_start3A_14 = tpu.memref_squeeze %dma_start3A_13 : memref<1x128xi32, #tpu.memory_space<vmem>> -> memref<128xi32, #tpu.memory_space<vmem>>
      %dma_start3A_15 = arith.constant 0 : i32
      %dma_start3A_16 = tpu.memref_slice %arg4[%add3A_11, %dma_start3A_15] : memref<1280x128xi32, #tpu.memory_space<hbm>> -> memref<1x128xi32, #tpu.memory_space<hbm>>
      %dma_start3A_17 = tpu.memref_squeeze %dma_start3A_16 : memref<1x128xi32, #tpu.memory_space<hbm>> -> memref<128xi32, #tpu.memory_space<hbm>>
      %dma_start3A_18 = arith.constant 0 : i32
      %dma_start3A_19 = tpu.memref_slice %arg11[%dma_start3A, %dma_start3A_18] : memref<2x128xi32, #tpu.memory_space<vmem>> -> memref<1x128xi32, #tpu.memory_space<vmem>>
      %dma_start3A_20 = tpu.memref_squeeze %dma_start3A_19 : memref<1x128xi32, #tpu.memory_space<vmem>> -> memref<128xi32, #tpu.memory_space<vmem>>
      %dma_start3A_21 = arith.constant 0 : i32
      %dma_start3A_22 = tpu.memref_slice %arg4[%add3A_11, %dma_start3A_21] : memref<1280x128xi32, #tpu.memory_space<hbm>> -> memref<1x128xi32, #tpu.memory_space<hbm>>
      %dma_start3A_23 = tpu.memref_squeeze %dma_start3A_22 : memref<1x128xi32, #tpu.memory_space<hbm>> -> memref<128xi32, #tpu.memory_space<hbm>>
      tpu.enqueue_dma source(%dma_start3A_23 : memref<128xi32, #tpu.memory_space<hbm>>) target(%dma_start3A_20 : memref<128xi32, #tpu.memory_space<vmem>>) target_semaphore(%arg18 : memref<!tpu.dma_semaphore, #tpu.memory_space<semaphore_mem>>)
      %dma_start3A_24 = arith.constant 0 : i32
      %dma_start3A_25 = arith.constant 0 : i32
      %dma_start3A_26 = arith.constant 0 : i32
      %dma_start3A_27 = arith.constant 0 : i32
      %dma_start3A_28 = tpu.memref_slice %arg12[%dma_start3A_25, %dma_start3A_26, %dma_start3A_27] : memref<2x128x64xf32, #tpu.memory_space<vmem>> -> memref<1x128x64xf32, #tpu.memory_space<vmem>>
      %dma_start3A_29 = tpu.memref_squeeze %dma_start3A_28 : memref<1x128x64xf32, #tpu.memory_space<vmem>> -> memref<128x64xf32, #tpu.memory_space<vmem>>
      %dma_start3A_30 = arith.constant 0 : i32
      %dma_start3A_31 = tpu.memref_slice %arg10[%dma_start3A_24, %dma_start3A_30] : memref<56x128xi32, #tpu.memory_space<vmem>> -> memref<1x128xi32, #tpu.memory_space<vmem>>
      %dma_start3A_32 = tpu.memref_squeeze %dma_start3A_31 : memref<1x128xi32, #tpu.memory_space<vmem>> -> memref<128xi32, #tpu.memory_space<vmem>>
      %dma_start3A_33 = arith.constant 0 : i32
      %dma_start3A_34 = arith.constant 0 : i32
      %dma_start3A_35 = tpu.memref_slice %arg2[%dma_start3A_33, %dma_start3A_34] : memref<10000x64xf32, #tpu.memory_space<hbm>> -> memref<10000x64xf32, #tpu.memory_space<hbm>>
      tpu.enqueue_indirect_dma source(%dma_start3A_35 : memref<10000x64xf32, #tpu.memory_space<hbm>>) target(%dma_start3A_29 : memref<128x64xf32, #tpu.memory_space<vmem>>) offsets(%dma_start3A_32 : memref<128xi32, #tpu.memory_space<vmem>>) semaphore(%arg16 : memref<!tpu.dma_semaphore, #tpu.memory_space<semaphore_mem>>)
      %scan3A = arith.constant 0 : i32
      %scan3A_36 = arith.constant 12 : i32
      %scan3A_37 = arith.addi %scan3A, %scan3A_36 : i32
      %scan3A_38 = arith.constant 1 : i32
      scf.for %scan3A_40 = %scan3A to %scan3A_37 step %scan3A_38  : i32 {
        %mul3A_41 = arith.constant 2 : i32
        %mul3A_42 = arith.muli %scan3A_40, %mul3A_41 : i32
        %add3A_43 = arith.constant 0 : i32
        %add3A_44 = arith.addi %add3A_43, %mul3A_42 : i32
        %add3A_45 = arith.constant 0 : i32
        %add3A_46 = arith.addi %add3A_44, %add3A_45 : i32
        %add3A_47 = arith.constant 1 : i32
        %add3A_48 = arith.addi %add3A_46, %add3A_47 : i32
        %lt3A = arith.constant 24 : i32
        %lt3A_49 = arith.cmpi slt, %add3A_48, %lt3A : i32
        %convert_element_type3A_50 = arith.extui %lt3A_49 : i1 to i32
        %cond3A_51 = arith.constant 0 : i32
        %cond3A_52 = arith.cmpi ne, %convert_element_type3A_50, %cond3A_51 : i32
        scf.if %cond3A_52 {
          %add3A_116 = arith.addi %add3A_11, %add3A_46 : i32
          %add3A_117 = arith.constant 1 : i32
          %add3A_118 = arith.addi %add3A_116, %add3A_117 : i32
          %dma_start3A_119 = arith.constant 1 : i32
          %dma_start3A_120 = arith.constant 0 : i32
          %dma_start3A_121 = tpu.memref_slice %arg11[%dma_start3A_119, %dma_start3A_120] : memref<2x128xi32, #tpu.memory_space<vmem>> -> memref<1x128xi32, #tpu.memory_space<vmem>>
          %dma_start3A_122 = tpu.memref_squeeze %dma_start3A_121 : memref<1x128xi32, #tpu.memory_space<vmem>> -> memref<128xi32, #tpu.memory_space<vmem>>
          %dma_start3A_123 = arith.constant 0 : i32
          %dma_start3A_124 = tpu.memref_slice %arg4[%add3A_118, %dma_start3A_123] : memref<1280x128xi32, #tpu.memory_space<hbm>> -> memref<1x128xi32, #tpu.memory_space<hbm>>
          %dma_start3A_125 = tpu.memref_squeeze %dma_start3A_124 : memref<1x128xi32, #tpu.memory_space<hbm>> -> memref<128xi32, #tpu.memory_space<hbm>>
          %dma_start3A_126 = arith.constant 0 : i32
          %dma_start3A_127 = tpu.memref_slice %arg11[%dma_start3A_119, %dma_start3A_126] : memref<2x128xi32, #tpu.memory_space<vmem>> -> memref<1x128xi32, #tpu.memory_space<vmem>>
          %dma_start3A_128 = tpu.memref_squeeze %dma_start3A_127 : memref<1x128xi32, #tpu.memory_space<vmem>> -> memref<128xi32, #tpu.memory_space<vmem>>
          %dma_start3A_129 = arith.constant 0 : i32
          %dma_start3A_130 = tpu.memref_slice %arg4[%add3A_118, %dma_start3A_129] : memref<1280x128xi32, #tpu.memory_space<hbm>> -> memref<1x128xi32, #tpu.memory_space<hbm>>
          %dma_start3A_131 = tpu.memref_squeeze %dma_start3A_130 : memref<1x128xi32, #tpu.memory_space<hbm>> -> memref<128xi32, #tpu.memory_space<hbm>>
          tpu.enqueue_dma source(%dma_start3A_131 : memref<128xi32, #tpu.memory_space<hbm>>) target(%dma_start3A_128 : memref<128xi32, #tpu.memory_space<vmem>>) target_semaphore(%arg19 : memref<!tpu.dma_semaphore, #tpu.memory_space<semaphore_mem>>)
          %add3A_132 = arith.constant 1 : i32
          %add3A_133 = arith.addi %add3A_46, %add3A_132 : i32
          %dma_start3A_134 = arith.constant 1 : i32
          %dma_start3A_135 = arith.constant 0 : i32
          %dma_start3A_136 = arith.constant 0 : i32
          %dma_start3A_137 = tpu.memref_slice %arg12[%dma_start3A_134, %dma_start3A_135, %dma_start3A_136] : memref<2x128x64xf32, #tpu.memory_space<vmem>> -> memref<1x128x64xf32, #tpu.memory_space<vmem>>
          %dma_start3A_138 = tpu.memref_squeeze %dma_start3A_137 : memref<1x128x64xf32, #tpu.memory_space<vmem>> -> memref<128x64xf32, #tpu.memory_space<vmem>>
          %dma_start3A_139 = arith.constant 0 : i32
          %dma_start3A_140 = tpu.memref_slice %arg10[%add3A_133, %dma_start3A_139] : memref<56x128xi32, #tpu.memory_space<vmem>> -> memref<1x128xi32, #tpu.memory_space<vmem>>
          %dma_start3A_141 = tpu.memref_squeeze %dma_start3A_140 : memref<1x128xi32, #tpu.memory_space<vmem>> -> memref<128xi32, #tpu.memory_space<vmem>>
          %dma_start3A_142 = arith.constant 0 : i32
          %dma_start3A_143 = arith.constant 0 : i32
          %dma_start3A_144 = tpu.memref_slice %arg2[%dma_start3A_142, %dma_start3A_143] : memref<10000x64xf32, #tpu.memory_space<hbm>> -> memref<10000x64xf32, #tpu.memory_space<hbm>>
          tpu.enqueue_indirect_dma source(%dma_start3A_144 : memref<10000x64xf32, #tpu.memory_space<hbm>>) target(%dma_start3A_138 : memref<128x64xf32, #tpu.memory_space<vmem>>) offsets(%dma_start3A_141 : memref<128xi32, #tpu.memory_space<vmem>>) semaphore(%arg17 : memref<!tpu.dma_semaphore, #tpu.memory_space<semaphore_mem>>)
        } else {
        }
        %dma_wait3A = arith.constant 0 : i32
        %dma_wait3A_53 = arith.constant 0 : i32
        %dma_wait3A_54 = arith.constant 0 : i32
        %dma_wait3A_55 = tpu.memref_slice %arg12[%dma_wait3A, %dma_wait3A_53, %dma_wait3A_54] : memref<2x128x64xf32, #tpu.memory_space<vmem>> -> memref<1x128x64xf32, #tpu.memory_space<vmem>>
        %dma_wait3A_56 = tpu.memref_squeeze %dma_wait3A_55 : memref<1x128x64xf32, #tpu.memory_space<vmem>> -> memref<128x64xf32, #tpu.memory_space<vmem>>
        %dma_wait3A_57 = arith.constant 0 : i32
        %dma_wait3A_58 = tpu.memref_slice %arg10[%add3A_46, %dma_wait3A_57] : memref<56x128xi32, #tpu.memory_space<vmem>> -> memref<1x128xi32, #tpu.memory_space<vmem>>
        %dma_wait3A_59 = tpu.memref_squeeze %dma_wait3A_58 : memref<1x128xi32, #tpu.memory_space<vmem>> -> memref<128xi32, #tpu.memory_space<vmem>>
        %dma_wait3A_60 = arith.constant 0 : i32
        %dma_wait3A_61 = arith.constant 0 : i32
        %dma_wait3A_62 = tpu.memref_slice %arg2[%dma_wait3A_60, %dma_wait3A_61] : memref<10000x64xf32, #tpu.memory_space<hbm>> -> memref<10000x64xf32, #tpu.memory_space<hbm>>
        tpu.wait_indirect_dma semaphore(%arg16 : memref<!tpu.dma_semaphore, #tpu.memory_space<semaphore_mem>>) src(%dma_wait3A_62 : memref<10000x64xf32, #tpu.memory_space<hbm>>) dst(%dma_wait3A_56 : memref<128x64xf32, #tpu.memory_space<vmem>>)
        %add3A_63 = arith.addi %add3A_11, %add3A_46 : i32
        %dma_wait3A_64 = arith.constant 0 : i32
        %dma_wait3A_65 = arith.constant 0 : i32
        %dma_wait3A_66 = tpu.memref_slice %arg11[%dma_wait3A_64, %dma_wait3A_65] : memref<2x128xi32, #tpu.memory_space<vmem>> -> memref<1x128xi32, #tpu.memory_space<vmem>>
        %dma_wait3A_67 = tpu.memref_squeeze %dma_wait3A_66 : memref<1x128xi32, #tpu.memory_space<vmem>> -> memref<128xi32, #tpu.memory_space<vmem>>
        %dma_wait3A_68 = arith.constant 0 : i32
        %dma_wait3A_69 = tpu.memref_slice %arg4[%add3A_63, %dma_wait3A_68] : memref<1280x128xi32, #tpu.memory_space<hbm>> -> memref<1x128xi32, #tpu.memory_space<hbm>>
        %dma_wait3A_70 = tpu.memref_squeeze %dma_wait3A_69 : memref<1x128xi32, #tpu.memory_space<hbm>> -> memref<128xi32, #tpu.memory_space<hbm>>
        %dma_wait3A_71 = arith.constant 0 : i32
        %dma_wait3A_72 = tpu.memref_slice %arg11[%dma_wait3A_64, %dma_wait3A_71] : memref<2x128xi32, #tpu.memory_space<vmem>> -> memref<1x128xi32, #tpu.memory_space<vmem>>
        %dma_wait3A_73 = tpu.memref_squeeze %dma_wait3A_72 : memref<1x128xi32, #tpu.memory_space<vmem>> -> memref<128xi32, #tpu.memory_space<vmem>>
        %dma_wait3A_74 = arith.constant 0 : i32
        %dma_wait3A_75 = tpu.memref_slice %arg4[%add3A_63, %dma_wait3A_74] : memref<1280x128xi32, #tpu.memory_space<hbm>> -> memref<1x128xi32, #tpu.memory_space<hbm>>
        %dma_wait3A_76 = tpu.memref_squeeze %dma_wait3A_75 : memref<1x128xi32, #tpu.memory_space<hbm>> -> memref<128xi32, #tpu.memory_space<hbm>>
        tpu.wait_dma2 semaphore(%arg18 : memref<!tpu.dma_semaphore, #tpu.memory_space<semaphore_mem>>) src(%dma_wait3A_76 : memref<128xi32, #tpu.memory_space<hbm>>) dst(%dma_wait3A_73 : memref<128xi32, #tpu.memory_space<vmem>>)
        %run_scoped3A = arith.constant 0 : i32
        %run_scoped3A_77 = arith.constant 0 : i32
        "tpu.region"() ({
          %run_scoped3A_116 = tpu.sem_alloc : memref<!tpu.dma_semaphore, #tpu.memory_space<semaphore_mem>>
          %dma_start3A_117 = arith.constant 0 : i32
          %dma_start3A_118 = arith.constant 0 : i32
          %dma_start3A_119 = tpu.memref_slice %arg12[%run_scoped3A, %dma_start3A_117, %dma_start3A_118] : memref<2x128x64xf32, #tpu.memory_space<vmem>> -> memref<1x128x64xf32, #tpu.memory_space<vmem>>
          %dma_start3A_120 = tpu.memref_squeeze %dma_start3A_119 : memref<1x128x64xf32, #tpu.memory_space<vmem>> -> memref<128x64xf32, #tpu.memory_space<vmem>>
          %dma_start3A_121 = arith.constant 0 : i32
          %dma_start3A_122 = tpu.memref_slice %arg11[%run_scoped3A_77, %dma_start3A_121] : memref<2x128xi32, #tpu.memory_space<vmem>> -> memref<1x128xi32, #tpu.memory_space<vmem>>
          %dma_start3A_123 = tpu.memref_squeeze %dma_start3A_122 : memref<1x128xi32, #tpu.memory_space<vmem>> -> memref<128xi32, #tpu.memory_space<vmem>>
          %dma_start3A_124 = arith.constant 0 : i32
          %dma_start3A_125 = arith.constant 0 : i32
          %dma_start3A_126 = tpu.memref_slice %arg14[%dma_start3A_124, %dma_start3A_125] : memref<2176x64xf32, #tpu.memory_space<vmem_shared>> -> memref<2176x64xf32, #tpu.memory_space<vmem_shared>>
          tpu.enqueue_indirect_dma source(%dma_start3A_120 : memref<128x64xf32, #tpu.memory_space<vmem>>) target(%dma_start3A_126 : memref<2176x64xf32, #tpu.memory_space<vmem_shared>>) offsets(%dma_start3A_123 : memref<128xi32, #tpu.memory_space<vmem>>) semaphore(%run_scoped3A_116 : memref<!tpu.dma_semaphore, #tpu.memory_space<semaphore_mem>>) {add = true}
          %dma_wait3A_127 = arith.constant 0 : i32
          %dma_wait3A_128 = arith.constant 0 : i32
          %dma_wait3A_129 = tpu.memref_slice %arg12[%run_scoped3A, %dma_wait3A_127, %dma_wait3A_128] : memref<2x128x64xf32, #tpu.memory_space<vmem>> -> memref<1x128x64xf32, #tpu.memory_space<vmem>>
          %dma_wait3A_130 = tpu.memref_squeeze %dma_wait3A_129 : memref<1x128x64xf32, #tpu.memory_space<vmem>> -> memref<128x64xf32, #tpu.memory_space<vmem>>
          %dma_wait3A_131 = arith.constant 0 : i32
          %dma_wait3A_132 = tpu.memref_slice %arg11[%run_scoped3A_77, %dma_wait3A_131] : memref<2x128xi32, #tpu.memory_space<vmem>> -> memref<1x128xi32, #tpu.memory_space<vmem>>
          %dma_wait3A_133 = tpu.memref_squeeze %dma_wait3A_132 : memref<1x128xi32, #tpu.memory_space<vmem>> -> memref<128xi32, #tpu.memory_space<vmem>>
          %dma_wait3A_134 = arith.constant 0 : i32
          %dma_wait3A_135 = arith.constant 0 : i32
          %dma_wait3A_136 = tpu.memref_slice %arg14[%dma_wait3A_134, %dma_wait3A_135] : memref<2176x64xf32, #tpu.memory_space<vmem_shared>> -> memref<2176x64xf32, #tpu.memory_space<vmem_shared>>
          tpu.wait_indirect_dma semaphore(%run_scoped3A_116 : memref<!tpu.dma_semaphore, #tpu.memory_space<semaphore_mem>>) src(%dma_wait3A_130 : memref<128x64xf32, #tpu.memory_space<vmem>>) dst(%dma_wait3A_136 : memref<2176x64xf32, #tpu.memory_space<vmem_shared>>)
          tpu.yield
        }) : () -> ()
        %run_scoped3A_78 = arith.constant 0 : i32
        "tpu.region"() ({
          %run_scoped3A_116 = tpu.sem_alloc : memref<!tpu.dma_semaphore, #tpu.memory_space<semaphore_mem>>
          %dma_start3A_117 = arith.constant 0 : i32
          %dma_start3A_118 = tpu.memref_slice %arg11[%run_scoped3A_78, %dma_start3A_117] : memref<2x128xi32, #tpu.memory_space<vmem>> -> memref<1x128xi32, #tpu.memory_space<vmem>>
          %dma_start3A_119 = tpu.memref_squeeze %dma_start3A_118 : memref<1x128xi32, #tpu.memory_space<vmem>> -> memref<128xi32, #tpu.memory_space<vmem>>
          %dma_start3A_120 = arith.constant 0 : i32
          %dma_start3A_121 = arith.constant 0 : i32
          %dma_start3A_122 = tpu.memref_slice %arg15[%dma_start3A_120, %dma_start3A_121] : memref<2176x16xf32, #tpu.memory_space<vmem_shared>> -> memref<2176x16xf32, #tpu.memory_space<vmem_shared>>
          tpu.enqueue_indirect_dma source(%arg13 : memref<128x16xf32, #tpu.memory_space<vmem>>) target(%dma_start3A_122 : memref<2176x16xf32, #tpu.memory_space<vmem_shared>>) offsets(%dma_start3A_119 : memref<128xi32, #tpu.memory_space<vmem>>) semaphore(%run_scoped3A_116 : memref<!tpu.dma_semaphore, #tpu.memory_space<semaphore_mem>>) {add = true}
          %dma_wait3A_123 = arith.constant 0 : i32
          %dma_wait3A_124 = tpu.memref_slice %arg11[%run_scoped3A_78, %dma_wait3A_123] : memref<2x128xi32, #tpu.memory_space<vmem>> -> memref<1x128xi32, #tpu.memory_space<vmem>>
          %dma_wait3A_125 = tpu.memref_squeeze %dma_wait3A_124 : memref<1x128xi32, #tpu.memory_space<vmem>> -> memref<128xi32, #tpu.memory_space<vmem>>
          %dma_wait3A_126 = arith.constant 0 : i32
          %dma_wait3A_127 = arith.constant 0 : i32
          %dma_wait3A_128 = tpu.memref_slice %arg15[%dma_wait3A_126, %dma_wait3A_127] : memref<2176x16xf32, #tpu.memory_space<vmem_shared>> -> memref<2176x16xf32, #tpu.memory_space<vmem_shared>>
          tpu.wait_indirect_dma semaphore(%run_scoped3A_116 : memref<!tpu.dma_semaphore, #tpu.memory_space<semaphore_mem>>) src(%arg13 : memref<128x16xf32, #tpu.memory_space<vmem>>) dst(%dma_wait3A_128 : memref<2176x16xf32, #tpu.memory_space<vmem_shared>>)
          tpu.yield
        }) : () -> ()
        %add3A_79 = arith.constant 1 : i32
        %add3A_80 = arith.addi %add3A_44, %add3A_79 : i32
        %add3A_81 = arith.constant 1 : i32
        %add3A_82 = arith.addi %add3A_80, %add3A_81 : i32
        %lt3A_83 = arith.constant 24 : i32
        %lt3A_84 = arith.cmpi slt, %add3A_82, %lt3A_83 : i32
        %convert_element_type3A_85 = arith.extui %lt3A_84 : i1 to i32
        %cond3A_86 = arith.constant 0 : i32
        %cond3A_87 = arith.cmpi ne, %convert_element_type3A_85, %cond3A_86 : i32
        scf.if %cond3A_87 {
          %add3A_116 = arith.addi %add3A_11, %add3A_80 : i32
          %add3A_117 = arith.constant 1 : i32
          %add3A_118 = arith.addi %add3A_116, %add3A_117 : i32
          %dma_start3A_119 = arith.constant 0 : i32
          %dma_start3A_120 = arith.constant 0 : i32
          %dma_start3A_121 = tpu.memref_slice %arg11[%dma_start3A_119, %dma_start3A_120] : memref<2x128xi32, #tpu.memory_space<vmem>> -> memref<1x128xi32, #tpu.memory_space<vmem>>
          %dma_start3A_122 = tpu.memref_squeeze %dma_start3A_121 : memref<1x128xi32, #tpu.memory_space<vmem>> -> memref<128xi32, #tpu.memory_space<vmem>>
          %dma_start3A_123 = arith.constant 0 : i32
          %dma_start3A_124 = tpu.memref_slice %arg4[%add3A_118, %dma_start3A_123] : memref<1280x128xi32, #tpu.memory_space<hbm>> -> memref<1x128xi32, #tpu.memory_space<hbm>>
          %dma_start3A_125 = tpu.memref_squeeze %dma_start3A_124 : memref<1x128xi32, #tpu.memory_space<hbm>> -> memref<128xi32, #tpu.memory_space<hbm>>
          %dma_start3A_126 = arith.constant 0 : i32
          %dma_start3A_127 = tpu.memref_slice %arg11[%dma_start3A_119, %dma_start3A_126] : memref<2x128xi32, #tpu.memory_space<vmem>> -> memref<1x128xi32, #tpu.memory_space<vmem>>
          %dma_start3A_128 = tpu.memref_squeeze %dma_start3A_127 : memref<1x128xi32, #tpu.memory_space<vmem>> -> memref<128xi32, #tpu.memory_space<vmem>>
          %dma_start3A_129 = arith.constant 0 : i32
          %dma_start3A_130 = tpu.memref_slice %arg4[%add3A_118, %dma_start3A_129] : memref<1280x128xi32, #tpu.memory_space<hbm>> -> memref<1x128xi32, #tpu.memory_space<hbm>>
          %dma_start3A_131 = tpu.memref_squeeze %dma_start3A_130 : memref<1x128xi32, #tpu.memory_space<hbm>> -> memref<128xi32, #tpu.memory_space<hbm>>
          tpu.enqueue_dma source(%dma_start3A_131 : memref<128xi32, #tpu.memory_space<hbm>>) target(%dma_start3A_128 : memref<128xi32, #tpu.memory_space<vmem>>) target_semaphore(%arg18 : memref<!tpu.dma_semaphore, #tpu.memory_space<semaphore_mem>>)
          %add3A_132 = arith.constant 1 : i32
          %add3A_133 = arith.addi %add3A_80, %add3A_132 : i32
          %dma_start3A_134 = arith.constant 0 : i32
          %dma_start3A_135 = arith.constant 0 : i32
          %dma_start3A_136 = arith.constant 0 : i32
          %dma_start3A_137 = tpu.memref_slice %arg12[%dma_start3A_134, %dma_start3A_135, %dma_start3A_136] : memref<2x128x64xf32, #tpu.memory_space<vmem>> -> memref<1x128x64xf32, #tpu.memory_space<vmem>>
          %dma_start3A_138 = tpu.memref_squeeze %dma_start3A_137 : memref<1x128x64xf32, #tpu.memory_space<vmem>> -> memref<128x64xf32, #tpu.memory_space<vmem>>
          %dma_start3A_139 = arith.constant 0 : i32
          %dma_start3A_140 = tpu.memref_slice %arg10[%add3A_133, %dma_start3A_139] : memref<56x128xi32, #tpu.memory_space<vmem>> -> memref<1x128xi32, #tpu.memory_space<vmem>>
          %dma_start3A_141 = tpu.memref_squeeze %dma_start3A_140 : memref<1x128xi32, #tpu.memory_space<vmem>> -> memref<128xi32, #tpu.memory_space<vmem>>
          %dma_start3A_142 = arith.constant 0 : i32
          %dma_start3A_143 = arith.constant 0 : i32
          %dma_start3A_144 = tpu.memref_slice %arg2[%dma_start3A_142, %dma_start3A_143] : memref<10000x64xf32, #tpu.memory_space<hbm>> -> memref<10000x64xf32, #tpu.memory_space<hbm>>
          tpu.enqueue_indirect_dma source(%dma_start3A_144 : memref<10000x64xf32, #tpu.memory_space<hbm>>) target(%dma_start3A_138 : memref<128x64xf32, #tpu.memory_space<vmem>>) offsets(%dma_start3A_141 : memref<128xi32, #tpu.memory_space<vmem>>) semaphore(%arg16 : memref<!tpu.dma_semaphore, #tpu.memory_space<semaphore_mem>>)
        } else {
        }
        %dma_wait3A_88 = arith.constant 1 : i32
        %dma_wait3A_89 = arith.constant 0 : i32
        %dma_wait3A_90 = arith.constant 0 : i32
        %dma_wait3A_91 = tpu.memref_slice %arg12[%dma_wait3A_88, %dma_wait3A_89, %dma_wait3A_90] : memref<2x128x64xf32, #tpu.memory_space<vmem>> -> memref<1x128x64xf32, #tpu.memory_space<vmem>>
        %dma_wait3A_92 = tpu.memref_squeeze %dma_wait3A_91 : memref<1x128x64xf32, #tpu.memory_space<vmem>> -> memref<128x64xf32, #tpu.memory_space<vmem>>
        %dma_wait3A_93 = arith.constant 0 : i32
        %dma_wait3A_94 = tpu.memref_slice %arg10[%add3A_80, %dma_wait3A_93] : memref<56x128xi32, #tpu.memory_space<vmem>> -> memref<1x128xi32, #tpu.memory_space<vmem>>
        %dma_wait3A_95 = tpu.memref_squeeze %dma_wait3A_94 : memref<1x128xi32, #tpu.memory_space<vmem>> -> memref<128xi32, #tpu.memory_space<vmem>>
        %dma_wait3A_96 = arith.constant 0 : i32
        %dma_wait3A_97 = arith.constant 0 : i32
        %dma_wait3A_98 = tpu.memref_slice %arg2[%dma_wait3A_96, %dma_wait3A_97] : memref<10000x64xf32, #tpu.memory_space<hbm>> -> memref<10000x64xf32, #tpu.memory_space<hbm>>
        tpu.wait_indirect_dma semaphore(%arg17 : memref<!tpu.dma_semaphore, #tpu.memory_space<semaphore_mem>>) src(%dma_wait3A_98 : memref<10000x64xf32, #tpu.memory_space<hbm>>) dst(%dma_wait3A_92 : memref<128x64xf32, #tpu.memory_space<vmem>>)
        %add3A_99 = arith.addi %add3A_11, %add3A_80 : i32
        %dma_wait3A_100 = arith.constant 1 : i32
        %dma_wait3A_101 = arith.constant 0 : i32
        %dma_wait3A_102 = tpu.memref_slice %arg11[%dma_wait3A_100, %dma_wait3A_101] : memref<2x128xi32, #tpu.memory_space<vmem>> -> memref<1x128xi32, #tpu.memory_space<vmem>>
        %dma_wait3A_103 = tpu.memref_squeeze %dma_wait3A_102 : memref<1x128xi32, #tpu.memory_space<vmem>> -> memref<128xi32, #tpu.memory_space<vmem>>
        %dma_wait3A_104 = arith.constant 0 : i32
        %dma_wait3A_105 = tpu.memref_slice %arg4[%add3A_99, %dma_wait3A_104] : memref<1280x128xi32, #tpu.memory_space<hbm>> -> memref<1x128xi32, #tpu.memory_space<hbm>>
        %dma_wait3A_106 = tpu.memref_squeeze %dma_wait3A_105 : memref<1x128xi32, #tpu.memory_space<hbm>> -> memref<128xi32, #tpu.memory_space<hbm>>
        %dma_wait3A_107 = arith.constant 0 : i32
        %dma_wait3A_108 = tpu.memref_slice %arg11[%dma_wait3A_100, %dma_wait3A_107] : memref<2x128xi32, #tpu.memory_space<vmem>> -> memref<1x128xi32, #tpu.memory_space<vmem>>
        %dma_wait3A_109 = tpu.memref_squeeze %dma_wait3A_108 : memref<1x128xi32, #tpu.memory_space<vmem>> -> memref<128xi32, #tpu.memory_space<vmem>>
        %dma_wait3A_110 = arith.constant 0 : i32
        %dma_wait3A_111 = tpu.memref_slice %arg4[%add3A_99, %dma_wait3A_110] : memref<1280x128xi32, #tpu.memory_space<hbm>> -> memref<1x128xi32, #tpu.memory_space<hbm>>
        %dma_wait3A_112 = tpu.memref_squeeze %dma_wait3A_111 : memref<1x128xi32, #tpu.memory_space<hbm>> -> memref<128xi32, #tpu.memory_space<hbm>>
        tpu.wait_dma2 semaphore(%arg19 : memref<!tpu.dma_semaphore, #tpu.memory_space<semaphore_mem>>) src(%dma_wait3A_112 : memref<128xi32, #tpu.memory_space<hbm>>) dst(%dma_wait3A_109 : memref<128xi32, #tpu.memory_space<vmem>>)
        %run_scoped3A_113 = arith.constant 1 : i32
        %run_scoped3A_114 = arith.constant 1 : i32
        "tpu.region"() ({
          %run_scoped3A_116 = tpu.sem_alloc : memref<!tpu.dma_semaphore, #tpu.memory_space<semaphore_mem>>
          %dma_start3A_117 = arith.constant 0 : i32
          %dma_start3A_118 = arith.constant 0 : i32
          %dma_start3A_119 = tpu.memref_slice %arg12[%run_scoped3A_113, %dma_start3A_117, %dma_start3A_118] : memref<2x128x64xf32, #tpu.memory_space<vmem>> -> memref<1x128x64xf32, #tpu.memory_space<vmem>>
          %dma_start3A_120 = tpu.memref_squeeze %dma_start3A_119 : memref<1x128x64xf32, #tpu.memory_space<vmem>> -> memref<128x64xf32, #tpu.memory_space<vmem>>
          %dma_start3A_121 = arith.constant 0 : i32
          %dma_start3A_122 = tpu.memref_slice %arg11[%run_scoped3A_114, %dma_start3A_121] : memref<2x128xi32, #tpu.memory_space<vmem>> -> memref<1x128xi32, #tpu.memory_space<vmem>>
          %dma_start3A_123 = tpu.memref_squeeze %dma_start3A_122 : memref<1x128xi32, #tpu.memory_space<vmem>> -> memref<128xi32, #tpu.memory_space<vmem>>
          %dma_start3A_124 = arith.constant 0 : i32
          %dma_start3A_125 = arith.constant 0 : i32
          %dma_start3A_126 = tpu.memref_slice %arg14[%dma_start3A_124, %dma_start3A_125] : memref<2176x64xf32, #tpu.memory_space<vmem_shared>> -> memref<2176x64xf32, #tpu.memory_space<vmem_shared>>
          tpu.enqueue_indirect_dma source(%dma_start3A_120 : memref<128x64xf32, #tpu.memory_space<vmem>>) target(%dma_start3A_126 : memref<2176x64xf32, #tpu.memory_space<vmem_shared>>) offsets(%dma_start3A_123 : memref<128xi32, #tpu.memory_space<vmem>>) semaphore(%run_scoped3A_116 : memref<!tpu.dma_semaphore, #tpu.memory_space<semaphore_mem>>) {add = true}
          %dma_wait3A_127 = arith.constant 0 : i32
          %dma_wait3A_128 = arith.constant 0 : i32
          %dma_wait3A_129 = tpu.memref_slice %arg12[%run_scoped3A_113, %dma_wait3A_127, %dma_wait3A_128] : memref<2x128x64xf32, #tpu.memory_space<vmem>> -> memref<1x128x64xf32, #tpu.memory_space<vmem>>
          %dma_wait3A_130 = tpu.memref_squeeze %dma_wait3A_129 : memref<1x128x64xf32, #tpu.memory_space<vmem>> -> memref<128x64xf32, #tpu.memory_space<vmem>>
          %dma_wait3A_131 = arith.constant 0 : i32
          %dma_wait3A_132 = tpu.memref_slice %arg11[%run_scoped3A_114, %dma_wait3A_131] : memref<2x128xi32, #tpu.memory_space<vmem>> -> memref<1x128xi32, #tpu.memory_space<vmem>>
          %dma_wait3A_133 = tpu.memref_squeeze %dma_wait3A_132 : memref<1x128xi32, #tpu.memory_space<vmem>> -> memref<128xi32, #tpu.memory_space<vmem>>
          %dma_wait3A_134 = arith.constant 0 : i32
          %dma_wait3A_135 = arith.constant 0 : i32
          %dma_wait3A_136 = tpu.memref_slice %arg14[%dma_wait3A_134, %dma_wait3A_135] : memref<2176x64xf32, #tpu.memory_space<vmem_shared>> -> memref<2176x64xf32, #tpu.memory_space<vmem_shared>>
          tpu.wait_indirect_dma semaphore(%run_scoped3A_116 : memref<!tpu.dma_semaphore, #tpu.memory_space<semaphore_mem>>) src(%dma_wait3A_130 : memref<128x64xf32, #tpu.memory_space<vmem>>) dst(%dma_wait3A_136 : memref<2176x64xf32, #tpu.memory_space<vmem_shared>>)
          tpu.yield
        }) : () -> ()
        %run_scoped3A_115 = arith.constant 1 : i32
        "tpu.region"() ({
          %run_scoped3A_116 = tpu.sem_alloc : memref<!tpu.dma_semaphore, #tpu.memory_space<semaphore_mem>>
          %dma_start3A_117 = arith.constant 0 : i32
          %dma_start3A_118 = tpu.memref_slice %arg11[%run_scoped3A_115, %dma_start3A_117] : memref<2x128xi32, #tpu.memory_space<vmem>> -> memref<1x128xi32, #tpu.memory_space<vmem>>
          %dma_start3A_119 = tpu.memref_squeeze %dma_start3A_118 : memref<1x128xi32, #tpu.memory_space<vmem>> -> memref<128xi32, #tpu.memory_space<vmem>>
          %dma_start3A_120 = arith.constant 0 : i32
          %dma_start3A_121 = arith.constant 0 : i32
          %dma_start3A_122 = tpu.memref_slice %arg15[%dma_start3A_120, %dma_start3A_121] : memref<2176x16xf32, #tpu.memory_space<vmem_shared>> -> memref<2176x16xf32, #tpu.memory_space<vmem_shared>>
          tpu.enqueue_indirect_dma source(%arg13 : memref<128x16xf32, #tpu.memory_space<vmem>>) target(%dma_start3A_122 : memref<2176x16xf32, #tpu.memory_space<vmem_shared>>) offsets(%dma_start3A_119 : memref<128xi32, #tpu.memory_space<vmem>>) semaphore(%run_scoped3A_116 : memref<!tpu.dma_semaphore, #tpu.memory_space<semaphore_mem>>) {add = true}
          %dma_wait3A_123 = arith.constant 0 : i32
          %dma_wait3A_124 = tpu.memref_slice %arg11[%run_scoped3A_115, %dma_wait3A_123] : memref<2x128xi32, #tpu.memory_space<vmem>> -> memref<1x128xi32, #tpu.memory_space<vmem>>
          %dma_wait3A_125 = tpu.memref_squeeze %dma_wait3A_124 : memref<1x128xi32, #tpu.memory_space<vmem>> -> memref<128xi32, #tpu.memory_space<vmem>>
          %dma_wait3A_126 = arith.constant 0 : i32
          %dma_wait3A_127 = arith.constant 0 : i32
          %dma_wait3A_128 = tpu.memref_slice %arg15[%dma_wait3A_126, %dma_wait3A_127] : memref<2176x16xf32, #tpu.memory_space<vmem_shared>> -> memref<2176x16xf32, #tpu.memory_space<vmem_shared>>
          tpu.wait_indirect_dma semaphore(%run_scoped3A_116 : memref<!tpu.dma_semaphore, #tpu.memory_space<semaphore_mem>>) src(%arg13 : memref<128x16xf32, #tpu.memory_space<vmem>>) dst(%dma_wait3A_128 : memref<2176x16xf32, #tpu.memory_space<vmem_shared>>)
          tpu.yield
        }) : () -> ()
      }
      %scan3A_39 = arith.constant 12 : i32
    } else {
    }
    %barrier3A_8 = arith.constant 0 : index
    tpu.barrier barrier_id(%barrier3A_8)
    "tpu.region"() ({
      %run_scoped3A = tpu.sem_alloc : memref<!tpu.dma_semaphore, #tpu.memory_space<semaphore_mem>>
      %dma_start3A = arith.constant 0 : i32
      %dma_start3A_9 = tpu.memref_slice %arg8[%arg0, %mul3A_0, %dma_start3A] : memref<2x2176x64xf32, #tpu.memory_space<hbm>> -> memref<1x136x64xf32, #tpu.memory_space<hbm>>
      %dma_start3A_10 = tpu.memref_squeeze %dma_start3A_9 : memref<1x136x64xf32, #tpu.memory_space<hbm>> -> memref<136x64xf32, #tpu.memory_space<hbm>>
      %dma_start3A_11 = arith.constant 0 : i32
      %dma_start3A_12 = tpu.memref_slice %arg14[%mul3A_0, %dma_start3A_11] : memref<2176x64xf32, #tpu.memory_space<vmem_shared>> -> memref<136x64xf32, #tpu.memory_space<vmem_shared>>
      tpu.enqueue_dma source(%dma_start3A_12 : memref<136x64xf32, #tpu.memory_space<vmem_shared>>) target(%dma_start3A_10 : memref<136x64xf32, #tpu.memory_space<hbm>>) target_semaphore(%run_scoped3A : memref<!tpu.dma_semaphore, #tpu.memory_space<semaphore_mem>>)
      %dma_wait3A = arith.constant 0 : i32
      %dma_wait3A_13 = tpu.memref_slice %arg8[%arg0, %mul3A_0, %dma_wait3A] : memref<2x2176x64xf32, #tpu.memory_space<hbm>> -> memref<1x136x64xf32, #tpu.memory_space<hbm>>
      %dma_wait3A_14 = tpu.memref_squeeze %dma_wait3A_13 : memref<1x136x64xf32, #tpu.memory_space<hbm>> -> memref<136x64xf32, #tpu.memory_space<hbm>>
      %dma_wait3A_15 = arith.constant 0 : i32
      %dma_wait3A_16 = tpu.memref_slice %arg14[%mul3A_0, %dma_wait3A_15] : memref<2176x64xf32, #tpu.memory_space<vmem_shared>> -> memref<136x64xf32, #tpu.memory_space<vmem_shared>>
      tpu.wait_dma2 semaphore(%run_scoped3A : memref<!tpu.dma_semaphore, #tpu.memory_space<semaphore_mem>>) src(%dma_wait3A_16 : memref<136x64xf32, #tpu.memory_space<vmem_shared>>) dst(%dma_wait3A_14 : memref<136x64xf32, #tpu.memory_space<hbm>>)
      tpu.yield
    }) : () -> ()
    "tpu.region"() ({
      %run_scoped3A = tpu.sem_alloc : memref<!tpu.dma_semaphore, #tpu.memory_space<semaphore_mem>>
      %dma_start3A = arith.constant 0 : i32
      %dma_start3A_9 = tpu.memref_slice %arg9[%arg0, %mul3A_0, %dma_start3A] : memref<2x2176x16xf32, #tpu.memory_space<hbm>> -> memref<1x136x16xf32, #tpu.memory_space<hbm>>
      %dma_start3A_10 = tpu.memref_squeeze %dma_start3A_9 : memref<1x136x16xf32, #tpu.memory_space<hbm>> -> memref<136x16xf32, #tpu.memory_space<hbm>>
      %dma_start3A_11 = arith.constant 0 : i32
      %dma_start3A_12 = tpu.memref_slice %arg15[%mul3A_0, %dma_start3A_11] : memref<2176x16xf32, #tpu.memory_space<vmem_shared>> -> memref<136x16xf32, #tpu.memory_space<vmem_shared>>
      tpu.enqueue_dma source(%dma_start3A_12 : memref<136x16xf32, #tpu.memory_space<vmem_shared>>) target(%dma_start3A_10 : memref<136x16xf32, #tpu.memory_space<hbm>>) target_semaphore(%run_scoped3A : memref<!tpu.dma_semaphore, #tpu.memory_space<semaphore_mem>>)
      %dma_wait3A = arith.constant 0 : i32
      %dma_wait3A_13 = tpu.memref_slice %arg9[%arg0, %mul3A_0, %dma_wait3A] : memref<2x2176x16xf32, #tpu.memory_space<hbm>> -> memref<1x136x16xf32, #tpu.memory_space<hbm>>
      %dma_wait3A_14 = tpu.memref_squeeze %dma_wait3A_13 : memref<1x136x16xf32, #tpu.memory_space<hbm>> -> memref<136x16xf32, #tpu.memory_space<hbm>>
      %dma_wait3A_15 = arith.constant 0 : i32
      %dma_wait3A_16 = tpu.memref_slice %arg15[%mul3A_0, %dma_wait3A_15] : memref<2176x16xf32, #tpu.memory_space<vmem_shared>> -> memref<136x16xf32, #tpu.memory_space<vmem_shared>>
      tpu.wait_dma2 semaphore(%run_scoped3A : memref<!tpu.dma_semaphore, #tpu.memory_space<semaphore_mem>>) src(%dma_wait3A_16 : memref<136x16xf32, #tpu.memory_space<vmem_shared>>) dst(%dma_wait3A_14 : memref<136x16xf32, #tpu.memory_space<hbm>>)
      tpu.yield
    }) : () -> ()
    return
  }
}

#map = affine_map<(d0, d1) -> (0, 0)>
#map1 = affine_map<(d0, d1) -> (0, 0, 0)>
module attributes {stable_mosaic.version = 14 : i64} {
  func.func @ker(%arg0: i32, %arg1: i32, %arg2: memref<50000x64xf32, #tpu.memory_space<hbm>>, %arg3: memref<6400x128xi32, #tpu.memory_space<hbm>>, %arg4: memref<6400x128xi32, #tpu.memory_space<hbm>>, %arg5: memref<10112x64xf32, #tpu.memory_space<hbm>>, %arg6: memref<10112x16xf32, #tpu.memory_space<hbm>>, %arg7: memref<128x16xf32, #tpu.memory_space<hbm>>, %arg8: memref<2x10112x64xf32, #tpu.memory_space<hbm>>, %arg9: memref<2x10112x16xf32, #tpu.memory_space<hbm>>, %arg10: memref<280x128xi32, #tpu.memory_space<vmem>>, %arg11: memref<2x128xi32, #tpu.memory_space<vmem>>, %arg12: memref<2x128x64xf32, #tpu.memory_space<vmem>>, %arg13: memref<128x16xf32, #tpu.memory_space<vmem>>, %arg14: memref<10112x64xf32, #tpu.memory_space<vmem_shared>>, %arg15: memref<10112x16xf32, #tpu.memory_space<vmem_shared>>, %arg16: memref<!tpu.dma_semaphore, #tpu.memory_space<semaphore_mem>>, %arg17: memref<!tpu.dma_semaphore, #tpu.memory_space<semaphore_mem>>, %arg18: memref<!tpu.dma_semaphore, #tpu.memory_space<semaphore_mem>>, %arg19: memref<!tpu.dma_semaphore, #tpu.memory_space<semaphore_mem>>) attributes {dimension_semantics = [#tpu.dimension_semantics<core_parallel>, #tpu.dimension_semantics<subcore_parallel>], iteration_bounds = array<i64: 2, 16>, scalar_prefetch = 0 : i64, scratch_operands = 10 : i64, tpu.core_type = #tpu.core_type<sc_vector_subcore>, window_params = [{transform_indices = #map}, {transform_indices = #map}, {transform_indices = #map}, {transform_indices = #map}, {transform_indices = #map}, {transform_indices = #map}, {transform_indices = #map1}, {transform_indices = #map1}]} {
    %mul3A = arith.constant 632 : i32
    %mul3A_0 = arith.muli %arg1, %mul3A : i32
    "tpu.region"() ({
      %run_scoped3A = tpu.sem_alloc : memref<!tpu.dma_semaphore, #tpu.memory_space<semaphore_mem>>
      %dma_start3A = arith.constant 0 : i32
      %dma_start3A_9 = tpu.memref_slice %arg14[%mul3A_0, %dma_start3A] : memref<10112x64xf32, #tpu.memory_space<vmem_shared>> -> memref<632x64xf32, #tpu.memory_space<vmem_shared>>
      %dma_start3A_10 = arith.constant 0 : i32
      %dma_start3A_11 = tpu.memref_slice %arg5[%mul3A_0, %dma_start3A_10] : memref<10112x64xf32, #tpu.memory_space<hbm>> -> memref<632x64xf32, #tpu.memory_space<hbm>>
      tpu.enqueue_dma source(%dma_start3A_11 : memref<632x64xf32, #tpu.memory_space<hbm>>) target(%dma_start3A_9 : memref<632x64xf32, #tpu.memory_space<vmem_shared>>) target_semaphore(%run_scoped3A : memref<!tpu.dma_semaphore, #tpu.memory_space<semaphore_mem>>)
      %dma_wait3A = arith.constant 0 : i32
      %dma_wait3A_12 = tpu.memref_slice %arg14[%mul3A_0, %dma_wait3A] : memref<10112x64xf32, #tpu.memory_space<vmem_shared>> -> memref<632x64xf32, #tpu.memory_space<vmem_shared>>
      %dma_wait3A_13 = arith.constant 0 : i32
      %dma_wait3A_14 = tpu.memref_slice %arg5[%mul3A_0, %dma_wait3A_13] : memref<10112x64xf32, #tpu.memory_space<hbm>> -> memref<632x64xf32, #tpu.memory_space<hbm>>
      tpu.wait_dma2 semaphore(%run_scoped3A : memref<!tpu.dma_semaphore, #tpu.memory_space<semaphore_mem>>) src(%dma_wait3A_14 : memref<632x64xf32, #tpu.memory_space<hbm>>) dst(%dma_wait3A_12 : memref<632x64xf32, #tpu.memory_space<vmem_shared>>)
      tpu.yield
    }) : () -> ()
    "tpu.region"() ({
      %run_scoped3A = tpu.sem_alloc : memref<!tpu.dma_semaphore, #tpu.memory_space<semaphore_mem>>
      %dma_start3A = arith.constant 0 : i32
      %dma_start3A_9 = tpu.memref_slice %arg15[%mul3A_0, %dma_start3A] : memref<10112x16xf32, #tpu.memory_space<vmem_shared>> -> memref<632x16xf32, #tpu.memory_space<vmem_shared>>
      %dma_start3A_10 = arith.constant 0 : i32
      %dma_start3A_11 = tpu.memref_slice %arg6[%mul3A_0, %dma_start3A_10] : memref<10112x16xf32, #tpu.memory_space<hbm>> -> memref<632x16xf32, #tpu.memory_space<hbm>>
      tpu.enqueue_dma source(%dma_start3A_11 : memref<632x16xf32, #tpu.memory_space<hbm>>) target(%dma_start3A_9 : memref<632x16xf32, #tpu.memory_space<vmem_shared>>) target_semaphore(%run_scoped3A : memref<!tpu.dma_semaphore, #tpu.memory_space<semaphore_mem>>)
      %dma_wait3A = arith.constant 0 : i32
      %dma_wait3A_12 = tpu.memref_slice %arg15[%mul3A_0, %dma_wait3A] : memref<10112x16xf32, #tpu.memory_space<vmem_shared>> -> memref<632x16xf32, #tpu.memory_space<vmem_shared>>
      %dma_wait3A_13 = arith.constant 0 : i32
      %dma_wait3A_14 = tpu.memref_slice %arg6[%mul3A_0, %dma_wait3A_13] : memref<10112x16xf32, #tpu.memory_space<hbm>> -> memref<632x16xf32, #tpu.memory_space<hbm>>
      tpu.wait_dma2 semaphore(%run_scoped3A : memref<!tpu.dma_semaphore, #tpu.memory_space<semaphore_mem>>) src(%dma_wait3A_14 : memref<632x16xf32, #tpu.memory_space<hbm>>) dst(%dma_wait3A_12 : memref<632x16xf32, #tpu.memory_space<vmem_shared>>)
      tpu.yield
    }) : () -> ()
    "tpu.region"() ({
      %run_scoped3A = tpu.sem_alloc : memref<!tpu.dma_semaphore, #tpu.memory_space<semaphore_mem>>
      tpu.enqueue_dma source(%arg7 : memref<128x16xf32, #tpu.memory_space<hbm>>) target(%arg13 : memref<128x16xf32, #tpu.memory_space<vmem>>) target_semaphore(%run_scoped3A : memref<!tpu.dma_semaphore, #tpu.memory_space<semaphore_mem>>)
      tpu.wait_dma2 semaphore(%run_scoped3A : memref<!tpu.dma_semaphore, #tpu.memory_space<semaphore_mem>>) src(%arg7 : memref<128x16xf32, #tpu.memory_space<hbm>>) dst(%arg13 : memref<128x16xf32, #tpu.memory_space<vmem>>)
      tpu.yield
    }) : () -> ()
    %barrier3A = arith.constant 0 : index
    tpu.barrier barrier_id(%barrier3A)
    %eq3A = arith.constant 0 : i32
    %eq3A_1 = arith.cmpi eq, %arg0, %eq3A : i32
    %convert_element_type3A = arith.extui %eq3A_1 : i1 to i32
    %cond3A = arith.constant 0 : i32
    %cond3A_2 = arith.cmpi ne, %convert_element_type3A, %cond3A : i32
    scf.if %cond3A_2 {
      %mul3A_9 = arith.constant 280 : i32
      %mul3A_10 = arith.muli %arg1, %mul3A_9 : i32
      "tpu.region"() ({
        %run_scoped3A = tpu.sem_alloc : memref<!tpu.dma_semaphore, #tpu.memory_space<semaphore_mem>>
        %dma_start3A_39 = arith.constant 0 : i32
        %dma_start3A_40 = arith.constant 0 : i32
        %dma_start3A_41 = tpu.memref_slice %arg10[%dma_start3A_39, %dma_start3A_40] : memref<280x128xi32, #tpu.memory_space<vmem>> -> memref<280x128xi32, #tpu.memory_space<vmem>>
        %dma_start3A_42 = arith.constant 0 : i32
        %dma_start3A_43 = tpu.memref_slice %arg3[%mul3A_10, %dma_start3A_42] : memref<6400x128xi32, #tpu.memory_space<hbm>> -> memref<280x128xi32, #tpu.memory_space<hbm>>
        %dma_start3A_44 = arith.constant 0 : i32
        %dma_start3A_45 = arith.constant 0 : i32
        %dma_start3A_46 = tpu.memref_slice %arg10[%dma_start3A_44, %dma_start3A_45] : memref<280x128xi32, #tpu.memory_space<vmem>> -> memref<280x128xi32, #tpu.memory_space<vmem>>
        %dma_start3A_47 = arith.constant 0 : i32
        %dma_start3A_48 = tpu.memref_slice %arg3[%mul3A_10, %dma_start3A_47] : memref<6400x128xi32, #tpu.memory_space<hbm>> -> memref<280x128xi32, #tpu.memory_space<hbm>>
        tpu.enqueue_dma source(%dma_start3A_48 : memref<280x128xi32, #tpu.memory_space<hbm>>) target(%dma_start3A_46 : memref<280x128xi32, #tpu.memory_space<vmem>>) target_semaphore(%run_scoped3A : memref<!tpu.dma_semaphore, #tpu.memory_space<semaphore_mem>>)
        %dma_wait3A = arith.constant 0 : i32
        %dma_wait3A_49 = arith.constant 0 : i32
        %dma_wait3A_50 = tpu.memref_slice %arg10[%dma_wait3A, %dma_wait3A_49] : memref<280x128xi32, #tpu.memory_space<vmem>> -> memref<280x128xi32, #tpu.memory_space<vmem>>
        %dma_wait3A_51 = arith.constant 0 : i32
        %dma_wait3A_52 = tpu.memref_slice %arg3[%mul3A_10, %dma_wait3A_51] : memref<6400x128xi32, #tpu.memory_space<hbm>> -> memref<280x128xi32, #tpu.memory_space<hbm>>
        %dma_wait3A_53 = arith.constant 0 : i32
        %dma_wait3A_54 = arith.constant 0 : i32
        %dma_wait3A_55 = tpu.memref_slice %arg10[%dma_wait3A_53, %dma_wait3A_54] : memref<280x128xi32, #tpu.memory_space<vmem>> -> memref<280x128xi32, #tpu.memory_space<vmem>>
        %dma_wait3A_56 = arith.constant 0 : i32
        %dma_wait3A_57 = tpu.memref_slice %arg3[%mul3A_10, %dma_wait3A_56] : memref<6400x128xi32, #tpu.memory_space<hbm>> -> memref<280x128xi32, #tpu.memory_space<hbm>>
        tpu.wait_dma2 semaphore(%run_scoped3A : memref<!tpu.dma_semaphore, #tpu.memory_space<semaphore_mem>>) src(%dma_wait3A_57 : memref<280x128xi32, #tpu.memory_space<hbm>>) dst(%dma_wait3A_55 : memref<280x128xi32, #tpu.memory_space<vmem>>)
        tpu.yield
      }) : () -> ()
      %dma_start3A = arith.constant 0 : i32
      %dma_start3A_11 = arith.constant 0 : i32
      %dma_start3A_12 = tpu.memref_slice %arg11[%dma_start3A, %dma_start3A_11] : memref<2x128xi32, #tpu.memory_space<vmem>> -> memref<1x128xi32, #tpu.memory_space<vmem>>
      %dma_start3A_13 = tpu.memref_squeeze %dma_start3A_12 : memref<1x128xi32, #tpu.memory_space<vmem>> -> memref<128xi32, #tpu.memory_space<vmem>>
      %dma_start3A_14 = arith.constant 0 : i32
      %dma_start3A_15 = tpu.memref_slice %arg4[%mul3A_10, %dma_start3A_14] : memref<6400x128xi32, #tpu.memory_space<hbm>> -> memref<1x128xi32, #tpu.memory_space<hbm>>
      %dma_start3A_16 = tpu.memref_squeeze %dma_start3A_15 : memref<1x128xi32, #tpu.memory_space<hbm>> -> memref<128xi32, #tpu.memory_space<hbm>>
      %dma_start3A_17 = arith.constant 0 : i32
      %dma_start3A_18 = tpu.memref_slice %arg11[%dma_start3A, %dma_start3A_17] : memref<2x128xi32, #tpu.memory_space<vmem>> -> memref<1x128xi32, #tpu.memory_space<vmem>>
      %dma_start3A_19 = tpu.memref_squeeze %dma_start3A_18 : memref<1x128xi32, #tpu.memory_space<vmem>> -> memref<128xi32, #tpu.memory_space<vmem>>
      %dma_start3A_20 = arith.constant 0 : i32
      %dma_start3A_21 = tpu.memref_slice %arg4[%mul3A_10, %dma_start3A_20] : memref<6400x128xi32, #tpu.memory_space<hbm>> -> memref<1x128xi32, #tpu.memory_space<hbm>>
      %dma_start3A_22 = tpu.memref_squeeze %dma_start3A_21 : memref<1x128xi32, #tpu.memory_space<hbm>> -> memref<128xi32, #tpu.memory_space<hbm>>
      tpu.enqueue_dma source(%dma_start3A_22 : memref<128xi32, #tpu.memory_space<hbm>>) target(%dma_start3A_19 : memref<128xi32, #tpu.memory_space<vmem>>) target_semaphore(%arg18 : memref<!tpu.dma_semaphore, #tpu.memory_space<semaphore_mem>>)
      %dma_start3A_23 = arith.constant 0 : i32
      %dma_start3A_24 = arith.constant 0 : i32
      %dma_start3A_25 = arith.constant 0 : i32
      %dma_start3A_26 = arith.constant 0 : i32
      %dma_start3A_27 = tpu.memref_slice %arg12[%dma_start3A_24, %dma_start3A_25, %dma_start3A_26] : memref<2x128x64xf32, #tpu.memory_space<vmem>> -> memref<1x128x64xf32, #tpu.memory_space<vmem>>
      %dma_start3A_28 = tpu.memref_squeeze %dma_start3A_27 : memref<1x128x64xf32, #tpu.memory_space<vmem>> -> memref<128x64xf32, #tpu.memory_space<vmem>>
      %dma_start3A_29 = arith.constant 0 : i32
      %dma_start3A_30 = tpu.memref_slice %arg10[%dma_start3A_23, %dma_start3A_29] : memref<280x128xi32, #tpu.memory_space<vmem>> -> memref<1x128xi32, #tpu.memory_space<vmem>>
      %dma_start3A_31 = tpu.memref_squeeze %dma_start3A_30 : memref<1x128xi32, #tpu.memory_space<vmem>> -> memref<128xi32, #tpu.memory_space<vmem>>
      %dma_start3A_32 = arith.constant 0 : i32
      %dma_start3A_33 = arith.constant 0 : i32
      %dma_start3A_34 = tpu.memref_slice %arg2[%dma_start3A_32, %dma_start3A_33] : memref<50000x64xf32, #tpu.memory_space<hbm>> -> memref<50000x64xf32, #tpu.memory_space<hbm>>
      tpu.enqueue_indirect_dma source(%dma_start3A_34 : memref<50000x64xf32, #tpu.memory_space<hbm>>) target(%dma_start3A_28 : memref<128x64xf32, #tpu.memory_space<vmem>>) offsets(%dma_start3A_31 : memref<128xi32, #tpu.memory_space<vmem>>) semaphore(%arg16 : memref<!tpu.dma_semaphore, #tpu.memory_space<semaphore_mem>>)
      %scan3A = arith.constant 0 : i32
      %scan3A_35 = arith.constant 140 : i32
      %scan3A_36 = arith.addi %scan3A, %scan3A_35 : i32
      %scan3A_37 = arith.constant 1 : i32
      scf.for %scan3A_39 = %scan3A to %scan3A_36 step %scan3A_37  : i32 {
        %mul3A_40 = arith.constant 2 : i32
        %mul3A_41 = arith.muli %scan3A_39, %mul3A_40 : i32
        %add3A = arith.constant 0 : i32
        %add3A_42 = arith.addi %add3A, %mul3A_41 : i32
        %add3A_43 = arith.constant 0 : i32
        %add3A_44 = arith.addi %add3A_42, %add3A_43 : i32
        %add3A_45 = arith.constant 1 : i32
        %add3A_46 = arith.addi %add3A_44, %add3A_45 : i32
        %lt3A = arith.constant 280 : i32
        %lt3A_47 = arith.cmpi slt, %add3A_46, %lt3A : i32
        %convert_element_type3A_48 = arith.extui %lt3A_47 : i1 to i32
        %cond3A_49 = arith.constant 0 : i32
        %cond3A_50 = arith.cmpi ne, %convert_element_type3A_48, %cond3A_49 : i32
        scf.if %cond3A_50 {
          %add3A_114 = arith.addi %mul3A_10, %add3A_44 : i32
          %add3A_115 = arith.constant 1 : i32
          %add3A_116 = arith.addi %add3A_114, %add3A_115 : i32
          %dma_start3A_117 = arith.constant 1 : i32
          %dma_start3A_118 = arith.constant 0 : i32
          %dma_start3A_119 = tpu.memref_slice %arg11[%dma_start3A_117, %dma_start3A_118] : memref<2x128xi32, #tpu.memory_space<vmem>> -> memref<1x128xi32, #tpu.memory_space<vmem>>
          %dma_start3A_120 = tpu.memref_squeeze %dma_start3A_119 : memref<1x128xi32, #tpu.memory_space<vmem>> -> memref<128xi32, #tpu.memory_space<vmem>>
          %dma_start3A_121 = arith.constant 0 : i32
          %dma_start3A_122 = tpu.memref_slice %arg4[%add3A_116, %dma_start3A_121] : memref<6400x128xi32, #tpu.memory_space<hbm>> -> memref<1x128xi32, #tpu.memory_space<hbm>>
          %dma_start3A_123 = tpu.memref_squeeze %dma_start3A_122 : memref<1x128xi32, #tpu.memory_space<hbm>> -> memref<128xi32, #tpu.memory_space<hbm>>
          %dma_start3A_124 = arith.constant 0 : i32
          %dma_start3A_125 = tpu.memref_slice %arg11[%dma_start3A_117, %dma_start3A_124] : memref<2x128xi32, #tpu.memory_space<vmem>> -> memref<1x128xi32, #tpu.memory_space<vmem>>
          %dma_start3A_126 = tpu.memref_squeeze %dma_start3A_125 : memref<1x128xi32, #tpu.memory_space<vmem>> -> memref<128xi32, #tpu.memory_space<vmem>>
          %dma_start3A_127 = arith.constant 0 : i32
          %dma_start3A_128 = tpu.memref_slice %arg4[%add3A_116, %dma_start3A_127] : memref<6400x128xi32, #tpu.memory_space<hbm>> -> memref<1x128xi32, #tpu.memory_space<hbm>>
          %dma_start3A_129 = tpu.memref_squeeze %dma_start3A_128 : memref<1x128xi32, #tpu.memory_space<hbm>> -> memref<128xi32, #tpu.memory_space<hbm>>
          tpu.enqueue_dma source(%dma_start3A_129 : memref<128xi32, #tpu.memory_space<hbm>>) target(%dma_start3A_126 : memref<128xi32, #tpu.memory_space<vmem>>) target_semaphore(%arg19 : memref<!tpu.dma_semaphore, #tpu.memory_space<semaphore_mem>>)
          %add3A_130 = arith.constant 1 : i32
          %add3A_131 = arith.addi %add3A_44, %add3A_130 : i32
          %dma_start3A_132 = arith.constant 1 : i32
          %dma_start3A_133 = arith.constant 0 : i32
          %dma_start3A_134 = arith.constant 0 : i32
          %dma_start3A_135 = tpu.memref_slice %arg12[%dma_start3A_132, %dma_start3A_133, %dma_start3A_134] : memref<2x128x64xf32, #tpu.memory_space<vmem>> -> memref<1x128x64xf32, #tpu.memory_space<vmem>>
          %dma_start3A_136 = tpu.memref_squeeze %dma_start3A_135 : memref<1x128x64xf32, #tpu.memory_space<vmem>> -> memref<128x64xf32, #tpu.memory_space<vmem>>
          %dma_start3A_137 = arith.constant 0 : i32
          %dma_start3A_138 = tpu.memref_slice %arg10[%add3A_131, %dma_start3A_137] : memref<280x128xi32, #tpu.memory_space<vmem>> -> memref<1x128xi32, #tpu.memory_space<vmem>>
          %dma_start3A_139 = tpu.memref_squeeze %dma_start3A_138 : memref<1x128xi32, #tpu.memory_space<vmem>> -> memref<128xi32, #tpu.memory_space<vmem>>
          %dma_start3A_140 = arith.constant 0 : i32
          %dma_start3A_141 = arith.constant 0 : i32
          %dma_start3A_142 = tpu.memref_slice %arg2[%dma_start3A_140, %dma_start3A_141] : memref<50000x64xf32, #tpu.memory_space<hbm>> -> memref<50000x64xf32, #tpu.memory_space<hbm>>
          tpu.enqueue_indirect_dma source(%dma_start3A_142 : memref<50000x64xf32, #tpu.memory_space<hbm>>) target(%dma_start3A_136 : memref<128x64xf32, #tpu.memory_space<vmem>>) offsets(%dma_start3A_139 : memref<128xi32, #tpu.memory_space<vmem>>) semaphore(%arg17 : memref<!tpu.dma_semaphore, #tpu.memory_space<semaphore_mem>>)
        } else {
        }
        %dma_wait3A = arith.constant 0 : i32
        %dma_wait3A_51 = arith.constant 0 : i32
        %dma_wait3A_52 = arith.constant 0 : i32
        %dma_wait3A_53 = tpu.memref_slice %arg12[%dma_wait3A, %dma_wait3A_51, %dma_wait3A_52] : memref<2x128x64xf32, #tpu.memory_space<vmem>> -> memref<1x128x64xf32, #tpu.memory_space<vmem>>
        %dma_wait3A_54 = tpu.memref_squeeze %dma_wait3A_53 : memref<1x128x64xf32, #tpu.memory_space<vmem>> -> memref<128x64xf32, #tpu.memory_space<vmem>>
        %dma_wait3A_55 = arith.constant 0 : i32
        %dma_wait3A_56 = tpu.memref_slice %arg10[%add3A_44, %dma_wait3A_55] : memref<280x128xi32, #tpu.memory_space<vmem>> -> memref<1x128xi32, #tpu.memory_space<vmem>>
        %dma_wait3A_57 = tpu.memref_squeeze %dma_wait3A_56 : memref<1x128xi32, #tpu.memory_space<vmem>> -> memref<128xi32, #tpu.memory_space<vmem>>
        %dma_wait3A_58 = arith.constant 0 : i32
        %dma_wait3A_59 = arith.constant 0 : i32
        %dma_wait3A_60 = tpu.memref_slice %arg2[%dma_wait3A_58, %dma_wait3A_59] : memref<50000x64xf32, #tpu.memory_space<hbm>> -> memref<50000x64xf32, #tpu.memory_space<hbm>>
        tpu.wait_indirect_dma semaphore(%arg16 : memref<!tpu.dma_semaphore, #tpu.memory_space<semaphore_mem>>) src(%dma_wait3A_60 : memref<50000x64xf32, #tpu.memory_space<hbm>>) dst(%dma_wait3A_54 : memref<128x64xf32, #tpu.memory_space<vmem>>)
        %add3A_61 = arith.addi %mul3A_10, %add3A_44 : i32
        %dma_wait3A_62 = arith.constant 0 : i32
        %dma_wait3A_63 = arith.constant 0 : i32
        %dma_wait3A_64 = tpu.memref_slice %arg11[%dma_wait3A_62, %dma_wait3A_63] : memref<2x128xi32, #tpu.memory_space<vmem>> -> memref<1x128xi32, #tpu.memory_space<vmem>>
        %dma_wait3A_65 = tpu.memref_squeeze %dma_wait3A_64 : memref<1x128xi32, #tpu.memory_space<vmem>> -> memref<128xi32, #tpu.memory_space<vmem>>
        %dma_wait3A_66 = arith.constant 0 : i32
        %dma_wait3A_67 = tpu.memref_slice %arg4[%add3A_61, %dma_wait3A_66] : memref<6400x128xi32, #tpu.memory_space<hbm>> -> memref<1x128xi32, #tpu.memory_space<hbm>>
        %dma_wait3A_68 = tpu.memref_squeeze %dma_wait3A_67 : memref<1x128xi32, #tpu.memory_space<hbm>> -> memref<128xi32, #tpu.memory_space<hbm>>
        %dma_wait3A_69 = arith.constant 0 : i32
        %dma_wait3A_70 = tpu.memref_slice %arg11[%dma_wait3A_62, %dma_wait3A_69] : memref<2x128xi32, #tpu.memory_space<vmem>> -> memref<1x128xi32, #tpu.memory_space<vmem>>
        %dma_wait3A_71 = tpu.memref_squeeze %dma_wait3A_70 : memref<1x128xi32, #tpu.memory_space<vmem>> -> memref<128xi32, #tpu.memory_space<vmem>>
        %dma_wait3A_72 = arith.constant 0 : i32
        %dma_wait3A_73 = tpu.memref_slice %arg4[%add3A_61, %dma_wait3A_72] : memref<6400x128xi32, #tpu.memory_space<hbm>> -> memref<1x128xi32, #tpu.memory_space<hbm>>
        %dma_wait3A_74 = tpu.memref_squeeze %dma_wait3A_73 : memref<1x128xi32, #tpu.memory_space<hbm>> -> memref<128xi32, #tpu.memory_space<hbm>>
        tpu.wait_dma2 semaphore(%arg18 : memref<!tpu.dma_semaphore, #tpu.memory_space<semaphore_mem>>) src(%dma_wait3A_74 : memref<128xi32, #tpu.memory_space<hbm>>) dst(%dma_wait3A_71 : memref<128xi32, #tpu.memory_space<vmem>>)
        %run_scoped3A = arith.constant 0 : i32
        %run_scoped3A_75 = arith.constant 0 : i32
        "tpu.region"() ({
          %run_scoped3A_114 = tpu.sem_alloc : memref<!tpu.dma_semaphore, #tpu.memory_space<semaphore_mem>>
          %dma_start3A_115 = arith.constant 0 : i32
          %dma_start3A_116 = arith.constant 0 : i32
          %dma_start3A_117 = tpu.memref_slice %arg12[%run_scoped3A, %dma_start3A_115, %dma_start3A_116] : memref<2x128x64xf32, #tpu.memory_space<vmem>> -> memref<1x128x64xf32, #tpu.memory_space<vmem>>
          %dma_start3A_118 = tpu.memref_squeeze %dma_start3A_117 : memref<1x128x64xf32, #tpu.memory_space<vmem>> -> memref<128x64xf32, #tpu.memory_space<vmem>>
          %dma_start3A_119 = arith.constant 0 : i32
          %dma_start3A_120 = tpu.memref_slice %arg11[%run_scoped3A_75, %dma_start3A_119] : memref<2x128xi32, #tpu.memory_space<vmem>> -> memref<1x128xi32, #tpu.memory_space<vmem>>
          %dma_start3A_121 = tpu.memref_squeeze %dma_start3A_120 : memref<1x128xi32, #tpu.memory_space<vmem>> -> memref<128xi32, #tpu.memory_space<vmem>>
          %dma_start3A_122 = arith.constant 0 : i32
          %dma_start3A_123 = arith.constant 0 : i32
          %dma_start3A_124 = tpu.memref_slice %arg14[%dma_start3A_122, %dma_start3A_123] : memref<10112x64xf32, #tpu.memory_space<vmem_shared>> -> memref<10112x64xf32, #tpu.memory_space<vmem_shared>>
          tpu.enqueue_indirect_dma source(%dma_start3A_118 : memref<128x64xf32, #tpu.memory_space<vmem>>) target(%dma_start3A_124 : memref<10112x64xf32, #tpu.memory_space<vmem_shared>>) offsets(%dma_start3A_121 : memref<128xi32, #tpu.memory_space<vmem>>) semaphore(%run_scoped3A_114 : memref<!tpu.dma_semaphore, #tpu.memory_space<semaphore_mem>>) {add = true}
          %dma_wait3A_125 = arith.constant 0 : i32
          %dma_wait3A_126 = arith.constant 0 : i32
          %dma_wait3A_127 = tpu.memref_slice %arg12[%run_scoped3A, %dma_wait3A_125, %dma_wait3A_126] : memref<2x128x64xf32, #tpu.memory_space<vmem>> -> memref<1x128x64xf32, #tpu.memory_space<vmem>>
          %dma_wait3A_128 = tpu.memref_squeeze %dma_wait3A_127 : memref<1x128x64xf32, #tpu.memory_space<vmem>> -> memref<128x64xf32, #tpu.memory_space<vmem>>
          %dma_wait3A_129 = arith.constant 0 : i32
          %dma_wait3A_130 = tpu.memref_slice %arg11[%run_scoped3A_75, %dma_wait3A_129] : memref<2x128xi32, #tpu.memory_space<vmem>> -> memref<1x128xi32, #tpu.memory_space<vmem>>
          %dma_wait3A_131 = tpu.memref_squeeze %dma_wait3A_130 : memref<1x128xi32, #tpu.memory_space<vmem>> -> memref<128xi32, #tpu.memory_space<vmem>>
          %dma_wait3A_132 = arith.constant 0 : i32
          %dma_wait3A_133 = arith.constant 0 : i32
          %dma_wait3A_134 = tpu.memref_slice %arg14[%dma_wait3A_132, %dma_wait3A_133] : memref<10112x64xf32, #tpu.memory_space<vmem_shared>> -> memref<10112x64xf32, #tpu.memory_space<vmem_shared>>
          tpu.wait_indirect_dma semaphore(%run_scoped3A_114 : memref<!tpu.dma_semaphore, #tpu.memory_space<semaphore_mem>>) src(%dma_wait3A_128 : memref<128x64xf32, #tpu.memory_space<vmem>>) dst(%dma_wait3A_134 : memref<10112x64xf32, #tpu.memory_space<vmem_shared>>)
          tpu.yield
        }) : () -> ()
        %run_scoped3A_76 = arith.constant 0 : i32
        "tpu.region"() ({
          %run_scoped3A_114 = tpu.sem_alloc : memref<!tpu.dma_semaphore, #tpu.memory_space<semaphore_mem>>
          %dma_start3A_115 = arith.constant 0 : i32
          %dma_start3A_116 = tpu.memref_slice %arg11[%run_scoped3A_76, %dma_start3A_115] : memref<2x128xi32, #tpu.memory_space<vmem>> -> memref<1x128xi32, #tpu.memory_space<vmem>>
          %dma_start3A_117 = tpu.memref_squeeze %dma_start3A_116 : memref<1x128xi32, #tpu.memory_space<vmem>> -> memref<128xi32, #tpu.memory_space<vmem>>
          %dma_start3A_118 = arith.constant 0 : i32
          %dma_start3A_119 = arith.constant 0 : i32
          %dma_start3A_120 = tpu.memref_slice %arg15[%dma_start3A_118, %dma_start3A_119] : memref<10112x16xf32, #tpu.memory_space<vmem_shared>> -> memref<10112x16xf32, #tpu.memory_space<vmem_shared>>
          tpu.enqueue_indirect_dma source(%arg13 : memref<128x16xf32, #tpu.memory_space<vmem>>) target(%dma_start3A_120 : memref<10112x16xf32, #tpu.memory_space<vmem_shared>>) offsets(%dma_start3A_117 : memref<128xi32, #tpu.memory_space<vmem>>) semaphore(%run_scoped3A_114 : memref<!tpu.dma_semaphore, #tpu.memory_space<semaphore_mem>>) {add = true}
          %dma_wait3A_121 = arith.constant 0 : i32
          %dma_wait3A_122 = tpu.memref_slice %arg11[%run_scoped3A_76, %dma_wait3A_121] : memref<2x128xi32, #tpu.memory_space<vmem>> -> memref<1x128xi32, #tpu.memory_space<vmem>>
          %dma_wait3A_123 = tpu.memref_squeeze %dma_wait3A_122 : memref<1x128xi32, #tpu.memory_space<vmem>> -> memref<128xi32, #tpu.memory_space<vmem>>
          %dma_wait3A_124 = arith.constant 0 : i32
          %dma_wait3A_125 = arith.constant 0 : i32
          %dma_wait3A_126 = tpu.memref_slice %arg15[%dma_wait3A_124, %dma_wait3A_125] : memref<10112x16xf32, #tpu.memory_space<vmem_shared>> -> memref<10112x16xf32, #tpu.memory_space<vmem_shared>>
          tpu.wait_indirect_dma semaphore(%run_scoped3A_114 : memref<!tpu.dma_semaphore, #tpu.memory_space<semaphore_mem>>) src(%arg13 : memref<128x16xf32, #tpu.memory_space<vmem>>) dst(%dma_wait3A_126 : memref<10112x16xf32, #tpu.memory_space<vmem_shared>>)
          tpu.yield
        }) : () -> ()
        %add3A_77 = arith.constant 1 : i32
        %add3A_78 = arith.addi %add3A_42, %add3A_77 : i32
        %add3A_79 = arith.constant 1 : i32
        %add3A_80 = arith.addi %add3A_78, %add3A_79 : i32
        %lt3A_81 = arith.constant 280 : i32
        %lt3A_82 = arith.cmpi slt, %add3A_80, %lt3A_81 : i32
        %convert_element_type3A_83 = arith.extui %lt3A_82 : i1 to i32
        %cond3A_84 = arith.constant 0 : i32
        %cond3A_85 = arith.cmpi ne, %convert_element_type3A_83, %cond3A_84 : i32
        scf.if %cond3A_85 {
          %add3A_114 = arith.addi %mul3A_10, %add3A_78 : i32
          %add3A_115 = arith.constant 1 : i32
          %add3A_116 = arith.addi %add3A_114, %add3A_115 : i32
          %dma_start3A_117 = arith.constant 0 : i32
          %dma_start3A_118 = arith.constant 0 : i32
          %dma_start3A_119 = tpu.memref_slice %arg11[%dma_start3A_117, %dma_start3A_118] : memref<2x128xi32, #tpu.memory_space<vmem>> -> memref<1x128xi32, #tpu.memory_space<vmem>>
          %dma_start3A_120 = tpu.memref_squeeze %dma_start3A_119 : memref<1x128xi32, #tpu.memory_space<vmem>> -> memref<128xi32, #tpu.memory_space<vmem>>
          %dma_start3A_121 = arith.constant 0 : i32
          %dma_start3A_122 = tpu.memref_slice %arg4[%add3A_116, %dma_start3A_121] : memref<6400x128xi32, #tpu.memory_space<hbm>> -> memref<1x128xi32, #tpu.memory_space<hbm>>
          %dma_start3A_123 = tpu.memref_squeeze %dma_start3A_122 : memref<1x128xi32, #tpu.memory_space<hbm>> -> memref<128xi32, #tpu.memory_space<hbm>>
          %dma_start3A_124 = arith.constant 0 : i32
          %dma_start3A_125 = tpu.memref_slice %arg11[%dma_start3A_117, %dma_start3A_124] : memref<2x128xi32, #tpu.memory_space<vmem>> -> memref<1x128xi32, #tpu.memory_space<vmem>>
          %dma_start3A_126 = tpu.memref_squeeze %dma_start3A_125 : memref<1x128xi32, #tpu.memory_space<vmem>> -> memref<128xi32, #tpu.memory_space<vmem>>
          %dma_start3A_127 = arith.constant 0 : i32
          %dma_start3A_128 = tpu.memref_slice %arg4[%add3A_116, %dma_start3A_127] : memref<6400x128xi32, #tpu.memory_space<hbm>> -> memref<1x128xi32, #tpu.memory_space<hbm>>
          %dma_start3A_129 = tpu.memref_squeeze %dma_start3A_128 : memref<1x128xi32, #tpu.memory_space<hbm>> -> memref<128xi32, #tpu.memory_space<hbm>>
          tpu.enqueue_dma source(%dma_start3A_129 : memref<128xi32, #tpu.memory_space<hbm>>) target(%dma_start3A_126 : memref<128xi32, #tpu.memory_space<vmem>>) target_semaphore(%arg18 : memref<!tpu.dma_semaphore, #tpu.memory_space<semaphore_mem>>)
          %add3A_130 = arith.constant 1 : i32
          %add3A_131 = arith.addi %add3A_78, %add3A_130 : i32
          %dma_start3A_132 = arith.constant 0 : i32
          %dma_start3A_133 = arith.constant 0 : i32
          %dma_start3A_134 = arith.constant 0 : i32
          %dma_start3A_135 = tpu.memref_slice %arg12[%dma_start3A_132, %dma_start3A_133, %dma_start3A_134] : memref<2x128x64xf32, #tpu.memory_space<vmem>> -> memref<1x128x64xf32, #tpu.memory_space<vmem>>
          %dma_start3A_136 = tpu.memref_squeeze %dma_start3A_135 : memref<1x128x64xf32, #tpu.memory_space<vmem>> -> memref<128x64xf32, #tpu.memory_space<vmem>>
          %dma_start3A_137 = arith.constant 0 : i32
          %dma_start3A_138 = tpu.memref_slice %arg10[%add3A_131, %dma_start3A_137] : memref<280x128xi32, #tpu.memory_space<vmem>> -> memref<1x128xi32, #tpu.memory_space<vmem>>
          %dma_start3A_139 = tpu.memref_squeeze %dma_start3A_138 : memref<1x128xi32, #tpu.memory_space<vmem>> -> memref<128xi32, #tpu.memory_space<vmem>>
          %dma_start3A_140 = arith.constant 0 : i32
          %dma_start3A_141 = arith.constant 0 : i32
          %dma_start3A_142 = tpu.memref_slice %arg2[%dma_start3A_140, %dma_start3A_141] : memref<50000x64xf32, #tpu.memory_space<hbm>> -> memref<50000x64xf32, #tpu.memory_space<hbm>>
          tpu.enqueue_indirect_dma source(%dma_start3A_142 : memref<50000x64xf32, #tpu.memory_space<hbm>>) target(%dma_start3A_136 : memref<128x64xf32, #tpu.memory_space<vmem>>) offsets(%dma_start3A_139 : memref<128xi32, #tpu.memory_space<vmem>>) semaphore(%arg16 : memref<!tpu.dma_semaphore, #tpu.memory_space<semaphore_mem>>)
        } else {
        }
        %dma_wait3A_86 = arith.constant 1 : i32
        %dma_wait3A_87 = arith.constant 0 : i32
        %dma_wait3A_88 = arith.constant 0 : i32
        %dma_wait3A_89 = tpu.memref_slice %arg12[%dma_wait3A_86, %dma_wait3A_87, %dma_wait3A_88] : memref<2x128x64xf32, #tpu.memory_space<vmem>> -> memref<1x128x64xf32, #tpu.memory_space<vmem>>
        %dma_wait3A_90 = tpu.memref_squeeze %dma_wait3A_89 : memref<1x128x64xf32, #tpu.memory_space<vmem>> -> memref<128x64xf32, #tpu.memory_space<vmem>>
        %dma_wait3A_91 = arith.constant 0 : i32
        %dma_wait3A_92 = tpu.memref_slice %arg10[%add3A_78, %dma_wait3A_91] : memref<280x128xi32, #tpu.memory_space<vmem>> -> memref<1x128xi32, #tpu.memory_space<vmem>>
        %dma_wait3A_93 = tpu.memref_squeeze %dma_wait3A_92 : memref<1x128xi32, #tpu.memory_space<vmem>> -> memref<128xi32, #tpu.memory_space<vmem>>
        %dma_wait3A_94 = arith.constant 0 : i32
        %dma_wait3A_95 = arith.constant 0 : i32
        %dma_wait3A_96 = tpu.memref_slice %arg2[%dma_wait3A_94, %dma_wait3A_95] : memref<50000x64xf32, #tpu.memory_space<hbm>> -> memref<50000x64xf32, #tpu.memory_space<hbm>>
        tpu.wait_indirect_dma semaphore(%arg17 : memref<!tpu.dma_semaphore, #tpu.memory_space<semaphore_mem>>) src(%dma_wait3A_96 : memref<50000x64xf32, #tpu.memory_space<hbm>>) dst(%dma_wait3A_90 : memref<128x64xf32, #tpu.memory_space<vmem>>)
        %add3A_97 = arith.addi %mul3A_10, %add3A_78 : i32
        %dma_wait3A_98 = arith.constant 1 : i32
        %dma_wait3A_99 = arith.constant 0 : i32
        %dma_wait3A_100 = tpu.memref_slice %arg11[%dma_wait3A_98, %dma_wait3A_99] : memref<2x128xi32, #tpu.memory_space<vmem>> -> memref<1x128xi32, #tpu.memory_space<vmem>>
        %dma_wait3A_101 = tpu.memref_squeeze %dma_wait3A_100 : memref<1x128xi32, #tpu.memory_space<vmem>> -> memref<128xi32, #tpu.memory_space<vmem>>
        %dma_wait3A_102 = arith.constant 0 : i32
        %dma_wait3A_103 = tpu.memref_slice %arg4[%add3A_97, %dma_wait3A_102] : memref<6400x128xi32, #tpu.memory_space<hbm>> -> memref<1x128xi32, #tpu.memory_space<hbm>>
        %dma_wait3A_104 = tpu.memref_squeeze %dma_wait3A_103 : memref<1x128xi32, #tpu.memory_space<hbm>> -> memref<128xi32, #tpu.memory_space<hbm>>
        %dma_wait3A_105 = arith.constant 0 : i32
        %dma_wait3A_106 = tpu.memref_slice %arg11[%dma_wait3A_98, %dma_wait3A_105] : memref<2x128xi32, #tpu.memory_space<vmem>> -> memref<1x128xi32, #tpu.memory_space<vmem>>
        %dma_wait3A_107 = tpu.memref_squeeze %dma_wait3A_106 : memref<1x128xi32, #tpu.memory_space<vmem>> -> memref<128xi32, #tpu.memory_space<vmem>>
        %dma_wait3A_108 = arith.constant 0 : i32
        %dma_wait3A_109 = tpu.memref_slice %arg4[%add3A_97, %dma_wait3A_108] : memref<6400x128xi32, #tpu.memory_space<hbm>> -> memref<1x128xi32, #tpu.memory_space<hbm>>
        %dma_wait3A_110 = tpu.memref_squeeze %dma_wait3A_109 : memref<1x128xi32, #tpu.memory_space<hbm>> -> memref<128xi32, #tpu.memory_space<hbm>>
        tpu.wait_dma2 semaphore(%arg19 : memref<!tpu.dma_semaphore, #tpu.memory_space<semaphore_mem>>) src(%dma_wait3A_110 : memref<128xi32, #tpu.memory_space<hbm>>) dst(%dma_wait3A_107 : memref<128xi32, #tpu.memory_space<vmem>>)
        %run_scoped3A_111 = arith.constant 1 : i32
        %run_scoped3A_112 = arith.constant 1 : i32
        "tpu.region"() ({
          %run_scoped3A_114 = tpu.sem_alloc : memref<!tpu.dma_semaphore, #tpu.memory_space<semaphore_mem>>
          %dma_start3A_115 = arith.constant 0 : i32
          %dma_start3A_116 = arith.constant 0 : i32
          %dma_start3A_117 = tpu.memref_slice %arg12[%run_scoped3A_111, %dma_start3A_115, %dma_start3A_116] : memref<2x128x64xf32, #tpu.memory_space<vmem>> -> memref<1x128x64xf32, #tpu.memory_space<vmem>>
          %dma_start3A_118 = tpu.memref_squeeze %dma_start3A_117 : memref<1x128x64xf32, #tpu.memory_space<vmem>> -> memref<128x64xf32, #tpu.memory_space<vmem>>
          %dma_start3A_119 = arith.constant 0 : i32
          %dma_start3A_120 = tpu.memref_slice %arg11[%run_scoped3A_112, %dma_start3A_119] : memref<2x128xi32, #tpu.memory_space<vmem>> -> memref<1x128xi32, #tpu.memory_space<vmem>>
          %dma_start3A_121 = tpu.memref_squeeze %dma_start3A_120 : memref<1x128xi32, #tpu.memory_space<vmem>> -> memref<128xi32, #tpu.memory_space<vmem>>
          %dma_start3A_122 = arith.constant 0 : i32
          %dma_start3A_123 = arith.constant 0 : i32
          %dma_start3A_124 = tpu.memref_slice %arg14[%dma_start3A_122, %dma_start3A_123] : memref<10112x64xf32, #tpu.memory_space<vmem_shared>> -> memref<10112x64xf32, #tpu.memory_space<vmem_shared>>
          tpu.enqueue_indirect_dma source(%dma_start3A_118 : memref<128x64xf32, #tpu.memory_space<vmem>>) target(%dma_start3A_124 : memref<10112x64xf32, #tpu.memory_space<vmem_shared>>) offsets(%dma_start3A_121 : memref<128xi32, #tpu.memory_space<vmem>>) semaphore(%run_scoped3A_114 : memref<!tpu.dma_semaphore, #tpu.memory_space<semaphore_mem>>) {add = true}
          %dma_wait3A_125 = arith.constant 0 : i32
          %dma_wait3A_126 = arith.constant 0 : i32
          %dma_wait3A_127 = tpu.memref_slice %arg12[%run_scoped3A_111, %dma_wait3A_125, %dma_wait3A_126] : memref<2x128x64xf32, #tpu.memory_space<vmem>> -> memref<1x128x64xf32, #tpu.memory_space<vmem>>
          %dma_wait3A_128 = tpu.memref_squeeze %dma_wait3A_127 : memref<1x128x64xf32, #tpu.memory_space<vmem>> -> memref<128x64xf32, #tpu.memory_space<vmem>>
          %dma_wait3A_129 = arith.constant 0 : i32
          %dma_wait3A_130 = tpu.memref_slice %arg11[%run_scoped3A_112, %dma_wait3A_129] : memref<2x128xi32, #tpu.memory_space<vmem>> -> memref<1x128xi32, #tpu.memory_space<vmem>>
          %dma_wait3A_131 = tpu.memref_squeeze %dma_wait3A_130 : memref<1x128xi32, #tpu.memory_space<vmem>> -> memref<128xi32, #tpu.memory_space<vmem>>
          %dma_wait3A_132 = arith.constant 0 : i32
          %dma_wait3A_133 = arith.constant 0 : i32
          %dma_wait3A_134 = tpu.memref_slice %arg14[%dma_wait3A_132, %dma_wait3A_133] : memref<10112x64xf32, #tpu.memory_space<vmem_shared>> -> memref<10112x64xf32, #tpu.memory_space<vmem_shared>>
          tpu.wait_indirect_dma semaphore(%run_scoped3A_114 : memref<!tpu.dma_semaphore, #tpu.memory_space<semaphore_mem>>) src(%dma_wait3A_128 : memref<128x64xf32, #tpu.memory_space<vmem>>) dst(%dma_wait3A_134 : memref<10112x64xf32, #tpu.memory_space<vmem_shared>>)
          tpu.yield
        }) : () -> ()
        %run_scoped3A_113 = arith.constant 1 : i32
        "tpu.region"() ({
          %run_scoped3A_114 = tpu.sem_alloc : memref<!tpu.dma_semaphore, #tpu.memory_space<semaphore_mem>>
          %dma_start3A_115 = arith.constant 0 : i32
          %dma_start3A_116 = tpu.memref_slice %arg11[%run_scoped3A_113, %dma_start3A_115] : memref<2x128xi32, #tpu.memory_space<vmem>> -> memref<1x128xi32, #tpu.memory_space<vmem>>
          %dma_start3A_117 = tpu.memref_squeeze %dma_start3A_116 : memref<1x128xi32, #tpu.memory_space<vmem>> -> memref<128xi32, #tpu.memory_space<vmem>>
          %dma_start3A_118 = arith.constant 0 : i32
          %dma_start3A_119 = arith.constant 0 : i32
          %dma_start3A_120 = tpu.memref_slice %arg15[%dma_start3A_118, %dma_start3A_119] : memref<10112x16xf32, #tpu.memory_space<vmem_shared>> -> memref<10112x16xf32, #tpu.memory_space<vmem_shared>>
          tpu.enqueue_indirect_dma source(%arg13 : memref<128x16xf32, #tpu.memory_space<vmem>>) target(%dma_start3A_120 : memref<10112x16xf32, #tpu.memory_space<vmem_shared>>) offsets(%dma_start3A_117 : memref<128xi32, #tpu.memory_space<vmem>>) semaphore(%run_scoped3A_114 : memref<!tpu.dma_semaphore, #tpu.memory_space<semaphore_mem>>) {add = true}
          %dma_wait3A_121 = arith.constant 0 : i32
          %dma_wait3A_122 = tpu.memref_slice %arg11[%run_scoped3A_113, %dma_wait3A_121] : memref<2x128xi32, #tpu.memory_space<vmem>> -> memref<1x128xi32, #tpu.memory_space<vmem>>
          %dma_wait3A_123 = tpu.memref_squeeze %dma_wait3A_122 : memref<1x128xi32, #tpu.memory_space<vmem>> -> memref<128xi32, #tpu.memory_space<vmem>>
          %dma_wait3A_124 = arith.constant 0 : i32
          %dma_wait3A_125 = arith.constant 0 : i32
          %dma_wait3A_126 = tpu.memref_slice %arg15[%dma_wait3A_124, %dma_wait3A_125] : memref<10112x16xf32, #tpu.memory_space<vmem_shared>> -> memref<10112x16xf32, #tpu.memory_space<vmem_shared>>
          tpu.wait_indirect_dma semaphore(%run_scoped3A_114 : memref<!tpu.dma_semaphore, #tpu.memory_space<semaphore_mem>>) src(%arg13 : memref<128x16xf32, #tpu.memory_space<vmem>>) dst(%dma_wait3A_126 : memref<10112x16xf32, #tpu.memory_space<vmem_shared>>)
          tpu.yield
        }) : () -> ()
      }
      %scan3A_38 = arith.constant 140 : i32
    } else {
    }
    %eq3A_3 = arith.constant 1 : i32
    %eq3A_4 = arith.cmpi eq, %arg0, %eq3A_3 : i32
    %convert_element_type3A_5 = arith.extui %eq3A_4 : i1 to i32
    %cond3A_6 = arith.constant 0 : i32
    %cond3A_7 = arith.cmpi ne, %convert_element_type3A_5, %cond3A_6 : i32
    scf.if %cond3A_7 {
      %mul3A_9 = arith.constant 120 : i32
      %mul3A_10 = arith.muli %arg1, %mul3A_9 : i32
      %add3A = arith.constant 4480 : i32
      %add3A_11 = arith.addi %add3A, %mul3A_10 : i32
      "tpu.region"() ({
        %run_scoped3A = tpu.sem_alloc : memref<!tpu.dma_semaphore, #tpu.memory_space<semaphore_mem>>
        %dma_start3A_40 = arith.constant 0 : i32
        %dma_start3A_41 = arith.constant 0 : i32
        %dma_start3A_42 = tpu.memref_slice %arg10[%dma_start3A_40, %dma_start3A_41] : memref<280x128xi32, #tpu.memory_space<vmem>> -> memref<120x128xi32, #tpu.memory_space<vmem>>
        %dma_start3A_43 = arith.constant 0 : i32
        %dma_start3A_44 = tpu.memref_slice %arg3[%add3A_11, %dma_start3A_43] : memref<6400x128xi32, #tpu.memory_space<hbm>> -> memref<120x128xi32, #tpu.memory_space<hbm>>
        %dma_start3A_45 = arith.constant 0 : i32
        %dma_start3A_46 = arith.constant 0 : i32
        %dma_start3A_47 = tpu.memref_slice %arg10[%dma_start3A_45, %dma_start3A_46] : memref<280x128xi32, #tpu.memory_space<vmem>> -> memref<120x128xi32, #tpu.memory_space<vmem>>
        %dma_start3A_48 = arith.constant 0 : i32
        %dma_start3A_49 = tpu.memref_slice %arg3[%add3A_11, %dma_start3A_48] : memref<6400x128xi32, #tpu.memory_space<hbm>> -> memref<120x128xi32, #tpu.memory_space<hbm>>
        tpu.enqueue_dma source(%dma_start3A_49 : memref<120x128xi32, #tpu.memory_space<hbm>>) target(%dma_start3A_47 : memref<120x128xi32, #tpu.memory_space<vmem>>) target_semaphore(%run_scoped3A : memref<!tpu.dma_semaphore, #tpu.memory_space<semaphore_mem>>)
        %dma_wait3A = arith.constant 0 : i32
        %dma_wait3A_50 = arith.constant 0 : i32
        %dma_wait3A_51 = tpu.memref_slice %arg10[%dma_wait3A, %dma_wait3A_50] : memref<280x128xi32, #tpu.memory_space<vmem>> -> memref<120x128xi32, #tpu.memory_space<vmem>>
        %dma_wait3A_52 = arith.constant 0 : i32
        %dma_wait3A_53 = tpu.memref_slice %arg3[%add3A_11, %dma_wait3A_52] : memref<6400x128xi32, #tpu.memory_space<hbm>> -> memref<120x128xi32, #tpu.memory_space<hbm>>
        %dma_wait3A_54 = arith.constant 0 : i32
        %dma_wait3A_55 = arith.constant 0 : i32
        %dma_wait3A_56 = tpu.memref_slice %arg10[%dma_wait3A_54, %dma_wait3A_55] : memref<280x128xi32, #tpu.memory_space<vmem>> -> memref<120x128xi32, #tpu.memory_space<vmem>>
        %dma_wait3A_57 = arith.constant 0 : i32
        %dma_wait3A_58 = tpu.memref_slice %arg3[%add3A_11, %dma_wait3A_57] : memref<6400x128xi32, #tpu.memory_space<hbm>> -> memref<120x128xi32, #tpu.memory_space<hbm>>
        tpu.wait_dma2 semaphore(%run_scoped3A : memref<!tpu.dma_semaphore, #tpu.memory_space<semaphore_mem>>) src(%dma_wait3A_58 : memref<120x128xi32, #tpu.memory_space<hbm>>) dst(%dma_wait3A_56 : memref<120x128xi32, #tpu.memory_space<vmem>>)
        tpu.yield
      }) : () -> ()
      %dma_start3A = arith.constant 0 : i32
      %dma_start3A_12 = arith.constant 0 : i32
      %dma_start3A_13 = tpu.memref_slice %arg11[%dma_start3A, %dma_start3A_12] : memref<2x128xi32, #tpu.memory_space<vmem>> -> memref<1x128xi32, #tpu.memory_space<vmem>>
      %dma_start3A_14 = tpu.memref_squeeze %dma_start3A_13 : memref<1x128xi32, #tpu.memory_space<vmem>> -> memref<128xi32, #tpu.memory_space<vmem>>
      %dma_start3A_15 = arith.constant 0 : i32
      %dma_start3A_16 = tpu.memref_slice %arg4[%add3A_11, %dma_start3A_15] : memref<6400x128xi32, #tpu.memory_space<hbm>> -> memref<1x128xi32, #tpu.memory_space<hbm>>
      %dma_start3A_17 = tpu.memref_squeeze %dma_start3A_16 : memref<1x128xi32, #tpu.memory_space<hbm>> -> memref<128xi32, #tpu.memory_space<hbm>>
      %dma_start3A_18 = arith.constant 0 : i32
      %dma_start3A_19 = tpu.memref_slice %arg11[%dma_start3A, %dma_start3A_18] : memref<2x128xi32, #tpu.memory_space<vmem>> -> memref<1x128xi32, #tpu.memory_space<vmem>>
      %dma_start3A_20 = tpu.memref_squeeze %dma_start3A_19 : memref<1x128xi32, #tpu.memory_space<vmem>> -> memref<128xi32, #tpu.memory_space<vmem>>
      %dma_start3A_21 = arith.constant 0 : i32
      %dma_start3A_22 = tpu.memref_slice %arg4[%add3A_11, %dma_start3A_21] : memref<6400x128xi32, #tpu.memory_space<hbm>> -> memref<1x128xi32, #tpu.memory_space<hbm>>
      %dma_start3A_23 = tpu.memref_squeeze %dma_start3A_22 : memref<1x128xi32, #tpu.memory_space<hbm>> -> memref<128xi32, #tpu.memory_space<hbm>>
      tpu.enqueue_dma source(%dma_start3A_23 : memref<128xi32, #tpu.memory_space<hbm>>) target(%dma_start3A_20 : memref<128xi32, #tpu.memory_space<vmem>>) target_semaphore(%arg18 : memref<!tpu.dma_semaphore, #tpu.memory_space<semaphore_mem>>)
      %dma_start3A_24 = arith.constant 0 : i32
      %dma_start3A_25 = arith.constant 0 : i32
      %dma_start3A_26 = arith.constant 0 : i32
      %dma_start3A_27 = arith.constant 0 : i32
      %dma_start3A_28 = tpu.memref_slice %arg12[%dma_start3A_25, %dma_start3A_26, %dma_start3A_27] : memref<2x128x64xf32, #tpu.memory_space<vmem>> -> memref<1x128x64xf32, #tpu.memory_space<vmem>>
      %dma_start3A_29 = tpu.memref_squeeze %dma_start3A_28 : memref<1x128x64xf32, #tpu.memory_space<vmem>> -> memref<128x64xf32, #tpu.memory_space<vmem>>
      %dma_start3A_30 = arith.constant 0 : i32
      %dma_start3A_31 = tpu.memref_slice %arg10[%dma_start3A_24, %dma_start3A_30] : memref<280x128xi32, #tpu.memory_space<vmem>> -> memref<1x128xi32, #tpu.memory_space<vmem>>
      %dma_start3A_32 = tpu.memref_squeeze %dma_start3A_31 : memref<1x128xi32, #tpu.memory_space<vmem>> -> memref<128xi32, #tpu.memory_space<vmem>>
      %dma_start3A_33 = arith.constant 0 : i32
      %dma_start3A_34 = arith.constant 0 : i32
      %dma_start3A_35 = tpu.memref_slice %arg2[%dma_start3A_33, %dma_start3A_34] : memref<50000x64xf32, #tpu.memory_space<hbm>> -> memref<50000x64xf32, #tpu.memory_space<hbm>>
      tpu.enqueue_indirect_dma source(%dma_start3A_35 : memref<50000x64xf32, #tpu.memory_space<hbm>>) target(%dma_start3A_29 : memref<128x64xf32, #tpu.memory_space<vmem>>) offsets(%dma_start3A_32 : memref<128xi32, #tpu.memory_space<vmem>>) semaphore(%arg16 : memref<!tpu.dma_semaphore, #tpu.memory_space<semaphore_mem>>)
      %scan3A = arith.constant 0 : i32
      %scan3A_36 = arith.constant 60 : i32
      %scan3A_37 = arith.addi %scan3A, %scan3A_36 : i32
      %scan3A_38 = arith.constant 1 : i32
      scf.for %scan3A_40 = %scan3A to %scan3A_37 step %scan3A_38  : i32 {
        %mul3A_41 = arith.constant 2 : i32
        %mul3A_42 = arith.muli %scan3A_40, %mul3A_41 : i32
        %add3A_43 = arith.constant 0 : i32
        %add3A_44 = arith.addi %add3A_43, %mul3A_42 : i32
        %add3A_45 = arith.constant 0 : i32
        %add3A_46 = arith.addi %add3A_44, %add3A_45 : i32
        %add3A_47 = arith.constant 1 : i32
        %add3A_48 = arith.addi %add3A_46, %add3A_47 : i32
        %lt3A = arith.constant 120 : i32
        %lt3A_49 = arith.cmpi slt, %add3A_48, %lt3A : i32
        %convert_element_type3A_50 = arith.extui %lt3A_49 : i1 to i32
        %cond3A_51 = arith.constant 0 : i32
        %cond3A_52 = arith.cmpi ne, %convert_element_type3A_50, %cond3A_51 : i32
        scf.if %cond3A_52 {
          %add3A_116 = arith.addi %add3A_11, %add3A_46 : i32
          %add3A_117 = arith.constant 1 : i32
          %add3A_118 = arith.addi %add3A_116, %add3A_117 : i32
          %dma_start3A_119 = arith.constant 1 : i32
          %dma_start3A_120 = arith.constant 0 : i32
          %dma_start3A_121 = tpu.memref_slice %arg11[%dma_start3A_119, %dma_start3A_120] : memref<2x128xi32, #tpu.memory_space<vmem>> -> memref<1x128xi32, #tpu.memory_space<vmem>>
          %dma_start3A_122 = tpu.memref_squeeze %dma_start3A_121 : memref<1x128xi32, #tpu.memory_space<vmem>> -> memref<128xi32, #tpu.memory_space<vmem>>
          %dma_start3A_123 = arith.constant 0 : i32
          %dma_start3A_124 = tpu.memref_slice %arg4[%add3A_118, %dma_start3A_123] : memref<6400x128xi32, #tpu.memory_space<hbm>> -> memref<1x128xi32, #tpu.memory_space<hbm>>
          %dma_start3A_125 = tpu.memref_squeeze %dma_start3A_124 : memref<1x128xi32, #tpu.memory_space<hbm>> -> memref<128xi32, #tpu.memory_space<hbm>>
          %dma_start3A_126 = arith.constant 0 : i32
          %dma_start3A_127 = tpu.memref_slice %arg11[%dma_start3A_119, %dma_start3A_126] : memref<2x128xi32, #tpu.memory_space<vmem>> -> memref<1x128xi32, #tpu.memory_space<vmem>>
          %dma_start3A_128 = tpu.memref_squeeze %dma_start3A_127 : memref<1x128xi32, #tpu.memory_space<vmem>> -> memref<128xi32, #tpu.memory_space<vmem>>
          %dma_start3A_129 = arith.constant 0 : i32
          %dma_start3A_130 = tpu.memref_slice %arg4[%add3A_118, %dma_start3A_129] : memref<6400x128xi32, #tpu.memory_space<hbm>> -> memref<1x128xi32, #tpu.memory_space<hbm>>
          %dma_start3A_131 = tpu.memref_squeeze %dma_start3A_130 : memref<1x128xi32, #tpu.memory_space<hbm>> -> memref<128xi32, #tpu.memory_space<hbm>>
          tpu.enqueue_dma source(%dma_start3A_131 : memref<128xi32, #tpu.memory_space<hbm>>) target(%dma_start3A_128 : memref<128xi32, #tpu.memory_space<vmem>>) target_semaphore(%arg19 : memref<!tpu.dma_semaphore, #tpu.memory_space<semaphore_mem>>)
          %add3A_132 = arith.constant 1 : i32
          %add3A_133 = arith.addi %add3A_46, %add3A_132 : i32
          %dma_start3A_134 = arith.constant 1 : i32
          %dma_start3A_135 = arith.constant 0 : i32
          %dma_start3A_136 = arith.constant 0 : i32
          %dma_start3A_137 = tpu.memref_slice %arg12[%dma_start3A_134, %dma_start3A_135, %dma_start3A_136] : memref<2x128x64xf32, #tpu.memory_space<vmem>> -> memref<1x128x64xf32, #tpu.memory_space<vmem>>
          %dma_start3A_138 = tpu.memref_squeeze %dma_start3A_137 : memref<1x128x64xf32, #tpu.memory_space<vmem>> -> memref<128x64xf32, #tpu.memory_space<vmem>>
          %dma_start3A_139 = arith.constant 0 : i32
          %dma_start3A_140 = tpu.memref_slice %arg10[%add3A_133, %dma_start3A_139] : memref<280x128xi32, #tpu.memory_space<vmem>> -> memref<1x128xi32, #tpu.memory_space<vmem>>
          %dma_start3A_141 = tpu.memref_squeeze %dma_start3A_140 : memref<1x128xi32, #tpu.memory_space<vmem>> -> memref<128xi32, #tpu.memory_space<vmem>>
          %dma_start3A_142 = arith.constant 0 : i32
          %dma_start3A_143 = arith.constant 0 : i32
          %dma_start3A_144 = tpu.memref_slice %arg2[%dma_start3A_142, %dma_start3A_143] : memref<50000x64xf32, #tpu.memory_space<hbm>> -> memref<50000x64xf32, #tpu.memory_space<hbm>>
          tpu.enqueue_indirect_dma source(%dma_start3A_144 : memref<50000x64xf32, #tpu.memory_space<hbm>>) target(%dma_start3A_138 : memref<128x64xf32, #tpu.memory_space<vmem>>) offsets(%dma_start3A_141 : memref<128xi32, #tpu.memory_space<vmem>>) semaphore(%arg17 : memref<!tpu.dma_semaphore, #tpu.memory_space<semaphore_mem>>)
        } else {
        }
        %dma_wait3A = arith.constant 0 : i32
        %dma_wait3A_53 = arith.constant 0 : i32
        %dma_wait3A_54 = arith.constant 0 : i32
        %dma_wait3A_55 = tpu.memref_slice %arg12[%dma_wait3A, %dma_wait3A_53, %dma_wait3A_54] : memref<2x128x64xf32, #tpu.memory_space<vmem>> -> memref<1x128x64xf32, #tpu.memory_space<vmem>>
        %dma_wait3A_56 = tpu.memref_squeeze %dma_wait3A_55 : memref<1x128x64xf32, #tpu.memory_space<vmem>> -> memref<128x64xf32, #tpu.memory_space<vmem>>
        %dma_wait3A_57 = arith.constant 0 : i32
        %dma_wait3A_58 = tpu.memref_slice %arg10[%add3A_46, %dma_wait3A_57] : memref<280x128xi32, #tpu.memory_space<vmem>> -> memref<1x128xi32, #tpu.memory_space<vmem>>
        %dma_wait3A_59 = tpu.memref_squeeze %dma_wait3A_58 : memref<1x128xi32, #tpu.memory_space<vmem>> -> memref<128xi32, #tpu.memory_space<vmem>>
        %dma_wait3A_60 = arith.constant 0 : i32
        %dma_wait3A_61 = arith.constant 0 : i32
        %dma_wait3A_62 = tpu.memref_slice %arg2[%dma_wait3A_60, %dma_wait3A_61] : memref<50000x64xf32, #tpu.memory_space<hbm>> -> memref<50000x64xf32, #tpu.memory_space<hbm>>
        tpu.wait_indirect_dma semaphore(%arg16 : memref<!tpu.dma_semaphore, #tpu.memory_space<semaphore_mem>>) src(%dma_wait3A_62 : memref<50000x64xf32, #tpu.memory_space<hbm>>) dst(%dma_wait3A_56 : memref<128x64xf32, #tpu.memory_space<vmem>>)
        %add3A_63 = arith.addi %add3A_11, %add3A_46 : i32
        %dma_wait3A_64 = arith.constant 0 : i32
        %dma_wait3A_65 = arith.constant 0 : i32
        %dma_wait3A_66 = tpu.memref_slice %arg11[%dma_wait3A_64, %dma_wait3A_65] : memref<2x128xi32, #tpu.memory_space<vmem>> -> memref<1x128xi32, #tpu.memory_space<vmem>>
        %dma_wait3A_67 = tpu.memref_squeeze %dma_wait3A_66 : memref<1x128xi32, #tpu.memory_space<vmem>> -> memref<128xi32, #tpu.memory_space<vmem>>
        %dma_wait3A_68 = arith.constant 0 : i32
        %dma_wait3A_69 = tpu.memref_slice %arg4[%add3A_63, %dma_wait3A_68] : memref<6400x128xi32, #tpu.memory_space<hbm>> -> memref<1x128xi32, #tpu.memory_space<hbm>>
        %dma_wait3A_70 = tpu.memref_squeeze %dma_wait3A_69 : memref<1x128xi32, #tpu.memory_space<hbm>> -> memref<128xi32, #tpu.memory_space<hbm>>
        %dma_wait3A_71 = arith.constant 0 : i32
        %dma_wait3A_72 = tpu.memref_slice %arg11[%dma_wait3A_64, %dma_wait3A_71] : memref<2x128xi32, #tpu.memory_space<vmem>> -> memref<1x128xi32, #tpu.memory_space<vmem>>
        %dma_wait3A_73 = tpu.memref_squeeze %dma_wait3A_72 : memref<1x128xi32, #tpu.memory_space<vmem>> -> memref<128xi32, #tpu.memory_space<vmem>>
        %dma_wait3A_74 = arith.constant 0 : i32
        %dma_wait3A_75 = tpu.memref_slice %arg4[%add3A_63, %dma_wait3A_74] : memref<6400x128xi32, #tpu.memory_space<hbm>> -> memref<1x128xi32, #tpu.memory_space<hbm>>
        %dma_wait3A_76 = tpu.memref_squeeze %dma_wait3A_75 : memref<1x128xi32, #tpu.memory_space<hbm>> -> memref<128xi32, #tpu.memory_space<hbm>>
        tpu.wait_dma2 semaphore(%arg18 : memref<!tpu.dma_semaphore, #tpu.memory_space<semaphore_mem>>) src(%dma_wait3A_76 : memref<128xi32, #tpu.memory_space<hbm>>) dst(%dma_wait3A_73 : memref<128xi32, #tpu.memory_space<vmem>>)
        %run_scoped3A = arith.constant 0 : i32
        %run_scoped3A_77 = arith.constant 0 : i32
        "tpu.region"() ({
          %run_scoped3A_116 = tpu.sem_alloc : memref<!tpu.dma_semaphore, #tpu.memory_space<semaphore_mem>>
          %dma_start3A_117 = arith.constant 0 : i32
          %dma_start3A_118 = arith.constant 0 : i32
          %dma_start3A_119 = tpu.memref_slice %arg12[%run_scoped3A, %dma_start3A_117, %dma_start3A_118] : memref<2x128x64xf32, #tpu.memory_space<vmem>> -> memref<1x128x64xf32, #tpu.memory_space<vmem>>
          %dma_start3A_120 = tpu.memref_squeeze %dma_start3A_119 : memref<1x128x64xf32, #tpu.memory_space<vmem>> -> memref<128x64xf32, #tpu.memory_space<vmem>>
          %dma_start3A_121 = arith.constant 0 : i32
          %dma_start3A_122 = tpu.memref_slice %arg11[%run_scoped3A_77, %dma_start3A_121] : memref<2x128xi32, #tpu.memory_space<vmem>> -> memref<1x128xi32, #tpu.memory_space<vmem>>
          %dma_start3A_123 = tpu.memref_squeeze %dma_start3A_122 : memref<1x128xi32, #tpu.memory_space<vmem>> -> memref<128xi32, #tpu.memory_space<vmem>>
          %dma_start3A_124 = arith.constant 0 : i32
          %dma_start3A_125 = arith.constant 0 : i32
          %dma_start3A_126 = tpu.memref_slice %arg14[%dma_start3A_124, %dma_start3A_125] : memref<10112x64xf32, #tpu.memory_space<vmem_shared>> -> memref<10112x64xf32, #tpu.memory_space<vmem_shared>>
          tpu.enqueue_indirect_dma source(%dma_start3A_120 : memref<128x64xf32, #tpu.memory_space<vmem>>) target(%dma_start3A_126 : memref<10112x64xf32, #tpu.memory_space<vmem_shared>>) offsets(%dma_start3A_123 : memref<128xi32, #tpu.memory_space<vmem>>) semaphore(%run_scoped3A_116 : memref<!tpu.dma_semaphore, #tpu.memory_space<semaphore_mem>>) {add = true}
          %dma_wait3A_127 = arith.constant 0 : i32
          %dma_wait3A_128 = arith.constant 0 : i32
          %dma_wait3A_129 = tpu.memref_slice %arg12[%run_scoped3A, %dma_wait3A_127, %dma_wait3A_128] : memref<2x128x64xf32, #tpu.memory_space<vmem>> -> memref<1x128x64xf32, #tpu.memory_space<vmem>>
          %dma_wait3A_130 = tpu.memref_squeeze %dma_wait3A_129 : memref<1x128x64xf32, #tpu.memory_space<vmem>> -> memref<128x64xf32, #tpu.memory_space<vmem>>
          %dma_wait3A_131 = arith.constant 0 : i32
          %dma_wait3A_132 = tpu.memref_slice %arg11[%run_scoped3A_77, %dma_wait3A_131] : memref<2x128xi32, #tpu.memory_space<vmem>> -> memref<1x128xi32, #tpu.memory_space<vmem>>
          %dma_wait3A_133 = tpu.memref_squeeze %dma_wait3A_132 : memref<1x128xi32, #tpu.memory_space<vmem>> -> memref<128xi32, #tpu.memory_space<vmem>>
          %dma_wait3A_134 = arith.constant 0 : i32
          %dma_wait3A_135 = arith.constant 0 : i32
          %dma_wait3A_136 = tpu.memref_slice %arg14[%dma_wait3A_134, %dma_wait3A_135] : memref<10112x64xf32, #tpu.memory_space<vmem_shared>> -> memref<10112x64xf32, #tpu.memory_space<vmem_shared>>
          tpu.wait_indirect_dma semaphore(%run_scoped3A_116 : memref<!tpu.dma_semaphore, #tpu.memory_space<semaphore_mem>>) src(%dma_wait3A_130 : memref<128x64xf32, #tpu.memory_space<vmem>>) dst(%dma_wait3A_136 : memref<10112x64xf32, #tpu.memory_space<vmem_shared>>)
          tpu.yield
        }) : () -> ()
        %run_scoped3A_78 = arith.constant 0 : i32
        "tpu.region"() ({
          %run_scoped3A_116 = tpu.sem_alloc : memref<!tpu.dma_semaphore, #tpu.memory_space<semaphore_mem>>
          %dma_start3A_117 = arith.constant 0 : i32
          %dma_start3A_118 = tpu.memref_slice %arg11[%run_scoped3A_78, %dma_start3A_117] : memref<2x128xi32, #tpu.memory_space<vmem>> -> memref<1x128xi32, #tpu.memory_space<vmem>>
          %dma_start3A_119 = tpu.memref_squeeze %dma_start3A_118 : memref<1x128xi32, #tpu.memory_space<vmem>> -> memref<128xi32, #tpu.memory_space<vmem>>
          %dma_start3A_120 = arith.constant 0 : i32
          %dma_start3A_121 = arith.constant 0 : i32
          %dma_start3A_122 = tpu.memref_slice %arg15[%dma_start3A_120, %dma_start3A_121] : memref<10112x16xf32, #tpu.memory_space<vmem_shared>> -> memref<10112x16xf32, #tpu.memory_space<vmem_shared>>
          tpu.enqueue_indirect_dma source(%arg13 : memref<128x16xf32, #tpu.memory_space<vmem>>) target(%dma_start3A_122 : memref<10112x16xf32, #tpu.memory_space<vmem_shared>>) offsets(%dma_start3A_119 : memref<128xi32, #tpu.memory_space<vmem>>) semaphore(%run_scoped3A_116 : memref<!tpu.dma_semaphore, #tpu.memory_space<semaphore_mem>>) {add = true}
          %dma_wait3A_123 = arith.constant 0 : i32
          %dma_wait3A_124 = tpu.memref_slice %arg11[%run_scoped3A_78, %dma_wait3A_123] : memref<2x128xi32, #tpu.memory_space<vmem>> -> memref<1x128xi32, #tpu.memory_space<vmem>>
          %dma_wait3A_125 = tpu.memref_squeeze %dma_wait3A_124 : memref<1x128xi32, #tpu.memory_space<vmem>> -> memref<128xi32, #tpu.memory_space<vmem>>
          %dma_wait3A_126 = arith.constant 0 : i32
          %dma_wait3A_127 = arith.constant 0 : i32
          %dma_wait3A_128 = tpu.memref_slice %arg15[%dma_wait3A_126, %dma_wait3A_127] : memref<10112x16xf32, #tpu.memory_space<vmem_shared>> -> memref<10112x16xf32, #tpu.memory_space<vmem_shared>>
          tpu.wait_indirect_dma semaphore(%run_scoped3A_116 : memref<!tpu.dma_semaphore, #tpu.memory_space<semaphore_mem>>) src(%arg13 : memref<128x16xf32, #tpu.memory_space<vmem>>) dst(%dma_wait3A_128 : memref<10112x16xf32, #tpu.memory_space<vmem_shared>>)
          tpu.yield
        }) : () -> ()
        %add3A_79 = arith.constant 1 : i32
        %add3A_80 = arith.addi %add3A_44, %add3A_79 : i32
        %add3A_81 = arith.constant 1 : i32
        %add3A_82 = arith.addi %add3A_80, %add3A_81 : i32
        %lt3A_83 = arith.constant 120 : i32
        %lt3A_84 = arith.cmpi slt, %add3A_82, %lt3A_83 : i32
        %convert_element_type3A_85 = arith.extui %lt3A_84 : i1 to i32
        %cond3A_86 = arith.constant 0 : i32
        %cond3A_87 = arith.cmpi ne, %convert_element_type3A_85, %cond3A_86 : i32
        scf.if %cond3A_87 {
          %add3A_116 = arith.addi %add3A_11, %add3A_80 : i32
          %add3A_117 = arith.constant 1 : i32
          %add3A_118 = arith.addi %add3A_116, %add3A_117 : i32
          %dma_start3A_119 = arith.constant 0 : i32
          %dma_start3A_120 = arith.constant 0 : i32
          %dma_start3A_121 = tpu.memref_slice %arg11[%dma_start3A_119, %dma_start3A_120] : memref<2x128xi32, #tpu.memory_space<vmem>> -> memref<1x128xi32, #tpu.memory_space<vmem>>
          %dma_start3A_122 = tpu.memref_squeeze %dma_start3A_121 : memref<1x128xi32, #tpu.memory_space<vmem>> -> memref<128xi32, #tpu.memory_space<vmem>>
          %dma_start3A_123 = arith.constant 0 : i32
          %dma_start3A_124 = tpu.memref_slice %arg4[%add3A_118, %dma_start3A_123] : memref<6400x128xi32, #tpu.memory_space<hbm>> -> memref<1x128xi32, #tpu.memory_space<hbm>>
          %dma_start3A_125 = tpu.memref_squeeze %dma_start3A_124 : memref<1x128xi32, #tpu.memory_space<hbm>> -> memref<128xi32, #tpu.memory_space<hbm>>
          %dma_start3A_126 = arith.constant 0 : i32
          %dma_start3A_127 = tpu.memref_slice %arg11[%dma_start3A_119, %dma_start3A_126] : memref<2x128xi32, #tpu.memory_space<vmem>> -> memref<1x128xi32, #tpu.memory_space<vmem>>
          %dma_start3A_128 = tpu.memref_squeeze %dma_start3A_127 : memref<1x128xi32, #tpu.memory_space<vmem>> -> memref<128xi32, #tpu.memory_space<vmem>>
          %dma_start3A_129 = arith.constant 0 : i32
          %dma_start3A_130 = tpu.memref_slice %arg4[%add3A_118, %dma_start3A_129] : memref<6400x128xi32, #tpu.memory_space<hbm>> -> memref<1x128xi32, #tpu.memory_space<hbm>>
          %dma_start3A_131 = tpu.memref_squeeze %dma_start3A_130 : memref<1x128xi32, #tpu.memory_space<hbm>> -> memref<128xi32, #tpu.memory_space<hbm>>
          tpu.enqueue_dma source(%dma_start3A_131 : memref<128xi32, #tpu.memory_space<hbm>>) target(%dma_start3A_128 : memref<128xi32, #tpu.memory_space<vmem>>) target_semaphore(%arg18 : memref<!tpu.dma_semaphore, #tpu.memory_space<semaphore_mem>>)
          %add3A_132 = arith.constant 1 : i32
          %add3A_133 = arith.addi %add3A_80, %add3A_132 : i32
          %dma_start3A_134 = arith.constant 0 : i32
          %dma_start3A_135 = arith.constant 0 : i32
          %dma_start3A_136 = arith.constant 0 : i32
          %dma_start3A_137 = tpu.memref_slice %arg12[%dma_start3A_134, %dma_start3A_135, %dma_start3A_136] : memref<2x128x64xf32, #tpu.memory_space<vmem>> -> memref<1x128x64xf32, #tpu.memory_space<vmem>>
          %dma_start3A_138 = tpu.memref_squeeze %dma_start3A_137 : memref<1x128x64xf32, #tpu.memory_space<vmem>> -> memref<128x64xf32, #tpu.memory_space<vmem>>
          %dma_start3A_139 = arith.constant 0 : i32
          %dma_start3A_140 = tpu.memref_slice %arg10[%add3A_133, %dma_start3A_139] : memref<280x128xi32, #tpu.memory_space<vmem>> -> memref<1x128xi32, #tpu.memory_space<vmem>>
          %dma_start3A_141 = tpu.memref_squeeze %dma_start3A_140 : memref<1x128xi32, #tpu.memory_space<vmem>> -> memref<128xi32, #tpu.memory_space<vmem>>
          %dma_start3A_142 = arith.constant 0 : i32
          %dma_start3A_143 = arith.constant 0 : i32
          %dma_start3A_144 = tpu.memref_slice %arg2[%dma_start3A_142, %dma_start3A_143] : memref<50000x64xf32, #tpu.memory_space<hbm>> -> memref<50000x64xf32, #tpu.memory_space<hbm>>
          tpu.enqueue_indirect_dma source(%dma_start3A_144 : memref<50000x64xf32, #tpu.memory_space<hbm>>) target(%dma_start3A_138 : memref<128x64xf32, #tpu.memory_space<vmem>>) offsets(%dma_start3A_141 : memref<128xi32, #tpu.memory_space<vmem>>) semaphore(%arg16 : memref<!tpu.dma_semaphore, #tpu.memory_space<semaphore_mem>>)
        } else {
        }
        %dma_wait3A_88 = arith.constant 1 : i32
        %dma_wait3A_89 = arith.constant 0 : i32
        %dma_wait3A_90 = arith.constant 0 : i32
        %dma_wait3A_91 = tpu.memref_slice %arg12[%dma_wait3A_88, %dma_wait3A_89, %dma_wait3A_90] : memref<2x128x64xf32, #tpu.memory_space<vmem>> -> memref<1x128x64xf32, #tpu.memory_space<vmem>>
        %dma_wait3A_92 = tpu.memref_squeeze %dma_wait3A_91 : memref<1x128x64xf32, #tpu.memory_space<vmem>> -> memref<128x64xf32, #tpu.memory_space<vmem>>
        %dma_wait3A_93 = arith.constant 0 : i32
        %dma_wait3A_94 = tpu.memref_slice %arg10[%add3A_80, %dma_wait3A_93] : memref<280x128xi32, #tpu.memory_space<vmem>> -> memref<1x128xi32, #tpu.memory_space<vmem>>
        %dma_wait3A_95 = tpu.memref_squeeze %dma_wait3A_94 : memref<1x128xi32, #tpu.memory_space<vmem>> -> memref<128xi32, #tpu.memory_space<vmem>>
        %dma_wait3A_96 = arith.constant 0 : i32
        %dma_wait3A_97 = arith.constant 0 : i32
        %dma_wait3A_98 = tpu.memref_slice %arg2[%dma_wait3A_96, %dma_wait3A_97] : memref<50000x64xf32, #tpu.memory_space<hbm>> -> memref<50000x64xf32, #tpu.memory_space<hbm>>
        tpu.wait_indirect_dma semaphore(%arg17 : memref<!tpu.dma_semaphore, #tpu.memory_space<semaphore_mem>>) src(%dma_wait3A_98 : memref<50000x64xf32, #tpu.memory_space<hbm>>) dst(%dma_wait3A_92 : memref<128x64xf32, #tpu.memory_space<vmem>>)
        %add3A_99 = arith.addi %add3A_11, %add3A_80 : i32
        %dma_wait3A_100 = arith.constant 1 : i32
        %dma_wait3A_101 = arith.constant 0 : i32
        %dma_wait3A_102 = tpu.memref_slice %arg11[%dma_wait3A_100, %dma_wait3A_101] : memref<2x128xi32, #tpu.memory_space<vmem>> -> memref<1x128xi32, #tpu.memory_space<vmem>>
        %dma_wait3A_103 = tpu.memref_squeeze %dma_wait3A_102 : memref<1x128xi32, #tpu.memory_space<vmem>> -> memref<128xi32, #tpu.memory_space<vmem>>
        %dma_wait3A_104 = arith.constant 0 : i32
        %dma_wait3A_105 = tpu.memref_slice %arg4[%add3A_99, %dma_wait3A_104] : memref<6400x128xi32, #tpu.memory_space<hbm>> -> memref<1x128xi32, #tpu.memory_space<hbm>>
        %dma_wait3A_106 = tpu.memref_squeeze %dma_wait3A_105 : memref<1x128xi32, #tpu.memory_space<hbm>> -> memref<128xi32, #tpu.memory_space<hbm>>
        %dma_wait3A_107 = arith.constant 0 : i32
        %dma_wait3A_108 = tpu.memref_slice %arg11[%dma_wait3A_100, %dma_wait3A_107] : memref<2x128xi32, #tpu.memory_space<vmem>> -> memref<1x128xi32, #tpu.memory_space<vmem>>
        %dma_wait3A_109 = tpu.memref_squeeze %dma_wait3A_108 : memref<1x128xi32, #tpu.memory_space<vmem>> -> memref<128xi32, #tpu.memory_space<vmem>>
        %dma_wait3A_110 = arith.constant 0 : i32
        %dma_wait3A_111 = tpu.memref_slice %arg4[%add3A_99, %dma_wait3A_110] : memref<6400x128xi32, #tpu.memory_space<hbm>> -> memref<1x128xi32, #tpu.memory_space<hbm>>
        %dma_wait3A_112 = tpu.memref_squeeze %dma_wait3A_111 : memref<1x128xi32, #tpu.memory_space<hbm>> -> memref<128xi32, #tpu.memory_space<hbm>>
        tpu.wait_dma2 semaphore(%arg19 : memref<!tpu.dma_semaphore, #tpu.memory_space<semaphore_mem>>) src(%dma_wait3A_112 : memref<128xi32, #tpu.memory_space<hbm>>) dst(%dma_wait3A_109 : memref<128xi32, #tpu.memory_space<vmem>>)
        %run_scoped3A_113 = arith.constant 1 : i32
        %run_scoped3A_114 = arith.constant 1 : i32
        "tpu.region"() ({
          %run_scoped3A_116 = tpu.sem_alloc : memref<!tpu.dma_semaphore, #tpu.memory_space<semaphore_mem>>
          %dma_start3A_117 = arith.constant 0 : i32
          %dma_start3A_118 = arith.constant 0 : i32
          %dma_start3A_119 = tpu.memref_slice %arg12[%run_scoped3A_113, %dma_start3A_117, %dma_start3A_118] : memref<2x128x64xf32, #tpu.memory_space<vmem>> -> memref<1x128x64xf32, #tpu.memory_space<vmem>>
          %dma_start3A_120 = tpu.memref_squeeze %dma_start3A_119 : memref<1x128x64xf32, #tpu.memory_space<vmem>> -> memref<128x64xf32, #tpu.memory_space<vmem>>
          %dma_start3A_121 = arith.constant 0 : i32
          %dma_start3A_122 = tpu.memref_slice %arg11[%run_scoped3A_114, %dma_start3A_121] : memref<2x128xi32, #tpu.memory_space<vmem>> -> memref<1x128xi32, #tpu.memory_space<vmem>>
          %dma_start3A_123 = tpu.memref_squeeze %dma_start3A_122 : memref<1x128xi32, #tpu.memory_space<vmem>> -> memref<128xi32, #tpu.memory_space<vmem>>
          %dma_start3A_124 = arith.constant 0 : i32
          %dma_start3A_125 = arith.constant 0 : i32
          %dma_start3A_126 = tpu.memref_slice %arg14[%dma_start3A_124, %dma_start3A_125] : memref<10112x64xf32, #tpu.memory_space<vmem_shared>> -> memref<10112x64xf32, #tpu.memory_space<vmem_shared>>
          tpu.enqueue_indirect_dma source(%dma_start3A_120 : memref<128x64xf32, #tpu.memory_space<vmem>>) target(%dma_start3A_126 : memref<10112x64xf32, #tpu.memory_space<vmem_shared>>) offsets(%dma_start3A_123 : memref<128xi32, #tpu.memory_space<vmem>>) semaphore(%run_scoped3A_116 : memref<!tpu.dma_semaphore, #tpu.memory_space<semaphore_mem>>) {add = true}
          %dma_wait3A_127 = arith.constant 0 : i32
          %dma_wait3A_128 = arith.constant 0 : i32
          %dma_wait3A_129 = tpu.memref_slice %arg12[%run_scoped3A_113, %dma_wait3A_127, %dma_wait3A_128] : memref<2x128x64xf32, #tpu.memory_space<vmem>> -> memref<1x128x64xf32, #tpu.memory_space<vmem>>
          %dma_wait3A_130 = tpu.memref_squeeze %dma_wait3A_129 : memref<1x128x64xf32, #tpu.memory_space<vmem>> -> memref<128x64xf32, #tpu.memory_space<vmem>>
          %dma_wait3A_131 = arith.constant 0 : i32
          %dma_wait3A_132 = tpu.memref_slice %arg11[%run_scoped3A_114, %dma_wait3A_131] : memref<2x128xi32, #tpu.memory_space<vmem>> -> memref<1x128xi32, #tpu.memory_space<vmem>>
          %dma_wait3A_133 = tpu.memref_squeeze %dma_wait3A_132 : memref<1x128xi32, #tpu.memory_space<vmem>> -> memref<128xi32, #tpu.memory_space<vmem>>
          %dma_wait3A_134 = arith.constant 0 : i32
          %dma_wait3A_135 = arith.constant 0 : i32
          %dma_wait3A_136 = tpu.memref_slice %arg14[%dma_wait3A_134, %dma_wait3A_135] : memref<10112x64xf32, #tpu.memory_space<vmem_shared>> -> memref<10112x64xf32, #tpu.memory_space<vmem_shared>>
          tpu.wait_indirect_dma semaphore(%run_scoped3A_116 : memref<!tpu.dma_semaphore, #tpu.memory_space<semaphore_mem>>) src(%dma_wait3A_130 : memref<128x64xf32, #tpu.memory_space<vmem>>) dst(%dma_wait3A_136 : memref<10112x64xf32, #tpu.memory_space<vmem_shared>>)
          tpu.yield
        }) : () -> ()
        %run_scoped3A_115 = arith.constant 1 : i32
        "tpu.region"() ({
          %run_scoped3A_116 = tpu.sem_alloc : memref<!tpu.dma_semaphore, #tpu.memory_space<semaphore_mem>>
          %dma_start3A_117 = arith.constant 0 : i32
          %dma_start3A_118 = tpu.memref_slice %arg11[%run_scoped3A_115, %dma_start3A_117] : memref<2x128xi32, #tpu.memory_space<vmem>> -> memref<1x128xi32, #tpu.memory_space<vmem>>
          %dma_start3A_119 = tpu.memref_squeeze %dma_start3A_118 : memref<1x128xi32, #tpu.memory_space<vmem>> -> memref<128xi32, #tpu.memory_space<vmem>>
          %dma_start3A_120 = arith.constant 0 : i32
          %dma_start3A_121 = arith.constant 0 : i32
          %dma_start3A_122 = tpu.memref_slice %arg15[%dma_start3A_120, %dma_start3A_121] : memref<10112x16xf32, #tpu.memory_space<vmem_shared>> -> memref<10112x16xf32, #tpu.memory_space<vmem_shared>>
          tpu.enqueue_indirect_dma source(%arg13 : memref<128x16xf32, #tpu.memory_space<vmem>>) target(%dma_start3A_122 : memref<10112x16xf32, #tpu.memory_space<vmem_shared>>) offsets(%dma_start3A_119 : memref<128xi32, #tpu.memory_space<vmem>>) semaphore(%run_scoped3A_116 : memref<!tpu.dma_semaphore, #tpu.memory_space<semaphore_mem>>) {add = true}
          %dma_wait3A_123 = arith.constant 0 : i32
          %dma_wait3A_124 = tpu.memref_slice %arg11[%run_scoped3A_115, %dma_wait3A_123] : memref<2x128xi32, #tpu.memory_space<vmem>> -> memref<1x128xi32, #tpu.memory_space<vmem>>
          %dma_wait3A_125 = tpu.memref_squeeze %dma_wait3A_124 : memref<1x128xi32, #tpu.memory_space<vmem>> -> memref<128xi32, #tpu.memory_space<vmem>>
          %dma_wait3A_126 = arith.constant 0 : i32
          %dma_wait3A_127 = arith.constant 0 : i32
          %dma_wait3A_128 = tpu.memref_slice %arg15[%dma_wait3A_126, %dma_wait3A_127] : memref<10112x16xf32, #tpu.memory_space<vmem_shared>> -> memref<10112x16xf32, #tpu.memory_space<vmem_shared>>
          tpu.wait_indirect_dma semaphore(%run_scoped3A_116 : memref<!tpu.dma_semaphore, #tpu.memory_space<semaphore_mem>>) src(%arg13 : memref<128x16xf32, #tpu.memory_space<vmem>>) dst(%dma_wait3A_128 : memref<10112x16xf32, #tpu.memory_space<vmem_shared>>)
          tpu.yield
        }) : () -> ()
      }
      %scan3A_39 = arith.constant 60 : i32
    } else {
    }
    %barrier3A_8 = arith.constant 0 : index
    tpu.barrier barrier_id(%barrier3A_8)
    "tpu.region"() ({
      %run_scoped3A = tpu.sem_alloc : memref<!tpu.dma_semaphore, #tpu.memory_space<semaphore_mem>>
      %dma_start3A = arith.constant 0 : i32
      %dma_start3A_9 = tpu.memref_slice %arg8[%arg0, %mul3A_0, %dma_start3A] : memref<2x10112x64xf32, #tpu.memory_space<hbm>> -> memref<1x632x64xf32, #tpu.memory_space<hbm>>
      %dma_start3A_10 = tpu.memref_squeeze %dma_start3A_9 : memref<1x632x64xf32, #tpu.memory_space<hbm>> -> memref<632x64xf32, #tpu.memory_space<hbm>>
      %dma_start3A_11 = arith.constant 0 : i32
      %dma_start3A_12 = tpu.memref_slice %arg14[%mul3A_0, %dma_start3A_11] : memref<10112x64xf32, #tpu.memory_space<vmem_shared>> -> memref<632x64xf32, #tpu.memory_space<vmem_shared>>
      tpu.enqueue_dma source(%dma_start3A_12 : memref<632x64xf32, #tpu.memory_space<vmem_shared>>) target(%dma_start3A_10 : memref<632x64xf32, #tpu.memory_space<hbm>>) target_semaphore(%run_scoped3A : memref<!tpu.dma_semaphore, #tpu.memory_space<semaphore_mem>>)
      %dma_wait3A = arith.constant 0 : i32
      %dma_wait3A_13 = tpu.memref_slice %arg8[%arg0, %mul3A_0, %dma_wait3A] : memref<2x10112x64xf32, #tpu.memory_space<hbm>> -> memref<1x632x64xf32, #tpu.memory_space<hbm>>
      %dma_wait3A_14 = tpu.memref_squeeze %dma_wait3A_13 : memref<1x632x64xf32, #tpu.memory_space<hbm>> -> memref<632x64xf32, #tpu.memory_space<hbm>>
      %dma_wait3A_15 = arith.constant 0 : i32
      %dma_wait3A_16 = tpu.memref_slice %arg14[%mul3A_0, %dma_wait3A_15] : memref<10112x64xf32, #tpu.memory_space<vmem_shared>> -> memref<632x64xf32, #tpu.memory_space<vmem_shared>>
      tpu.wait_dma2 semaphore(%run_scoped3A : memref<!tpu.dma_semaphore, #tpu.memory_space<semaphore_mem>>) src(%dma_wait3A_16 : memref<632x64xf32, #tpu.memory_space<vmem_shared>>) dst(%dma_wait3A_14 : memref<632x64xf32, #tpu.memory_space<hbm>>)
      tpu.yield
    }) : () -> ()
    "tpu.region"() ({
      %run_scoped3A = tpu.sem_alloc : memref<!tpu.dma_semaphore, #tpu.memory_space<semaphore_mem>>
      %dma_start3A = arith.constant 0 : i32
      %dma_start3A_9 = tpu.memref_slice %arg9[%arg0, %mul3A_0, %dma_start3A] : memref<2x10112x16xf32, #tpu.memory_space<hbm>> -> memref<1x632x16xf32, #tpu.memory_space<hbm>>
      %dma_start3A_10 = tpu.memref_squeeze %dma_start3A_9 : memref<1x632x16xf32, #tpu.memory_space<hbm>> -> memref<632x16xf32, #tpu.memory_space<hbm>>
      %dma_start3A_11 = arith.constant 0 : i32
      %dma_start3A_12 = tpu.memref_slice %arg15[%mul3A_0, %dma_start3A_11] : memref<10112x16xf32, #tpu.memory_space<vmem_shared>> -> memref<632x16xf32, #tpu.memory_space<vmem_shared>>
      tpu.enqueue_dma source(%dma_start3A_12 : memref<632x16xf32, #tpu.memory_space<vmem_shared>>) target(%dma_start3A_10 : memref<632x16xf32, #tpu.memory_space<hbm>>) target_semaphore(%run_scoped3A : memref<!tpu.dma_semaphore, #tpu.memory_space<semaphore_mem>>)
      %dma_wait3A = arith.constant 0 : i32
      %dma_wait3A_13 = tpu.memref_slice %arg9[%arg0, %mul3A_0, %dma_wait3A] : memref<2x10112x16xf32, #tpu.memory_space<hbm>> -> memref<1x632x16xf32, #tpu.memory_space<hbm>>
      %dma_wait3A_14 = tpu.memref_squeeze %dma_wait3A_13 : memref<1x632x16xf32, #tpu.memory_space<hbm>> -> memref<632x16xf32, #tpu.memory_space<hbm>>
      %dma_wait3A_15 = arith.constant 0 : i32
      %dma_wait3A_16 = tpu.memref_slice %arg15[%mul3A_0, %dma_wait3A_15] : memref<10112x16xf32, #tpu.memory_space<vmem_shared>> -> memref<632x16xf32, #tpu.memory_space<vmem_shared>>
      tpu.wait_dma2 semaphore(%run_scoped3A : memref<!tpu.dma_semaphore, #tpu.memory_space<semaphore_mem>>) src(%dma_wait3A_16 : memref<632x16xf32, #tpu.memory_space<vmem_shared>>) dst(%dma_wait3A_14 : memref<632x16xf32, #tpu.memory_space<hbm>>)
      tpu.yield
    }) : () -> ()
    return
  }
}

module attributes {stable_mosaic.version = 14 : i64} {
  func.func @_mm_body(%arg0: i32, %arg1: memref<2000x128xf32, #tpu.memory_space<vmem>>, %arg2: memref<128x64xf32, #tpu.memory_space<vmem>>, %arg3: memref<2000x64xf32, #tpu.memory_space<vmem>>) attributes {dimension_semantics = [#tpu.dimension_semantics<arbitrary>], iteration_bounds = array<i64: 25>, scalar_prefetch = 0 : i64, scratch_operands = 0 : i64, tpu.core_type = #tpu.core_type<tc>, window_params = [{transform_indices = @transform_0, window_bounds = array<i64: 2000, 128>}, {pipeline_mode = #tpu.pipeline_mode<synchronous>, transform_indices = @transform_1, window_bounds = array<i64: 128, 64>}, {transform_indices = @transform_2, window_bounds = array<i64: 2000, 64>}]} {
    %get3A = arith.constant 0 : index
    %get3A_0 = arith.constant 0 : index
    %get3A_1 = vector.load %arg1[%get3A, %get3A_0] : memref<2000x128xf32, #tpu.memory_space<vmem>>, vector<2000x128xf32>
    %get3A_2 = arith.constant 0 : index
    %get3A_3 = arith.constant 0 : index
    %get3A_4 = vector.load %arg2[%get3A_2, %get3A_3] : memref<128x64xf32, #tpu.memory_space<vmem>>, vector<128x64xf32>
    %dot_general3A = arith.constant dense<0.000000e+00> : vector<2000x64xf32>
    %dot_general3A_5 = tpu.matmul %get3A_1, %get3A_4, %dot_general3A {dimension_numbers = #tpu.dot_dimension_numbers<[1], [0], [0], [1], [0, 0, 1, 1], [], []>, transpose_lhs_hint = false} : vector<2000x128xf32>, vector<128x64xf32>, vector<2000x64xf32> -> vector<2000x64xf32>
    %swap3A = arith.constant 0 : index
    %swap3A_6 = arith.constant 0 : index
    %swap3A_7 = vector.load %arg3[%swap3A, %swap3A_6] : memref<2000x64xf32, #tpu.memory_space<vmem>>, vector<2000x64xf32>
    tpu.vector_store %arg3[%swap3A, %swap3A_6], %dot_general3A_5 {strides = array<i32>} : memref<2000x64xf32, #tpu.memory_space<vmem>>, vector<2000x64xf32>,
    return
  }
  func.func @transform_0(%arg0: i32) -> (i32, i32) {
    %c0_i32 = arith.constant 0 : i32
    %c0_i32_0 = arith.constant 0 : i32
    return %arg0, %c0_i32 : i32, i32
  }
  func.func @transform_1(%arg0: i32) -> (i32, i32) {
    %c0_i32 = arith.constant 0 : i32
    %c0_i32_0 = arith.constant 0 : i32
    %c0_i32_1 = arith.constant 0 : i32
    return %c0_i32, %c0_i32_0 : i32, i32
  }
  func.func @transform_2(%arg0: i32) -> (i32, i32) {
    %c0_i32 = arith.constant 0 : i32
    %c0_i32_0 = arith.constant 0 : i32
    return %arg0, %c0_i32 : i32, i32
  }
}

module attributes {stable_mosaic.version = 14 : i64} {
  func.func @_combine1_body(%arg0: i32, %arg1: memref<1000x128xf32, #tpu.memory_space<vmem>>, %arg2: memref<128x64xf32, #tpu.memory_space<vmem>>, %arg3: memref<1x64xf32, #tpu.memory_space<vmem>>, %arg4: memref<1000x64xf32, #tpu.memory_space<vmem>>, %arg5: memref<1000x64xf32, #tpu.memory_space<vmem>>, %arg6: memref<1000x16xf32, #tpu.memory_space<vmem>>, %arg7: memref<1000x16xf32, #tpu.memory_space<vmem>>, %arg8: memref<64x64xf32, #tpu.memory_space<vmem>>, %arg9: memref<1000x64xf32, #tpu.memory_space<vmem>>, %arg10: memref<1000x64xf32, #tpu.memory_space<vmem>>) attributes {dimension_semantics = [#tpu.dimension_semantics<arbitrary>], iteration_bounds = array<i64: 10>, scalar_prefetch = 0 : i64, scratch_operands = 0 : i64, tpu.core_type = #tpu.core_type<tc>, window_params = [{transform_indices = @transform_0, window_bounds = array<i64: 1000, 128>}, {pipeline_mode = #tpu.pipeline_mode<synchronous>, transform_indices = @transform_1, window_bounds = array<i64: 128, 64>}, {pipeline_mode = #tpu.pipeline_mode<synchronous>, transform_indices = @transform_2, window_bounds = array<i64: 1, 64>}, {transform_indices = @transform_3, window_bounds = array<i64: 1000, 64>}, {transform_indices = @transform_4, window_bounds = array<i64: 1000, 64>}, {transform_indices = @transform_5, window_bounds = array<i64: 1000, 16>}, {transform_indices = @transform_6, window_bounds = array<i64: 1000, 16>}, {pipeline_mode = #tpu.pipeline_mode<synchronous>, transform_indices = @transform_7, window_bounds = array<i64: 64, 64>}, {transform_indices = @transform_8, window_bounds = array<i64: 1000, 64>}, {transform_indices = @transform_9, window_bounds = array<i64: 1000, 64>}]} {
    %get3A = arith.constant 0 : index
    %get3A_0 = arith.constant 0 : index
    %get3A_1 = vector.load %arg6[%get3A, %get3A_0] : memref<1000x16xf32, #tpu.memory_space<vmem>>, vector<1000x1xf32>
    %get3A_2 = arith.constant 0 : index
    %get3A_3 = arith.constant 0 : index
    %get3A_4 = vector.load %arg7[%get3A_2, %get3A_3] : memref<1000x16xf32, #tpu.memory_space<vmem>>, vector<1000x1xf32>
    %add3A = arith.addf %get3A_1, %get3A_4 : vector<1000x1xf32>
    %get3A_5 = arith.constant 0 : index
    %get3A_6 = arith.constant 0 : index
    %get3A_7 = vector.load %arg4[%get3A_5, %get3A_6] : memref<1000x64xf32, #tpu.memory_space<vmem>>, vector<1000x64xf32>
    %get3A_8 = arith.constant 0 : index
    %get3A_9 = arith.constant 0 : index
    %get3A_10 = vector.load %arg5[%get3A_8, %get3A_9] : memref<1000x64xf32, #tpu.memory_space<vmem>>, vector<1000x64xf32>
    %add3A_11 = arith.addf %get3A_7, %get3A_10 : vector<1000x64xf32>
    %max3A = arith.constant 1.000000e+00 : f32
    %max3A_12 = vector.broadcast %max3A : f32 to vector<1000x1xf32>
    %max3A_13 = arith.maximumf %add3A, %max3A_12 : vector<1000x1xf32>
    %div3A = vector.broadcast %max3A_13 : vector<1000x1xf32> to vector<1000x64xf32>
    %div3A_14 = arith.divf %add3A_11, %div3A : vector<1000x64xf32>
    %get3A_15 = arith.constant 0 : index
    %get3A_16 = arith.constant 0 : index
    %get3A_17 = vector.load %arg1[%get3A_15, %get3A_16] : memref<1000x128xf32, #tpu.memory_space<vmem>>, vector<1000x128xf32>
    %get3A_18 = arith.constant 0 : index
    %get3A_19 = arith.constant 0 : index
    %get3A_20 = vector.load %arg2[%get3A_18, %get3A_19] : memref<128x64xf32, #tpu.memory_space<vmem>>, vector<128x64xf32>
    %dot_general3A = arith.constant dense<0.000000e+00> : vector<1000x64xf32>
    %dot_general3A_21 = tpu.matmul %get3A_17, %get3A_20, %dot_general3A {dimension_numbers = #tpu.dot_dimension_numbers<[1], [0], [0], [1], [0, 0, 1, 1], [], []>, transpose_lhs_hint = false} : vector<1000x128xf32>, vector<128x64xf32>, vector<1000x64xf32> -> vector<1000x64xf32>
    %get3A_22 = arith.constant 0 : index
    %get3A_23 = arith.constant 0 : index
    %get3A_24 = vector.load %arg3[%get3A_22, %get3A_23] : memref<1x64xf32, #tpu.memory_space<vmem>>, vector<1x64xf32>
    %add3A_25 = vector.broadcast %get3A_24 : vector<1x64xf32> to vector<1000x64xf32>
    %add3A_26 = arith.addf %dot_general3A_21, %add3A_25 : vector<1000x64xf32>
    %add3A_27 = arith.addf %add3A_26, %div3A_14 : vector<1000x64xf32>
    %max3A_28 = arith.constant 0.000000e+00 : f32
    %max3A_29 = vector.broadcast %max3A_28 : f32 to vector<1000x64xf32>
    %max3A_30 = arith.maximumf %add3A_27, %max3A_29 : vector<1000x64xf32>
    %swap3A = arith.constant 0 : index
    %swap3A_31 = arith.constant 0 : index
    %swap3A_32 = vector.load %arg9[%swap3A, %swap3A_31] : memref<1000x64xf32, #tpu.memory_space<vmem>>, vector<1000x64xf32>
    tpu.vector_store %arg9[%swap3A, %swap3A_31], %max3A_30 {strides = array<i32>} : memref<1000x64xf32, #tpu.memory_space<vmem>>, vector<1000x64xf32>,
    %get3A_33 = arith.constant 0 : index
    %get3A_34 = arith.constant 0 : index
    %get3A_35 = vector.load %arg8[%get3A_33, %get3A_34] : memref<64x64xf32, #tpu.memory_space<vmem>>, vector<64x64xf32>
    %dot_general3A_36 = arith.constant dense<0.000000e+00> : vector<1000x64xf32>
    %dot_general3A_37 = tpu.matmul %max3A_30, %get3A_35, %dot_general3A_36 {dimension_numbers = #tpu.dot_dimension_numbers<[1], [0], [0], [1], [0, 0, 1, 1], [], []>, transpose_lhs_hint = false} : vector<1000x64xf32>, vector<64x64xf32>, vector<1000x64xf32> -> vector<1000x64xf32>
    %swap3A_38 = arith.constant 0 : index
    %swap3A_39 = arith.constant 0 : index
    %swap3A_40 = vector.load %arg10[%swap3A_38, %swap3A_39] : memref<1000x64xf32, #tpu.memory_space<vmem>>, vector<1000x64xf32>
    tpu.vector_store %arg10[%swap3A_38, %swap3A_39], %dot_general3A_37 {strides = array<i32>} : memref<1000x64xf32, #tpu.memory_space<vmem>>, vector<1000x64xf32>,
    return
  }
  func.func @transform_0(%arg0: i32) -> (i32, i32) {
    %c0_i32 = arith.constant 0 : i32
    %c0_i32_0 = arith.constant 0 : i32
    return %arg0, %c0_i32 : i32, i32
  }
  func.func @transform_1(%arg0: i32) -> (i32, i32) {
    %c0_i32 = arith.constant 0 : i32
    %c0_i32_0 = arith.constant 0 : i32
    %c0_i32_1 = arith.constant 0 : i32
    return %c0_i32, %c0_i32_0 : i32, i32
  }
  func.func @transform_2(%arg0: i32) -> (i32, i32) {
    %c0_i32 = arith.constant 0 : i32
    %c0_i32_0 = arith.constant 0 : i32
    %c0_i32_1 = arith.constant 0 : i32
    return %c0_i32, %c0_i32_0 : i32, i32
  }
  func.func @transform_3(%arg0: i32) -> (i32, i32) {
    %c0_i32 = arith.constant 0 : i32
    %c0_i32_0 = arith.constant 0 : i32
    return %arg0, %c0_i32 : i32, i32
  }
  func.func @transform_4(%arg0: i32) -> (i32, i32) {
    %c0_i32 = arith.constant 0 : i32
    %c0_i32_0 = arith.constant 0 : i32
    return %arg0, %c0_i32 : i32, i32
  }
  func.func @transform_5(%arg0: i32) -> (i32, i32) {
    %c0_i32 = arith.constant 0 : i32
    %c0_i32_0 = arith.constant 0 : i32
    return %arg0, %c0_i32 : i32, i32
  }
  func.func @transform_6(%arg0: i32) -> (i32, i32) {
    %c0_i32 = arith.constant 0 : i32
    %c0_i32_0 = arith.constant 0 : i32
    return %arg0, %c0_i32 : i32, i32
  }
  func.func @transform_7(%arg0: i32) -> (i32, i32) {
    %c0_i32 = arith.constant 0 : i32
    %c0_i32_0 = arith.constant 0 : i32
    %c0_i32_1 = arith.constant 0 : i32
    return %c0_i32, %c0_i32_0 : i32, i32
  }
  func.func @transform_8(%arg0: i32) -> (i32, i32) {
    %c0_i32 = arith.constant 0 : i32
    %c0_i32_0 = arith.constant 0 : i32
    return %arg0, %c0_i32 : i32, i32
  }
  func.func @transform_9(%arg0: i32) -> (i32, i32) {
    %c0_i32 = arith.constant 0 : i32
    %c0_i32_0 = arith.constant 0 : i32
    return %arg0, %c0_i32 : i32, i32
  }
}

module attributes {stable_mosaic.version = 14 : i64} {
  func.func @_combine2_body(%arg0: i32, %arg1: memref<2048x64xf32, #tpu.memory_space<vmem>>, %arg2: memref<64x64xf32, #tpu.memory_space<vmem>>, %arg3: memref<1x64xf32, #tpu.memory_space<vmem>>, %arg4: memref<2048x64xf32, #tpu.memory_space<vmem>>, %arg5: memref<2048x64xf32, #tpu.memory_space<vmem>>, %arg6: memref<2048x16xf32, #tpu.memory_space<vmem>>, %arg7: memref<2048x16xf32, #tpu.memory_space<vmem>>, %arg8: memref<2048x64xf32, #tpu.memory_space<vmem>>) attributes {dimension_semantics = [#tpu.dimension_semantics<arbitrary>], iteration_bounds = array<i64: 1>, scalar_prefetch = 0 : i64, scratch_operands = 0 : i64, tpu.core_type = #tpu.core_type<tc>, window_params = [{pipeline_mode = #tpu.pipeline_mode<synchronous>, transform_indices = @transform_0, window_bounds = array<i64: 2048, 64>}, {pipeline_mode = #tpu.pipeline_mode<synchronous>, transform_indices = @transform_1, window_bounds = array<i64: 64, 64>}, {pipeline_mode = #tpu.pipeline_mode<synchronous>, transform_indices = @transform_2, window_bounds = array<i64: 1, 64>}, {transform_indices = @transform_3, window_bounds = array<i64: 2048, 64>}, {transform_indices = @transform_4, window_bounds = array<i64: 2048, 64>}, {transform_indices = @transform_5, window_bounds = array<i64: 2048, 16>}, {transform_indices = @transform_6, window_bounds = array<i64: 2048, 16>}, {pipeline_mode = #tpu.pipeline_mode<synchronous>, transform_indices = @transform_7, window_bounds = array<i64: 2048, 64>}]} {
    %get3A = arith.constant 0 : index
    %get3A_0 = arith.constant 0 : index
    %get3A_1 = vector.load %arg6[%get3A, %get3A_0] : memref<2048x16xf32, #tpu.memory_space<vmem>>, vector<2048x1xf32>
    %get3A_2 = arith.constant 0 : index
    %get3A_3 = arith.constant 0 : index
    %get3A_4 = vector.load %arg7[%get3A_2, %get3A_3] : memref<2048x16xf32, #tpu.memory_space<vmem>>, vector<2048x1xf32>
    %add3A = arith.addf %get3A_1, %get3A_4 : vector<2048x1xf32>
    %get3A_5 = arith.constant 0 : index
    %get3A_6 = arith.constant 0 : index
    %get3A_7 = vector.load %arg4[%get3A_5, %get3A_6] : memref<2048x64xf32, #tpu.memory_space<vmem>>, vector<2048x64xf32>
    %get3A_8 = arith.constant 0 : index
    %get3A_9 = arith.constant 0 : index
    %get3A_10 = vector.load %arg5[%get3A_8, %get3A_9] : memref<2048x64xf32, #tpu.memory_space<vmem>>, vector<2048x64xf32>
    %add3A_11 = arith.addf %get3A_7, %get3A_10 : vector<2048x64xf32>
    %max3A = arith.constant 1.000000e+00 : f32
    %max3A_12 = vector.broadcast %max3A : f32 to vector<2048x1xf32>
    %max3A_13 = arith.maximumf %add3A, %max3A_12 : vector<2048x1xf32>
    %div3A = vector.broadcast %max3A_13 : vector<2048x1xf32> to vector<2048x64xf32>
    %div3A_14 = arith.divf %add3A_11, %div3A : vector<2048x64xf32>
    %get3A_15 = arith.constant 0 : index
    %get3A_16 = arith.constant 0 : index
    %get3A_17 = vector.load %arg1[%get3A_15, %get3A_16] : memref<2048x64xf32, #tpu.memory_space<vmem>>, vector<2048x64xf32>
    %get3A_18 = arith.constant 0 : index
    %get3A_19 = arith.constant 0 : index
    %get3A_20 = vector.load %arg2[%get3A_18, %get3A_19] : memref<64x64xf32, #tpu.memory_space<vmem>>, vector<64x64xf32>
    %dot_general3A = arith.constant dense<0.000000e+00> : vector<2048x64xf32>
    %dot_general3A_21 = tpu.matmul %get3A_17, %get3A_20, %dot_general3A {dimension_numbers = #tpu.dot_dimension_numbers<[1], [0], [0], [1], [0, 0, 1, 1], [], []>, transpose_lhs_hint = false} : vector<2048x64xf32>, vector<64x64xf32>, vector<2048x64xf32> -> vector<2048x64xf32>
    %get3A_22 = arith.constant 0 : index
    %get3A_23 = arith.constant 0 : index
    %get3A_24 = vector.load %arg3[%get3A_22, %get3A_23] : memref<1x64xf32, #tpu.memory_space<vmem>>, vector<1x64xf32>
    %add3A_25 = vector.broadcast %get3A_24 : vector<1x64xf32> to vector<2048x64xf32>
    %add3A_26 = arith.addf %dot_general3A_21, %add3A_25 : vector<2048x64xf32>
    %add3A_27 = arith.addf %add3A_26, %div3A_14 : vector<2048x64xf32>
    %swap3A = arith.constant 0 : index
    %swap3A_28 = arith.constant 0 : index
    %swap3A_29 = vector.load %arg8[%swap3A, %swap3A_28] : memref<2048x64xf32, #tpu.memory_space<vmem>>, vector<2048x64xf32>
    tpu.vector_store %arg8[%swap3A, %swap3A_28], %add3A_27 {strides = array<i32>} : memref<2048x64xf32, #tpu.memory_space<vmem>>, vector<2048x64xf32>,
    return
  }
  func.func @transform_0(%arg0: i32) -> (i32, i32) {
    %c0_i32 = arith.constant 0 : i32
    %c0_i32_0 = arith.constant 0 : i32
    %c0_i32_1 = arith.constant 0 : i32
    return %c0_i32, %c0_i32_0 : i32, i32
  }
  func.func @transform_1(%arg0: i32) -> (i32, i32) {
    %c0_i32 = arith.constant 0 : i32
    %c0_i32_0 = arith.constant 0 : i32
    %c0_i32_1 = arith.constant 0 : i32
    return %c0_i32, %c0_i32_0 : i32, i32
  }
  func.func @transform_2(%arg0: i32) -> (i32, i32) {
    %c0_i32 = arith.constant 0 : i32
    %c0_i32_0 = arith.constant 0 : i32
    %c0_i32_1 = arith.constant 0 : i32
    return %c0_i32, %c0_i32_0 : i32, i32
  }
  func.func @transform_3(%arg0: i32) -> (i32, i32) {
    %c0_i32 = arith.constant 0 : i32
    %c0_i32_0 = arith.constant 0 : i32
    %c0_i32_1 = arith.constant 0 : i32
    return %c0_i32, %c0_i32_0 : i32, i32
  }
  func.func @transform_4(%arg0: i32) -> (i32, i32) {
    %c0_i32 = arith.constant 0 : i32
    %c0_i32_0 = arith.constant 0 : i32
    %c0_i32_1 = arith.constant 0 : i32
    return %c0_i32, %c0_i32_0 : i32, i32
  }
  func.func @transform_5(%arg0: i32) -> (i32, i32) {
    %c0_i32 = arith.constant 0 : i32
    %c0_i32_0 = arith.constant 0 : i32
    %c0_i32_1 = arith.constant 0 : i32
    return %c0_i32, %c0_i32_0 : i32, i32
  }
  func.func @transform_6(%arg0: i32) -> (i32, i32) {
    %c0_i32 = arith.constant 0 : i32
    %c0_i32_0 = arith.constant 0 : i32
    %c0_i32_1 = arith.constant 0 : i32
    return %c0_i32, %c0_i32_0 : i32, i32
  }
  func.func @transform_7(%arg0: i32) -> (i32, i32) {
    %c0_i32 = arith.constant 0 : i32
    %c0_i32_0 = arith.constant 0 : i32
    %c0_i32_1 = arith.constant 0 : i32
    return %c0_i32, %c0_i32_0 : i32, i32
  }
}

</mosaic_0001>

<sc_bundles>
// kernel: kernel.10.cloned.1.call-start
scs
__scs_entry_jumppad:
0x0: {  	(pc) =	sbr.rel $0x88, $3  }
0x1: {  	(tag) =	ssettag $0x0;
	lr =	simm.s32 $0x1  }
0x2: {  	[smem:$0x3F98] =	sst lr;
	_ =	strace $0xD0000000  }
0x3: {  	_ = 	snop  }
0x4: {  	_ = 	snop  }
0x5: {  	_ = 	snop  }
0x6: {  	_ = 	snop  }
0x7: {  	_ = 	snop  }
__scs_overlays_trampoline_lowered:
0x8: {  	[smem:$0x3FA7] =	sst s0  }
0x9: {  	[smem:$0x3FA8] =	sst s1  }
0xa: {  	[smem:$0x3FA9] =	sst s2  }
0xb: {  	[smem:$0x3FAA] =	sst s3  }
0xc: {  	[smem:$0x3FAB] =	sst s4  }
0xd: {  	[smem:$0x3FAC] =	sst s5  }
0xe: {  	[smem:$0x3FAD] =	sst s6  }
0xf: {  	[smem:$0x3FAE] =	sst s7  }
0x10: {  	[smem:$0x3FAF] =	sst s8  }
0x11: {  	[smem:$0x3FB0] =	sst s9;
	s0 =	simm.s32 @!p0 $0x0  }
0x12: {  	s1 =	sld [smem:$0x3F96];
	s0 =	simm.s32 @p0 $0x1  }
0x13: {  	[smem:$0x3FB1] =	sst s0;
	s0 =	simm.s32 @!p1 $0x0  }
0x14: {  	s2 =	sld [smem:$0x3F95];
	s0 =	simm.s32 @p1 $0x1  }
0x15: {  	[smem:$0x3FB2] =	sst s0;
	s0 =	simm.s32 @!p2 $0x0  }
0x16: {  	s3 =	sld [smem:$0x3FDB];
	s0 =	simm.s32 @p2 $0x1  }
0x17: {  	s4 =	simm.s32 $0x1BF5;
	[smem:$0x3FB4] =	sst s0  }
0x18: {  	s0 =	sld [smem:$0x3F97];
	_ =	swait.ge [sflag:s4], $0x0  }
0x19: {  	s7 =	sld [smem:$0x3F98]  }
0x1a: {  	s8 =	sadd.s32 $0xFFFFE003, lr  }
0x1b: {  	s9 =	sadd.s32 $0xFFFFFEF7, lr;
	s5 =	simm.s32 $0xFFFFFFFF;
	p2 =	slt.u32 s8, $0xFFFFF086  }
0x1c: {  	p1 =	slt.u32 s9, $0xF7A;
	s5 =	simm.s32 @!p2 $0x0  }
0x1d: {  	s5 =	simm.s32 @p1 $0x1;
	p0 =	seq.s32 s7, s2  }
0x1e: {  	s7 =	smul.u32 @!p0 $0xF7A, s2;
	p2 =	seq.s32 @!p0 s5, $0x0  }
0x1f: {  	s9 =	smul.u32 $0xF7A, s1;
	s8 =	simm.s32 @!p0 $0x1BF5;
	p2 =	por !p2, p0  }
0x20: {  	[sflag:s8] =	ssyncset.s32 @!p0 $0xFFFFF086;
	s6 =	sadd.s32 @!p0 s3, s7;
	s7 =	simm.s32 @!p0 $0x108  }
0x21: {  	s3 =	sadd.s32 s3, s9;
	s6 =	sadd.s32 @!p0 $0x88, s6;
	s7 =	simm.s32 @p2 $0x1082  }
0x22: {  	[simem:s7], [sflag:s8] =	dma.local @!p0 [hbm:s6], $0xF7A  }
0x23: {  	s9 =	sor.u32 $0xD0000000, s2;
	s6 =	simm.s32 $0x108;
	_ =	swait.ge @!p0 [sflag:s8], $0x0  }
0x24: {  	s3 =	sadd.s32 $0x88, s3;
	s6 =	simm.s32 @!p1 $0x1082;
	[sflag:s4] =	ssyncset.s32 $0xFFFFF086  }
0x25: {  	[simem:s6], [sflag:s4] =	dma.local [hbm:s3], $0xF7A  }
0x26: {  	[smem:$0x3F98] =	sst s1;
	(tag) =	ssettag s2;
	_ =	strace s9  }
0x27: {  	s1 =	sld [smem:$0x3FA8]  }
0x28: {  	s2 =	sld [smem:$0x3FA9]  }
0x29: {  	s4 =	sld [smem:$0x3FAB]  }
0x2a: {  	p0 =	seq.s32 s5, $0x0;
	s5 =	sld [smem:$0x3FAC]  }
0x2b: {  	s6 =	sld [smem:$0x3FAD]  }
0x2c: {  	s7 =	sld [smem:$0x3FAE]  }
0x2d: {  	s3 =	simm.s32 $0x108;
	s8 =	sld [smem:$0x3FAF]  }
0x2e: {  	s3 =	simm.s32 @!p0 $0x1082;
	s9 =	sld [smem:$0x3FB0]  }
0x2f: {  	lr =	sadd.s32 s0, s3;
	s0 =	sld [smem:$0x3FA7]  }
0x30: {  	s3 =	sld [smem:$0x3FAA]  }
0x31: {  	[smem:$0x3FB3] =	sst s10  }
0x32: {  	s10 =	sld [smem:$0x3FB1];
	_ =	sdelay $0x3  }
0x33: {  	p0 =	seq.s32 s10, $0x1;
	s10 =	sld [smem:$0x3FB3];
	_ =	sdelay $0x3  }
0x34: {  	[smem:$0x3FB3] =	sst s10  }
0x35: {  	s10 =	sld [smem:$0x3FB2];
	_ =	sdelay $0x3  }
0x36: {  	p1 =	seq.s32 s10, $0x1;
	s10 =	sld [smem:$0x3FB3];
	_ =	sdelay $0x3  }
0x37: {  	[smem:$0x3FB3] =	sst s10  }
0x38: {  	s10 =	sld [smem:$0x3FB4]  }
0x39: {  	_ = 	snop;
	(pc) =	sbr.ind lr, $3  }
0x3a: {  	_ = 	snop  }
0x3b: {  	_ = 	snop  }
0x3c: {  	p2 =	seq.s32 s10, $0x1;
	s10 =	sld [smem:$0x3FB3]  }
0x3d: {  	_ =	shalt  }
0x3e: {  	_ =	shalt  }
0x3f: {  	_ =	shalt  }
0x40: {  	_ =	shalt  }
0x41: {  	_ =	shalt  }
0x42: {  	_ =	shalt  }
0x43: {  	_ =	shalt  }
0x44: {  	_ =	shalt  }
0x45: {  	_ =	shalt  }
0x46: {  	_ =	shalt  }
0x47: {  	_ =	shalt  }
0x48: {  	_ =	shalt  }
0x49: {  	_ =	shalt  }
0x4a: {  	_ =	shalt  }
0x4b: {  	_ =	shalt  }
0x4c: {  	_ =	shalt  }
0x4d: {  	_ =	shalt  }
0x4e: {  	_ =	shalt  }
0x4f: {  	_ =	shalt  }
0x50: {  	_ =	shalt  }
0x51: {  	_ =	shalt  }
0x52: {  	_ =	shalt  }
0x53: {  	_ =	shalt  }
0x54: {  	_ =	shalt  }
0x55: {  	_ =	shalt  }
0x56: {  	_ =	shalt  }
0x57: {  	_ =	shalt  }
0x58: {  	_ =	shalt  }
0x59: {  	_ =	shalt  }
0x5a: {  	_ =	shalt  }
0x5b: {  	_ =	shalt  }
0x5c: {  	_ =	shalt  }
0x5d: {  	_ =	shalt  }
0x5e: {  	_ =	shalt  }
0x5f: {  	_ =	shalt  }
0x60: {  	_ =	shalt  }
0x61: {  	_ =	shalt  }
0x62: {  	_ =	shalt  }
0x63: {  	_ =	shalt  }
0x64: {  	_ =	shalt  }
0x65: {  	_ =	shalt  }
0x66: {  	_ =	shalt  }
0x67: {  	_ =	shalt  }
0x68: {  	_ =	shalt  }
0x69: {  	_ =	shalt  }
0x6a: {  	_ =	shalt  }
0x6b: {  	_ =	shalt  }
0x6c: {  	_ =	shalt  }
0x6d: {  	_ =	shalt  }
0x6e: {  	_ =	shalt  }
0x6f: {  	_ =	shalt  }
0x70: {  	_ =	shalt  }
0x71: {  	_ =	shalt  }
0x72: {  	_ =	shalt  }
0x73: {  	_ =	shalt  }
0x74: {  	_ =	shalt  }
0x75: {  	_ =	shalt  }
0x76: {  	_ =	shalt  }
0x77: {  	_ =	shalt  }
0x78: {  	_ =	shalt  }
0x79: {  	_ =	shalt  }
0x7a: {  	_ =	shalt  }
0x7b: {  	_ =	shalt  }
0x7c: {  	_ =	shalt  }
0x7d: {  	_ =	shalt  }
0x7e: {  	_ =	shalt  }
0x7f: {  	_ =	shalt  }
0x80: {  	_ =	shalt  }
0x81: {  	_ =	shalt  }
0x82: {  	_ =	shalt  }
0x83: {  	_ =	shalt  }
0x84: {  	_ =	shalt  }
0x85: {  	_ =	shalt  }
0x86: {  	_ =	shalt  }
0x87: {  	_ =	shalt  }
.Lfunc_end0:
.L_simem_size_0:
called_computation.1_lowered:
.L_overlay_start_0:
0x88: {  	s2 =	sld [smem:$0x3FD9]  }
0x89: {  	s3 =	sld [smem:$0x3FFE];
	_ =	sdelay $0x1  }
0x8a: {  	s1 =	srdreg.scid  }
0x8b: {  	s0 =	sand.u32 $0x1, s1  }
0x8c: {  	s17 =	sshll.u32 s0, $0xA;
	s2 =	sadd.s32 s3, s2  }
0x8d: {  	s2 =	sadd.s32 s2, s17  }
0x8e: {  	[smem:$0x3FBF] =	sst s2  }
0x8f: {  	_ = 	snop  }
0x90: {  	s2 =	sld [smem:$0x3FD0];
	(tm) =	ssettm $0x1  }
0x91: {  	s18 =	sld [smem:$0x3FFB];
	_ =	sdelay $0x3  }
0x92: {  	_ =	strace s18  }
0x93: {  	s3 =	sld [smem:$0x3FFC];
	_ =	sdelay $0x3  }
0x94: {  	_ =	strace s3  }
0x95: {  	s3 =	sld [smem:$0x3FFD];
	_ =	sdelay $0x3  }
0x96: {  	_ =	strace s3  }
0x97: {  	_ =	strace $0x8FFFFFFF  }
0x98: {  	s19 =	sld [smem:$0x3FDB];
	_ =	sdelay $0x1  }
0x99: {  	s4 =	simm.s32 $_scs_section_size  }
0x9a: {  	s5 =	simm.s32 $_size__tile_overlayer_lowered;
	s6 =	simm.s32 $_tile_overlayer_lowered  }
0x9b: {  	s22 =	simm.s32 $0x1BFF;
	s21 =	sshll.u32 s6, $0x1;
	s3 =	sadd.s32 s4, s19  }
0x9c: {  	s7 =	simm.s32 $0x0;
	s20 =	sshll.u32 s5, $0x1;
	s5 =	sadd.s32 s21, s3  }
0x9d: {  	[timem:s7], [sflag:s22] =	dma.local [hbm:s5], s20  }
0x9e: {  	_ =	swait.ge [sflag:s22], s20  }
0x9f: {  	s4 =	ssub.s32 $0x0, s20;
	[sflag:s22] =	ssyncset.done $0x0  }
0xa0: {  	[sflag:s22] =	ssyncadd.s32 s4;
	_ =	sdelay $0x1  }
0xa1: {  	s23 =	simm.s32 $0x1B8B  }
0xa2: {  	_ =	swait.ge [sflag:s23], $0x1  }
0xa3: {  	[sflag:s23] =	ssyncset.done $0x0  }
0xa4: {  	s25 =	simm.s32 $0x1B8E;
	s24 =	sld [smem:$0x3FFE];
	[sflag:s23] =	ssyncadd.s32 $0xFFFFFFFF  }
0xa5: {  	s26 =	simm.s32 $execute0_lowered;
	[smem:$0x3FD2] =	sst s25  }
0xa6: {  	s5 =	sshll.u32 s26, $0x1;
	_ =	strace $0x80000049;
	[dreg:$0x1] =	wrdreg $0xFFFFFFFF  }
0xa7: {  	s28 =	simm.s32 $_size_execute0_lowered;
	s3 =	sadd.s32 s3, s5;
	[dreg:$0x0] =	wrdreg $0x0  }
0xa8: {  	s5 =	sshll.u32 s28, $0x1;
	[dreg:$0x2] =	wrdreg s3  }
0xa9: {  	[dreg:$0x3] =	wrdreg s5  }
0xaa: {  	[dreg:$0x4] =	wrdreg $0xC0  }
0xab: {  	_ =	task [dreg:s7], $0x5FFFF  }
0xac: {  	[dreg:$0x1] =	wrdreg $0xFFFFFFFF  }
0xad: {  	[dreg:$0x0] =	wrdreg $0x60  }
0xae: {  	[dreg:$0x2] =	wrdreg s24  }
0xaf: {  	[dreg:$0x3] =	wrdreg s2  }
0xb0: {  	[dreg:$0x4] =	wrdreg $0x65000  }
0xb1: {  	[dreg:$0x5] =	wrdreg $0x87000  }
0xb2: {  	[dreg:$0x6] =	wrdreg $0x9  }
0xb3: {  	_ =	task.clear_ibuf [dreg:s7], $0x7FFFF;
	_ =	strace $0x90000049  }
0xb4: {  	s29 =	simm.s32 $0x9;
	_ =	strace $0x8000004B  }
0xb5: {  	_ =	swait.ge [sflag:s29], $0x1  }
0xb6: {  	[sflag:s29] =	ssyncadd.s32 $0xFFFFFFFF  }
0xb7: {  	_ =	strace $0x9000004B  }
0xb8: {  	_ =	sfence  }
0xb9: {  	s30 =	sld [smem:$0x0];
	_ =	sdelay $0x2  }
0xba: {  	s31 =	sshll.u32 s1, $0xD;
	s1 =	sshrl.u32 s1, $0x2  }
0xbb: {  	s3 =	sand.u32 $0x4000, s31;
	s1 =	sadd.s32 s1, s30  }
0xbc: {  	s0 =	sor.u32 s3, s0;
	s1 =	sshll.u32 s1, $0x11  }
0xbd: {  	s0 =	sor.u32 s1, s0  }
0xbe: {  	s0 =	sadd.s32 $0x8F2B, s0  }
0xbf: {  	[sflag:s0] =	ssyncadd.remote.s32 $0x1  }
0xc0: {  	_ =	sfence.sel $0xFFFF  }
0xc1: {  	[dreg:$0x0] =	wrdreg $0xFFFFFFFF;
	(pc) =	sbr.abs _section_cstart, $3  }
0xc2: {  	[dreg:$0x1] =	wrdreg $0xFFFFFFFF  }
0xc3: {  	_ =	task.clear_ibuf [dreg:s7], $0x2FFFF;
	_ =	strace $0x9FFFFFFF  }
0xc4: {  	(tm) =	ssettm $0x7FFFFFFF  }
0xc5: {  	_ =	shalt  }
tec
execute0_lowered:
.L_overlay_start_1:
0x0: {  	(tag) =	ssettag $0x1  }
0x1: {  	s0 =	rddreg [dreg:$0x0]  }
0x2: {  	s1 =	rddreg [dreg:$0x1]  }
0x3: {  	s2 =	rddreg [dreg:$0x2]  }
0x4: {  	s3 =	rddreg [dreg:$0x3]  }
0x5: {  	s14 =	stileid.u32;
	s4 =	simm.s32 $0x0;
	s5 =	srdreg.scid  }
0x6: {  	s28 =	simm.s32 $0x80;
	s29 =	simm.s32 $0x1D00;
	s30 =	simm.s32 $0x1C80  }
0x7: {  	s31 =	simm.s32 $0x3D00;
	s6 =	smul.u32 $0x2200, s14;
	[smem:$0x7FF] =	sst s4  }
0x8: {  	s7 =	smul.u32 $0x880, s14;
	s12 =	sand.u32 $0x1, s5;
	s5 =	sadd.s32 $0x3000, s0  }
0x9: {  	s13 =	sadd.s32 $0x7F400, s0;
	s15 =	sadd.s32 $0x84400, s0;
	s16 =	sadd.s32 $0x35000, s0  }
0xa: {  	s23 =	sshll.u32 s14, $0x6;
	s20 =	smul.u32 $0x180, s14;
	_ =	strace $0x8000004A  }
0xb: {  	s8 =	smul.u32 $0x22000, s12;
	s26 =	ssub.s32 $0x2, s12;
	[dreg:$0x5] =	wrdreg s16  }
0xc: {  	s25 =	smul.u32 $0x8800, s12;
	p0 =	seq.s32 s12, $0x1;
	s12 =	simm.s32 $0x2  }
0xd: {  	s16 =	simm.s32 $0x0;
	s9 =	sshrl.u32 s6, $0x3;
	s10 =	sshrl.u32 s7, $0x3  }
0xe: {  	s21 =	sshrl.u32 s26, $0x1;
	s24 =	sadd.s32 s7, s3;
	s18 =	sadd.s32 $0x3800, s20  }
0xf: {  	s9 =	sadd.s32 s9, s0;
	s8 =	sadd.s32 s6, s8;
	s11 =	sadd.s32 s10, s0  }
0x10: {  	s19 =	ssub.s32 s26, s21;
	s6 =	sadd.s32 s6, s2;
	[dreg:$0x8] =	wrdreg s24  }
0x11: {  	s7 =	sadd.s32 s7, s25;
	s21 =	sadd.s32 s13, s18;
	s25 =	sadd.s32 s20, s15  }
0x12: {  	s8 =	sshrl.u32 s8, $0x3;
	[dreg:$0x6] =	wrdreg s6;
	s6 =	smul.u32 $0x380, s14  }
0x13: {  	s22 =	sadd.s32 $0x16A00, s9;
	s9 =	sor.u32 $0x1C05, s23;
	s11 =	sadd.s32 $0x1AE00, s11  }
0x14: {  	s14 =	sadd.s32 $0x84410, s0;
	[dreg:$0xb] =	wrdreg s21;
	s23 =	sadd.s32 s15, s18  }
0x15: {  	s19 =	smax.u32 s19, $0x1;
	s17 =	sadd.s32 s8, s0;
	[dreg:$0x7] =	wrdreg s22  }
0x16: {  	s22 =	sshrl.u32 s7, $0x3;
	[dreg:$0xc] =	wrdreg s23;
	s23 =	sadd.s32 $0x3820, s25  }
0x17: {  	s25 =	simm.s32 $0x5D00;
	s0 =	simm.s32 $0x1;
	s26 =	sadd.s32 s13, s6  }
.Ltmp0:
0x18: {  	s10 =	sadd.s32 s15, s6;
	s17 =	sadd.s32 $0x1C000, s17;
	(pc) =	sbr.rel .LBB2_1-.Ltmp0, $4  }
0x19: {  	s18 =	sadd.s32 s1, s22;
	s24 =	sadd.s32 $0x360, s6;
	[dreg:$0x9] =	wrdreg s26  }
0x1a: {  	s1 =	simm.s32 $0x3;
	s15 =	simm.s32 $0x4;
	[dreg:$0xd] =	wrdreg s24  }
0x1b: {  	s26 =	sadd.s32 $0x3960, s20;
	[dreg:$0xa] =	wrdreg s10;
	s6 =	sadd.s32 $0x20, s10  }
0x1c: {  	s24 =	simm.s32 $0x5;
	[dreg:$0xe] =	wrdreg s26;
	s26 =	simm.s32 $0x1C00  }
.LBB2_4:
0x1d: {  	s7 =	simm.s32 $0xFFFF9800  }
.LBB2_7:
0x1e: {  	s8 =	sadd.s32 $0xFFFFFFF0, s22;
	s7 =	sshra.s32 s7, $0x2;
	[sflag:s24] =	ssyncadd.s32 @p1 $0xFFFFF800  }
0x1f: {  	[tilespmem:s30], [sflag:$0x4] =	stream.linear.gather [hbm4b:s8+s4], $0x80, $0x38;
	[tilespmem:$0x8F80] =	vst v63  }
0x20: {  	s13 =	sadd.s32 $0x1B80, s7  }
0x21: {  	[tilespmem:s31], [sflag:$0x2] =	stream.indirect.gather [hbm4b:s5+s28], $0x40, s13, s28, $0xb8;
	[tilespmem:$0x8F80] =	vst v63  }
0x22: {  	_ =	swait.ge [sflag:s0], $0x2000  }
0x23: {  	[sflag:s0] =	ssyncset.done $0x0  }
0x24: {  	[sflag:s0] =	ssyncadd.s32 $0xFFFFE000  }
0x25: {  	_ =	swait.ge [sflag:s1], $0x80  }
0x26: {  	[sflag:s1] =	ssyncset.done $0x0  }
0x27: {  	[sflag:s1] =	ssyncadd.s32 $0xFFFFFF80  }
0x28: {  	[spmem:s2] =	stream.indirect.scatter.add.f32 [tilespmem:s29], [sflag:$0x5], $0x40, s26, s28, $0xb8;
	[tilespmem:$0x8F80] =	vst v63  }
0x29: {  	_ =	swait.ge [sflag:s24], $0x2000  }
0x2a: {  	[sflag:s24] =	ssyncset.done $0x0  }
0x2b: {  	[sflag:s24] =	ssyncadd.s32 $0xFFFFE000  }
0x2c: {  	[spmem:s3] =	stream.indirect.scatter.add.f32 [tilespmem:s25], [sflag:$0x5], $0x10, s26, s28, $0xb8;
	[tilespmem:$0x8F80] =	vst v63  }
0x2d: {  	_ =	swait.ge [sflag:s24], $0x800  }
0x2e: {  	[sflag:s24] =	ssyncset.done $0x0  }
0x2f: {  	[sflag:s24] =	ssyncadd.s32 $0xFFFFF800  }
0x30: {  	[tilespmem:s26], [sflag:$0x3] =	stream.linear.gather [hbm4b:s22+s4], $0x80, $0x38;
	[tilespmem:$0x8F80] =	vst v63  }
0x31: {  	s7 =	sadd.s32 $0x1C00, s7  }
0x32: {  	[tilespmem:s29], [sflag:$0x1] =	stream.indirect.gather [hbm4b:s5+s28], $0x40, s7, s28, $0xb8;
	[tilespmem:$0x8F80] =	vst v63  }
0x33: {  	_ =	swait.ge [sflag:s12], $0x2000  }
0x34: {  	[sflag:s12] =	ssyncset.done $0x0  }
0x35: {  	[sflag:s12] =	ssyncadd.s32 $0xFFFFE000  }
0x36: {  	_ =	swait.ge [sflag:s15], $0x80  }
0x37: {  	[sflag:s15] =	ssyncset.done $0x0  }
0x38: {  	[sflag:s15] =	ssyncadd.s32 $0xFFFFFF80  }
0x39: {  	[spmem:s2] =	stream.indirect.scatter.add.f32 [tilespmem:s31], [sflag:$0x5], $0x40, s30, s28, $0xb8;
	[tilespmem:$0x8F80] =	vst v63  }
0x3a: {  	_ =	swait.ge [sflag:s24], $0x2000  }
0x3b: {  	[sflag:s24] =	ssyncset.done $0x0  }
0x3c: {  	[sflag:s24] =	ssyncadd.s32 $0xFFFFE000  }
0x3d: {  	[spmem:s3] =	stream.indirect.scatter.add.f32 [tilespmem:s25], [sflag:$0x5], $0x10, s30, s28, $0xb8;
	[tilespmem:$0x8F80] =	vst v63  }
0x3e: {  	_ =	swait.ge [sflag:s24], $0x800  }
0x3f: {  	[sflag:s24] =	ssyncset.done $0x0  }
0x40: {  	s7 =	simm.s32 $0x1B80;
	s13 =	rddreg [dreg:$0xd];
	[sflag:s24] =	ssyncadd.s32 $0xFFFFF800  }
.LBB2_11:
0x41: {  	s8 =	sadd.s32 s13, s14  }
0x42: {  	[tilespmem:s30], [sflag:$0x4] =	stream.linear.gather [hbm4b:s8+s4], $0x80, $0x38;
	[tilespmem:$0x8F80] =	vst v63  }
0x43: {  	_ = 	snop  }
0x44: {  	[tilespmem:s31], [sflag:$0x2] =	stream.indirect.gather [hbm4b:s5+s28], $0x40, s7, s28, $0xb8;
	[tilespmem:$0x8F80] =	vst v63  }
0x45: {  	_ =	swait.ge [sflag:s0], $0x2000  }
0x46: {  	[sflag:s0] =	ssyncset.done $0x0  }
0x47: {  	[sflag:s0] =	ssyncadd.s32 $0xFFFFE000  }
0x48: {  	_ =	swait.ge [sflag:s1], $0x80  }
0x49: {  	[sflag:s1] =	ssyncset.done $0x0  }
0x4a: {  	[sflag:s1] =	ssyncadd.s32 $0xFFFFFF80  }
0x4b: {  	[spmem:s2] =	stream.indirect.scatter.add.f32 [tilespmem:s29], [sflag:$0x5], $0x40, s26, s28, $0xb8;
	[tilespmem:$0x8F80] =	vst v63  }
0x4c: {  	_ =	swait.ge [sflag:s24], $0x2000  }
0x4d: {  	[sflag:s24] =	ssyncset.done $0x0  }
0x4e: {  	[sflag:s24] =	ssyncadd.s32 $0xFFFFE000  }
0x4f: {  	[spmem:s3] =	stream.indirect.scatter.add.f32 [tilespmem:s25], [sflag:$0x5], $0x10, s26, s28, $0xb8;
	[tilespmem:$0x8F80] =	vst v63  }
0x50: {  	_ =	swait.ge [sflag:s24], $0x800  }
0x51: {  	[sflag:s24] =	ssyncset.done $0x0  }
0x52: {  	[sflag:s24] =	ssyncadd.s32 $0xFFFFF800  }
0x53: {  	_ =	swait.ge [sflag:s12], $0x2000  }
0x54: {  	[sflag:s12] =	ssyncset.done $0x0  }
0x55: {  	[sflag:s12] =	ssyncadd.s32 $0xFFFFE000  }
0x56: {  	_ =	swait.ge [sflag:s15], $0x80  }
0x57: {  	[sflag:s15] =	ssyncset.done $0x0  }
0x58: {  	[sflag:s15] =	ssyncadd.s32 $0xFFFFFF80  }
0x59: {  	[spmem:s2] =	stream.indirect.scatter.add.f32 [tilespmem:s31], [sflag:$0x5], $0x40, s30, s28, $0xb8;
	[tilespmem:$0x8F80] =	vst v63  }
0x5a: {  	_ =	swait.ge [sflag:s24], $0x2000  }
0x5b: {  	[sflag:s24] =	ssyncset.done $0x0  }
0x5c: {  	[sflag:s24] =	ssyncadd.s32 $0xFFFFE000  }
0x5d: {  	[spmem:s3] =	stream.indirect.scatter.add.f32 [tilespmem:s25], [sflag:$0x5], $0x10, s30, s28, $0xb8;
	[tilespmem:$0x8F80] =	vst v63  }
0x5e: {  	_ =	swait.ge [sflag:s24], $0x800  }
0x5f: {  	[sflag:s24] =	ssyncset.done $0x0  }
0x60: {  	[sflag:s24] =	ssyncadd.s32 $0xFFFFF800  }
0x61: {  	[bflag:$0x0] =	sbarrier.arrive $0xFFFF  }
0x62: {  	[hbm:s17], [sflag:s9] =	dma.local [spmem:s20], $0x440  }
0x63: {  	s16 =	sadd.s32 $0x1, s16;
	_ =	swait.ge [sflag:s24], $0x440  }
0x64: {  	p1 =	sne.s32 s16, s19;
	[sflag:s24] =	ssyncset.done $0x0  }
.Ltmp1:
0x65: {  	[sflag:s24] =	ssyncadd.s32 $0xFFFFFBC0;
	(pc) =	sbr.rel @!p1 .LBB2_12-.Ltmp1, $4  }
0x66: {  	[hbm:s18], [sflag:s9] =	dma.local [spmem:s21], $0x110  }
0x67: {  	_ =	swait.ge [sflag:s24], $0x110  }
0x68: {  	[sflag:s24] =	ssyncset.done $0x0  }
0x69: {  	[sflag:s24] =	ssyncadd.s32 $0xFFFFFEF0  }
.LBB2_1:
0x6a: {  	s7 =	rddreg [dreg:$0x6]  }
0x6b: {  	s13 =	rddreg [dreg:$0x7];
	s20 =	sshrl.u32 s7, $0x3  }
0x6c: {  	[spmem:s20], [sflag:s9] =	dma.local [hbm:s13], $0x440  }
0x6d: {  	_ =	swait.ge [sflag:s24], $0x440  }
0x6e: {  	[sflag:s24] =	ssyncset.done $0x0;
	s21 =	rddreg [dreg:$0x8]  }
0x6f: {  	[sflag:s24] =	ssyncadd.s32 $0xFFFFFBC0;
	s21 =	sshrl.u32 s21, $0x3  }
0x70: {  	[spmem:s21], [sflag:s9] =	dma.local [hbm:s11], $0x110  }
0x71: {  	_ =	swait.ge [sflag:s24], $0x110  }
0x72: {  	[sflag:s24] =	ssyncset.done $0x0  }
0x73: {  	s22 =	rddreg [dreg:$0x5];
	[sflag:s24] =	ssyncadd.s32 $0xFFFFFEF0  }
0x74: {  	[tilespmem:s25], [sflag:$0x5] =	stream.linear.gather [hbm4b:s22+s4], $0x800, $0x38;
	[tilespmem:$0x8F80] =	vst v63  }
.Ltmp2:
0x75: {  	_ =	swait.ge [sflag:s24], $0x800;
	(pc) =	sbr.rel @!p0 .LBB2_2-.Ltmp2, $3  }
0x76: {  	[sflag:s24] =	ssyncset.done $0x0  }
0x77: {  	[sflag:s24] =	ssyncadd.s32 $0xFFFFF800  }
0x78: {  	[bflag:$0x0] =	sbarrier.arrive $0xFFFF;
	_ =	sdelay $0x1  }
0x79: {  	s7 =	rddreg [dreg:$0xb]  }
0x7a: {  	[tilespmem:s4], [sflag:$0x5] =	stream.linear.gather [hbm4b:s7+s4], $0xC00, $0x38;
	[tilespmem:$0x8F80] =	vst v63  }
0x7b: {  	_ =	swait.ge [sflag:s24], $0xC00  }
0x7c: {  	[sflag:s24] =	ssyncset.done $0x0  }
0x7d: {  	s8 =	rddreg [dreg:$0xc];
	[sflag:s24] =	ssyncadd.s32 $0xFFFFF400  }
0x7e: {  	[tilespmem:s26], [sflag:$0x3] =	stream.linear.gather [hbm4b:s8+s4], $0x80, $0x38;
	[tilespmem:$0x8F80] =	vst v63  }
0x7f: {  	_ = 	snop  }
0x80: {  	[tilespmem:s29], [sflag:$0x1] =	stream.indirect.gather [hbm4b:s5+s28], $0x40, s4, s28, $0xb8;
	[tilespmem:$0x8F80] =	vst v63  }
0x81: {  	s10 =	sadd.s32 $0xFFFFFFF0, s23  }
0x82: {  	[tilespmem:s30], [sflag:$0x4] =	stream.linear.gather [hbm4b:s10+s4], $0x80, $0x38;
	[tilespmem:$0x8F80] =	vst v63  }
0x83: {  	s13 =	simm.s32 $0x80  }
0x84: {  	[tilespmem:s31], [sflag:$0x2] =	stream.indirect.gather [hbm4b:s5+s28], $0x40, s13, s28, $0xb8;
	[tilespmem:$0x8F80] =	vst v63  }
0x85: {  	_ =	swait.ge [sflag:s0], $0x2000  }
0x86: {  	[sflag:s0] =	ssyncset.done $0x0  }
0x87: {  	[sflag:s0] =	ssyncadd.s32 $0xFFFFE000  }
0x88: {  	_ =	swait.ge [sflag:s1], $0x80  }
0x89: {  	[sflag:s1] =	ssyncset.done $0x0  }
0x8a: {  	[sflag:s1] =	ssyncadd.s32 $0xFFFFFF80  }
0x8b: {  	[spmem:s2] =	stream.indirect.scatter.add.f32 [tilespmem:s29], [sflag:$0x5], $0x40, s26, s28, $0xb8;
	[tilespmem:$0x8F80] =	vst v63  }
0x8c: {  	_ =	swait.ge [sflag:s24], $0x2000  }
0x8d: {  	[sflag:s24] =	ssyncset.done $0x0  }
0x8e: {  	[sflag:s24] =	ssyncadd.s32 $0xFFFFE000  }
0x8f: {  	[spmem:s3] =	stream.indirect.scatter.add.f32 [tilespmem:s25], [sflag:$0x5], $0x10, s26, s28, $0xb8;
	[tilespmem:$0x8F80] =	vst v63  }
0x90: {  	_ =	swait.ge [sflag:s24], $0x800  }
0x91: {  	[sflag:s24] =	ssyncset.done $0x0  }
0x92: {  	[sflag:s24] =	ssyncadd.s32 $0xFFFFF800  }
0x93: {  	[tilespmem:s26], [sflag:$0x3] =	stream.linear.gather [hbm4b:s23+s4], $0x80, $0x38;
	[tilespmem:$0x8F80] =	vst v63  }
0x94: {  	s22 =	simm.s32 $0x100  }
0x95: {  	[tilespmem:s29], [sflag:$0x1] =	stream.indirect.gather [hbm4b:s5+s28], $0x40, s22, s28, $0xb8;
	[tilespmem:$0x8F80] =	vst v63  }
0x96: {  	_ =	swait.ge [sflag:s12], $0x2000  }
0x97: {  	[sflag:s12] =	ssyncset.done $0x0  }
0x98: {  	[sflag:s12] =	ssyncadd.s32 $0xFFFFE000  }
0x99: {  	_ =	swait.ge [sflag:s15], $0x80  }
0x9a: {  	[sflag:s15] =	ssyncset.done $0x0  }
0x9b: {  	[sflag:s15] =	ssyncadd.s32 $0xFFFFFF80  }
0x9c: {  	[spmem:s2] =	stream.indirect.scatter.add.f32 [tilespmem:s31], [sflag:$0x5], $0x40, s30, s28, $0xb8;
	[tilespmem:$0x8F80] =	vst v63  }
0x9d: {  	_ =	swait.ge [sflag:s24], $0x2000  }
0x9e: {  	[sflag:s24] =	ssyncset.done $0x0  }
0x9f: {  	[sflag:s24] =	ssyncadd.s32 $0xFFFFE000  }
0xa0: {  	[spmem:s3] =	stream.indirect.scatter.add.f32 [tilespmem:s25], [sflag:$0x5], $0x10, s30, s28, $0xb8;
	[tilespmem:$0x8F80] =	vst v63  }
0xa1: {  	s7 =	simm.s32 $0xFFFFD800;
	_ =	swait.ge [sflag:s24], $0x800  }
0xa2: {  	s13 =	sadd.s32 $0x20, s23;
	s22 =	simm.s32 $0xFFFFDC00;
	[sflag:s24] =	ssyncset.done $0x0  }
.LBB2_9:
0xa3: {  	s8 =	sadd.s32 $0xFFFFFFF0, s13  }
0xa4: {  	s10 =	sshra.s32 s7, $0x2;
	[sflag:s24] =	ssyncadd.s32 $0xFFFFF800;
	s7 =	smov.u32 s22  }
0xa5: {  	[tilespmem:s30], [sflag:$0x4] =	stream.linear.gather [hbm4b:s8+s4], $0x80, $0x38;
	[tilespmem:$0x8F80] =	vst v63  }
0xa6: {  	p1 =	sne.s32 s22, $0xFFFFFC00;
	s22 =	sadd.s32 $0x400, s22;
	s8 =	sadd.s32 $0xB80, s10  }
0xa7: {  	[tilespmem:s31], [sflag:$0x2] =	stream.indirect.gather [hbm4b:s5+s28], $0x40, s8, s28, $0xb8;
	[tilespmem:$0x8F80] =	vst v63  }
0xa8: {  	_ =	swait.ge [sflag:s0], $0x2000  }
0xa9: {  	[sflag:s0] =	ssyncset.done $0x0  }
0xaa: {  	[sflag:s0] =	ssyncadd.s32 $0xFFFFE000  }
0xab: {  	_ =	swait.ge [sflag:s1], $0x80  }
0xac: {  	[sflag:s1] =	ssyncset.done $0x0  }
0xad: {  	[sflag:s1] =	ssyncadd.s32 $0xFFFFFF80  }
0xae: {  	[spmem:s2] =	stream.indirect.scatter.add.f32 [tilespmem:s29], [sflag:$0x5], $0x40, s26, s28, $0xb8;
	[tilespmem:$0x8F80] =	vst v63  }
0xaf: {  	_ =	swait.ge [sflag:s24], $0x2000  }
0xb0: {  	[sflag:s24] =	ssyncset.done $0x0  }
0xb1: {  	[sflag:s24] =	ssyncadd.s32 $0xFFFFE000  }
0xb2: {  	[spmem:s3] =	stream.indirect.scatter.add.f32 [tilespmem:s25], [sflag:$0x5], $0x10, s26, s28, $0xb8;
	[tilespmem:$0x8F80] =	vst v63  }
0xb3: {  	_ =	swait.ge [sflag:s24], $0x800  }
0xb4: {  	[sflag:s24] =	ssyncset.done $0x0  }
0xb5: {  	[sflag:s24] =	ssyncadd.s32 $0xFFFFF800  }
0xb6: {  	[tilespmem:s26], [sflag:$0x3] =	stream.linear.gather [hbm4b:s13+s4], $0x80, $0x38;
	[tilespmem:$0x8F80] =	vst v63  }
0xb7: {  	s8 =	sadd.s32 $0xC00, s10  }
0xb8: {  	[tilespmem:s29], [sflag:$0x1] =	stream.indirect.gather [hbm4b:s5+s28], $0x40, s8, s28, $0xb8;
	[tilespmem:$0x8F80] =	vst v63  }
0xb9: {  	_ =	swait.ge [sflag:s12], $0x2000  }
0xba: {  	[sflag:s12] =	ssyncset.done $0x0  }
0xbb: {  	[sflag:s12] =	ssyncadd.s32 $0xFFFFE000  }
0xbc: {  	_ =	swait.ge [sflag:s15], $0x80  }
0xbd: {  	[sflag:s15] =	ssyncset.done $0x0  }
0xbe: {  	[sflag:s15] =	ssyncadd.s32 $0xFFFFFF80  }
0xbf: {  	[spmem:s2] =	stream.indirect.scatter.add.f32 [tilespmem:s31], [sflag:$0x5], $0x40, s30, s28, $0xb8;
	[tilespmem:$0x8F80] =	vst v63  }
0xc0: {  	_ =	swait.ge [sflag:s24], $0x2000  }
.Ltmp3:
0xc1: {  	[sflag:s24] =	ssyncset.done $0x0;
	(pc) =	sbr.rel @p1 .LBB2_9-.Ltmp3, $4  }
0xc2: {  	[sflag:s24] =	ssyncadd.s32 $0xFFFFE000  }
0xc3: {  	[spmem:s3] =	stream.indirect.scatter.add.f32 [tilespmem:s25], [sflag:$0x5], $0x10, s30, s28, $0xb8;
	[tilespmem:$0x8F80] =	vst v63  }
0xc4: {  	_ =	swait.ge [sflag:s24], $0x800  }
0xc5: {  	s13 =	sadd.s32 $0x20, s13;
	[sflag:s24] =	ssyncset.done $0x0  }
0xc6: {  	s8 =	sadd.s32 $0xFFFFFFF0, s13;
	s7 =	sshra.s32 s7, $0x2;
	[sflag:s24] =	ssyncadd.s32 $0xFFFFF800  }
0xc7: {  	[tilespmem:s30], [sflag:$0x4] =	stream.linear.gather [hbm4b:s8+s4], $0x80, $0x38;
	[tilespmem:$0x8F80] =	vst v63  }
0xc8: {  	s22 =	sadd.s32 $0xB80, s7  }
0xc9: {  	[tilespmem:s31], [sflag:$0x2] =	stream.indirect.gather [hbm4b:s5+s28], $0x40, s22, s28, $0xb8;
	[tilespmem:$0x8F80] =	vst v63  }
0xca: {  	_ =	swait.ge [sflag:s0], $0x2000  }
0xcb: {  	[sflag:s0] =	ssyncset.done $0x0  }
0xcc: {  	[sflag:s0] =	ssyncadd.s32 $0xFFFFE000  }
0xcd: {  	_ =	swait.ge [sflag:s1], $0x80  }
0xce: {  	[sflag:s1] =	ssyncset.done $0x0  }
0xcf: {  	[sflag:s1] =	ssyncadd.s32 $0xFFFFFF80  }
0xd0: {  	[spmem:s2] =	stream.indirect.scatter.add.f32 [tilespmem:s29], [sflag:$0x5], $0x40, s26, s28, $0xb8;
	[tilespmem:$0x8F80] =	vst v63  }
0xd1: {  	_ =	swait.ge [sflag:s24], $0x2000  }
0xd2: {  	[sflag:s24] =	ssyncset.done $0x0  }
0xd3: {  	[sflag:s24] =	ssyncadd.s32 $0xFFFFE000  }
0xd4: {  	[spmem:s3] =	stream.indirect.scatter.add.f32 [tilespmem:s25], [sflag:$0x5], $0x10, s26, s28, $0xb8;
	[tilespmem:$0x8F80] =	vst v63  }
0xd5: {  	_ =	swait.ge [sflag:s24], $0x800  }
0xd6: {  	[sflag:s24] =	ssyncset.done $0x0  }
0xd7: {  	[sflag:s24] =	ssyncadd.s32 $0xFFFFF800  }
0xd8: {  	[tilespmem:s26], [sflag:$0x3] =	stream.linear.gather [hbm4b:s13+s4], $0x80, $0x38;
	[tilespmem:$0x8F80] =	vst v63  }
0xd9: {  	s7 =	sadd.s32 $0xC00, s7  }
0xda: {  	[tilespmem:s29], [sflag:$0x1] =	stream.indirect.gather [hbm4b:s5+s28], $0x40, s7, s28, $0xb8;
	[tilespmem:$0x8F80] =	vst v63  }
0xdb: {  	_ =	swait.ge [sflag:s12], $0x2000  }
0xdc: {  	[sflag:s12] =	ssyncset.done $0x0  }
0xdd: {  	[sflag:s12] =	ssyncadd.s32 $0xFFFFE000  }
0xde: {  	_ =	swait.ge [sflag:s15], $0x80  }
0xdf: {  	[sflag:s15] =	ssyncset.done $0x0  }
0xe0: {  	[sflag:s15] =	ssyncadd.s32 $0xFFFFFF80  }
0xe1: {  	[spmem:s2] =	stream.indirect.scatter.add.f32 [tilespmem:s31], [sflag:$0x5], $0x40, s30, s28, $0xb8;
	[tilespmem:$0x8F80] =	vst v63  }
0xe2: {  	_ =	swait.ge [sflag:s24], $0x2000  }
0xe3: {  	[sflag:s24] =	ssyncset.done $0x0  }
.Ltmp4:
0xe4: {  	[sflag:s24] =	ssyncadd.s32 $0xFFFFE000;
	(pc) =	sbr.rel .LBB2_11-.Ltmp4, $4  }
0xe5: {  	[spmem:s3] =	stream.indirect.scatter.add.f32 [tilespmem:s25], [sflag:$0x5], $0x10, s30, s28, $0xb8;
	[tilespmem:$0x8F80] =	vst v63  }
0xe6: {  	_ =	swait.ge [sflag:s24], $0x800  }
0xe7: {  	[sflag:s24] =	ssyncset.done $0x0  }
0xe8: {  	s7 =	simm.s32 $0xB80;
	s13 =	rddreg [dreg:$0xe];
	[sflag:s24] =	ssyncadd.s32 $0xFFFFF800  }
.LBB2_2:
0xe9: {  	s7 =	rddreg [dreg:$0x9]  }
0xea: {  	[tilespmem:s4], [sflag:$0x5] =	stream.linear.gather [hbm4b:s7+s4], $0x1C00, $0x38;
	[tilespmem:$0x8F80] =	vst v63  }
0xeb: {  	p2 =	por $0x0, $0x0;
	_ =	swait.ge [sflag:s24], $0x1C00  }
.Ltmp5:
0xec: {  	[sflag:s24] =	ssyncset.done $0x0;
	(pc) =	sbr.rel @p2 .LBB2_7-.Ltmp5, $4  }
0xed: {  	s13 =	simm.s32 $0xFFFF9800;
	s22 =	rddreg [dreg:$0xa];
	[sflag:s24] =	ssyncadd.s32 $0xFFFFE400  }
0xee: {  	[tilespmem:s26], [sflag:$0x3] =	stream.linear.gather [hbm4b:s22+s4], $0x80, $0x38;
	[tilespmem:$0x8F80] =	vst v63  }
0xef: {  	p1 =	por $0x0, $0x0;
	s7 =	simm.s32 $0xFFFF9400;
	s22 =	smov.u32 s6  }
0xf0: {  	[tilespmem:s29], [sflag:$0x1] =	stream.indirect.gather [hbm4b:s5+s28], $0x40, s4, s28, $0xb8;
	[tilespmem:$0x8F80] =	vst v63  }
0xf1: {  	s7 =	sadd.s32 $0xFFFFFFF0, s6  }
0xf2: {  	[tilespmem:s30], [sflag:$0x4] =	stream.linear.gather [hbm4b:s7+s4], $0x80, $0x38;
	[tilespmem:$0x8F80] =	vst v63  }
0xf3: {  	s10 =	simm.s32 $0x80  }
0xf4: {  	[tilespmem:s31], [sflag:$0x2] =	stream.indirect.gather [hbm4b:s5+s28], $0x40, s10, s28, $0xb8;
	[tilespmem:$0x8F80] =	vst v63  }
0xf5: {  	_ =	swait.ge [sflag:s0], $0x2000  }
0xf6: {  	[sflag:s0] =	ssyncset.done $0x0  }
0xf7: {  	[sflag:s0] =	ssyncadd.s32 $0xFFFFE000  }
0xf8: {  	_ =	swait.ge [sflag:s1], $0x80  }
0xf9: {  	[sflag:s1] =	ssyncset.done $0x0  }
0xfa: {  	[sflag:s1] =	ssyncadd.s32 $0xFFFFFF80  }
0xfb: {  	[spmem:s2] =	stream.indirect.scatter.add.f32 [tilespmem:s29], [sflag:$0x5], $0x40, s26, s28, $0xb8;
	[tilespmem:$0x8F80] =	vst v63  }
0xfc: {  	_ =	swait.ge [sflag:s24], $0x2000  }
0xfd: {  	[sflag:s24] =	ssyncset.done $0x0  }
0xfe: {  	[sflag:s24] =	ssyncadd.s32 $0xFFFFE000  }
0xff: {  	[spmem:s3] =	stream.indirect.scatter.add.f32 [tilespmem:s25], [sflag:$0x5], $0x10, s26, s28, $0xb8;
	[tilespmem:$0x8F80] =	vst v63  }
0x100: {  	_ =	swait.ge [sflag:s24], $0x800  }
0x101: {  	[sflag:s24] =	ssyncset.done $0x0  }
0x102: {  	[sflag:s24] =	ssyncadd.s32 $0xFFFFF800  }
0x103: {  	[tilespmem:s26], [sflag:$0x3] =	stream.linear.gather [hbm4b:s6+s4], $0x80, $0x38;
	[tilespmem:$0x8F80] =	vst v63  }
0x104: {  	s22 =	simm.s32 $0x100  }
0x105: {  	[tilespmem:s29], [sflag:$0x1] =	stream.indirect.gather [hbm4b:s5+s28], $0x40, s22, s28, $0xb8;
	[tilespmem:$0x8F80] =	vst v63  }
0x106: {  	_ =	swait.ge [sflag:s12], $0x2000  }
0x107: {  	[sflag:s12] =	ssyncset.done $0x0  }
0x108: {  	[sflag:s12] =	ssyncadd.s32 $0xFFFFE000  }
0x109: {  	_ =	swait.ge [sflag:s15], $0x80  }
0x10a: {  	[sflag:s15] =	ssyncset.done $0x0  }
0x10b: {  	[sflag:s15] =	ssyncadd.s32 $0xFFFFFF80  }
0x10c: {  	[spmem:s2] =	stream.indirect.scatter.add.f32 [tilespmem:s31], [sflag:$0x5], $0x40, s30, s28, $0xb8;
	[tilespmem:$0x8F80] =	vst v63  }
0x10d: {  	p2 =	por $0x0, $0x0;
	_ =	swait.ge [sflag:s24], $0x2000  }
.Ltmp6:
0x10e: {  	[sflag:s24] =	ssyncset.done $0x0;
	(pc) =	sbr.rel @p2 .LBB2_4-.Ltmp6, $4  }
0x10f: {  	[sflag:s24] =	ssyncadd.s32 $0xFFFFE000  }
0x110: {  	[spmem:s3] =	stream.indirect.scatter.add.f32 [tilespmem:s25], [sflag:$0x5], $0x10, s30, s28, $0xb8;
	[tilespmem:$0x8F80] =	vst v63  }
0x111: {  	p1 =	por $0x1, $0x1;
	_ =	swait.ge [sflag:s24], $0x800  }
0x112: {  	s7 =	simm.s32 $0xFFFF9C00;
	s22 =	sadd.s32 $0x20, s6;
	[sflag:s24] =	ssyncset.done $0x0  }
.LBB2_5:
0x113: {  	s8 =	sadd.s32 $0xFFFFFFF0, s22  }
0x114: {  	s10 =	sshra.s32 s13, $0x2;
	[sflag:s24] =	ssyncadd.s32 $0xFFFFF800;
	s13 =	smov.u32 s7  }
0x115: {  	[tilespmem:s30], [sflag:$0x4] =	stream.linear.gather [hbm4b:s8+s4], $0x80, $0x38;
	[tilespmem:$0x8F80] =	vst v63  }
0x116: {  	p2 =	seq.s32 s7, $0xFFFFFC00;
	s7 =	sadd.s32 $0x400, s7;
	s8 =	sadd.s32 $0x1B80, s10  }
0x117: {  	[tilespmem:s31], [sflag:$0x2] =	stream.indirect.gather [hbm4b:s5+s28], $0x40, s8, s28, $0xb8;
	[tilespmem:$0x8F80] =	vst v63  }
0x118: {  	_ =	swait.ge [sflag:s0], $0x2000  }
0x119: {  	[sflag:s0] =	ssyncset.done $0x0  }
0x11a: {  	[sflag:s0] =	ssyncadd.s32 $0xFFFFE000  }
0x11b: {  	_ =	swait.ge [sflag:s1], $0x80  }
0x11c: {  	[sflag:s1] =	ssyncset.done $0x0  }
0x11d: {  	[sflag:s1] =	ssyncadd.s32 $0xFFFFFF80  }
0x11e: {  	[spmem:s2] =	stream.indirect.scatter.add.f32 [tilespmem:s29], [sflag:$0x5], $0x40, s26, s28, $0xb8;
	[tilespmem:$0x8F80] =	vst v63  }
0x11f: {  	_ =	swait.ge [sflag:s24], $0x2000  }
0x120: {  	[sflag:s24] =	ssyncset.done $0x0  }
0x121: {  	[sflag:s24] =	ssyncadd.s32 $0xFFFFE000  }
0x122: {  	[spmem:s3] =	stream.indirect.scatter.add.f32 [tilespmem:s25], [sflag:$0x5], $0x10, s26, s28, $0xb8;
	[tilespmem:$0x8F80] =	vst v63  }
0x123: {  	_ =	swait.ge [sflag:s24], $0x800  }
0x124: {  	[sflag:s24] =	ssyncset.done $0x0  }
0x125: {  	[sflag:s24] =	ssyncadd.s32 $0xFFFFF800  }
0x126: {  	[tilespmem:s26], [sflag:$0x3] =	stream.linear.gather [hbm4b:s22+s4], $0x80, $0x38;
	[tilespmem:$0x8F80] =	vst v63  }
0x127: {  	s8 =	sadd.s32 $0x1C00, s10  }
0x128: {  	[tilespmem:s29], [sflag:$0x1] =	stream.indirect.gather [hbm4b:s5+s28], $0x40, s8, s28, $0xb8;
	[tilespmem:$0x8F80] =	vst v63  }
0x129: {  	_ =	swait.ge [sflag:s12], $0x2000  }
0x12a: {  	[sflag:s12] =	ssyncset.done $0x0  }
0x12b: {  	[sflag:s12] =	ssyncadd.s32 $0xFFFFE000  }
0x12c: {  	_ =	swait.ge [sflag:s15], $0x80  }
0x12d: {  	[sflag:s15] =	ssyncset.done $0x0  }
0x12e: {  	[sflag:s15] =	ssyncadd.s32 $0xFFFFFF80  }
0x12f: {  	[spmem:s2] =	stream.indirect.scatter.add.f32 [tilespmem:s31], [sflag:$0x5], $0x40, s30, s28, $0xb8;
	[tilespmem:$0x8F80] =	vst v63  }
0x130: {  	_ =	swait.ge [sflag:s24], $0x2000  }
.Ltmp7:
0x131: {  	[sflag:s24] =	ssyncset.done $0x0;
	(pc) =	sbr.rel @!p2 .LBB2_5-.Ltmp7, $4  }
0x132: {  	[sflag:s24] =	ssyncadd.s32 $0xFFFFE000  }
0x133: {  	[spmem:s3] =	stream.indirect.scatter.add.f32 [tilespmem:s25], [sflag:$0x5], $0x10, s30, s28, $0xb8;
	[tilespmem:$0x8F80] =	vst v63  }
0x134: {  	_ =	swait.ge [sflag:s24], $0x800  }
0x135: {  	s22 =	sadd.s32 $0x20, s22;
	[sflag:s24] =	ssyncset.done $0x0  }
.Ltmp8:
0x136: {  	(pc) =	sbr.rel .LBB2_7-.Ltmp8, $2  }
0x137: {  	_ =	sdelay $0x2  }
0x138: {  	s7 =	smov.u32 s13  }
.LBB2_12:
0x139: {  	_ =	sfence.sel $0x180000  }
0x13a: {  	[bflag:$0x0] =	sbarrier.arrive $0xFFFF  }
0x13b: {  	_ =	strace $0x9000004A  }
0x13c: {  	s0 =	stileid.u32;
	[bflag:$0x2] =	sbarrier.arrive $0xFFFF  }
0x13d: {  	p0 =	sne.s32 s0, $0x0;
	s0 =	rddreg [dreg:$0x4]  }
0x13e: {  	s0 =	sadd.s32 @!p0 $0x100000, s0  }
0x13f: {  	[sflag:s0] =	ssyncadd.tile.s32 @!p0 $0x1;
	_ =	shalt  }
.Lfunc_end2:
_tile_overlayer_lowered:
.L_overlay_start_2:
0x140: {  	(tag) =	ssettag $0x2  }
0x141: {  	s0 =	rddreg [dreg:$0x0];
	s2 =	stileid.u32  }
0x142: {  	s1 =	rddreg [dreg:$0x1];
	p0 =	sne.s32 s2, $0x0  }
0x143: {  	s3 =	rddreg [dreg:$0x2];
	[bflag:$0x3] =	sbarrier.arrive $0xFFFF;
	s2 =	simm.s32 @!p0 $0x1C05  }
0x144: {  	[timem:s3], [sflag:s2] =	dma.local @!p0 [hbm:s0], s1  }
0x145: {  	s0 =	simm.s32 @!p0 $0x5  }
0x146: {  	_ =	swait.ge @!p0 [sflag:s0], s1  }
0x147: {  	s1 =	ssub.s32 @!p0 $0x0, s1;
	[sflag:s0] =	ssyncset.done @!p0 $0x0  }
0x148: {  	[sflag:s0] =	ssyncadd.s32 @!p0 s1  }
0x149: {  	[bflag:$0x3] =	sbarrier.arrive $0xFFFF  }
0x14a: {  	_ =	shalt  }

// kernel: kernel.7.cloned.1.call-start
scs
__scs_entry_jumppad:
0x0: {  	(pc) =	sbr.rel $0x88, $3  }
0x1: {  	(tag) =	ssettag $0x0;
	lr =	simm.s32 $0x1  }
0x2: {  	[smem:$0x3F98] =	sst lr;
	_ =	strace $0xD0000000  }
0x3: {  	_ = 	snop  }
0x4: {  	_ = 	snop  }
0x5: {  	_ = 	snop  }
0x6: {  	_ = 	snop  }
0x7: {  	_ = 	snop  }
__scs_overlays_trampoline_lowered:
0x8: {  	[smem:$0x3FA7] =	sst s0  }
0x9: {  	[smem:$0x3FA8] =	sst s1  }
0xa: {  	[smem:$0x3FA9] =	sst s2  }
0xb: {  	[smem:$0x3FAA] =	sst s3  }
0xc: {  	[smem:$0x3FAB] =	sst s4  }
0xd: {  	[smem:$0x3FAC] =	sst s5  }
0xe: {  	[smem:$0x3FAD] =	sst s6  }
0xf: {  	[smem:$0x3FAE] =	sst s7  }
0x10: {  	[smem:$0x3FAF] =	sst s8  }
0x11: {  	[smem:$0x3FB0] =	sst s9;
	s0 =	simm.s32 @!p0 $0x0  }
0x12: {  	s1 =	sld [smem:$0x3F96];
	s0 =	simm.s32 @p0 $0x1  }
0x13: {  	[smem:$0x3FB1] =	sst s0;
	s0 =	simm.s32 @!p1 $0x0  }
0x14: {  	s2 =	sld [smem:$0x3F95];
	s0 =	simm.s32 @p1 $0x1  }
0x15: {  	[smem:$0x3FB2] =	sst s0;
	s0 =	simm.s32 @!p2 $0x0  }
0x16: {  	s3 =	sld [smem:$0x3FDB];
	s0 =	simm.s32 @p2 $0x1  }
0x17: {  	s4 =	simm.s32 $0x1BF5;
	[smem:$0x3FB4] =	sst s0  }
0x18: {  	s0 =	sld [smem:$0x3F97];
	_ =	swait.ge [sflag:s4], $0x0  }
0x19: {  	s7 =	sld [smem:$0x3F98]  }
0x1a: {  	s8 =	sadd.s32 $0xFFFFE003, lr  }
0x1b: {  	s9 =	sadd.s32 $0xFFFFFEF7, lr;
	s5 =	simm.s32 $0xFFFFFFFF;
	p2 =	slt.u32 s8, $0xFFFFF086  }
0x1c: {  	p1 =	slt.u32 s9, $0xF7A;
	s5 =	simm.s32 @!p2 $0x0  }
0x1d: {  	s5 =	simm.s32 @p1 $0x1;
	p0 =	seq.s32 s7, s2  }
0x1e: {  	s7 =	smul.u32 @!p0 $0xF7A, s2;
	p2 =	seq.s32 @!p0 s5, $0x0  }
0x1f: {  	s9 =	smul.u32 $0xF7A, s1;
	s8 =	simm.s32 @!p0 $0x1BF5;
	p2 =	por !p2, p0  }
0x20: {  	[sflag:s8] =	ssyncset.s32 @!p0 $0xFFFFF086;
	s6 =	sadd.s32 @!p0 s3, s7;
	s7 =	simm.s32 @!p0 $0x108  }
0x21: {  	s3 =	sadd.s32 s3, s9;
	s6 =	sadd.s32 @!p0 $0x88, s6;
	s7 =	simm.s32 @p2 $0x1082  }
0x22: {  	[simem:s7], [sflag:s8] =	dma.local @!p0 [hbm:s6], $0xF7A  }
0x23: {  	s9 =	sor.u32 $0xD0000000, s2;
	s6 =	simm.s32 $0x108;
	_ =	swait.ge @!p0 [sflag:s8], $0x0  }
0x24: {  	s3 =	sadd.s32 $0x88, s3;
	s6 =	simm.s32 @!p1 $0x1082;
	[sflag:s4] =	ssyncset.s32 $0xFFFFF086  }
0x25: {  	[simem:s6], [sflag:s4] =	dma.local [hbm:s3], $0xF7A  }
0x26: {  	[smem:$0x3F98] =	sst s1;
	(tag) =	ssettag s2;
	_ =	strace s9  }
0x27: {  	s1 =	sld [smem:$0x3FA8]  }
0x28: {  	s2 =	sld [smem:$0x3FA9]  }
0x29: {  	s4 =	sld [smem:$0x3FAB]  }
0x2a: {  	p0 =	seq.s32 s5, $0x0;
	s5 =	sld [smem:$0x3FAC]  }
0x2b: {  	s6 =	sld [smem:$0x3FAD]  }
0x2c: {  	s7 =	sld [smem:$0x3FAE]  }
0x2d: {  	s3 =	simm.s32 $0x108;
	s8 =	sld [smem:$0x3FAF]  }
0x2e: {  	s3 =	simm.s32 @!p0 $0x1082;
	s9 =	sld [smem:$0x3FB0]  }
0x2f: {  	lr =	sadd.s32 s0, s3;
	s0 =	sld [smem:$0x3FA7]  }
0x30: {  	s3 =	sld [smem:$0x3FAA]  }
0x31: {  	[smem:$0x3FB3] =	sst s10  }
0x32: {  	s10 =	sld [smem:$0x3FB1];
	_ =	sdelay $0x3  }
0x33: {  	p0 =	seq.s32 s10, $0x1;
	s10 =	sld [smem:$0x3FB3];
	_ =	sdelay $0x3  }
0x34: {  	[smem:$0x3FB3] =	sst s10  }
0x35: {  	s10 =	sld [smem:$0x3FB2];
	_ =	sdelay $0x3  }
0x36: {  	p1 =	seq.s32 s10, $0x1;
	s10 =	sld [smem:$0x3FB3];
	_ =	sdelay $0x3  }
0x37: {  	[smem:$0x3FB3] =	sst s10  }
0x38: {  	s10 =	sld [smem:$0x3FB4]  }
0x39: {  	_ = 	snop;
	(pc) =	sbr.ind lr, $3  }
0x3a: {  	_ = 	snop  }
0x3b: {  	_ = 	snop  }
0x3c: {  	p2 =	seq.s32 s10, $0x1;
	s10 =	sld [smem:$0x3FB3]  }
0x3d: {  	_ =	shalt  }
0x3e: {  	_ =	shalt  }
0x3f: {  	_ =	shalt  }
0x40: {  	_ =	shalt  }
0x41: {  	_ =	shalt  }
0x42: {  	_ =	shalt  }
0x43: {  	_ =	shalt  }
0x44: {  	_ =	shalt  }
0x45: {  	_ =	shalt  }
0x46: {  	_ =	shalt  }
0x47: {  	_ =	shalt  }
0x48: {  	_ =	shalt  }
0x49: {  	_ =	shalt  }
0x4a: {  	_ =	shalt  }
0x4b: {  	_ =	shalt  }
0x4c: {  	_ =	shalt  }
0x4d: {  	_ =	shalt  }
0x4e: {  	_ =	shalt  }
0x4f: {  	_ =	shalt  }
0x50: {  	_ =	shalt  }
0x51: {  	_ =	shalt  }
0x52: {  	_ =	shalt  }
0x53: {  	_ =	shalt  }
0x54: {  	_ =	shalt  }
0x55: {  	_ =	shalt  }
0x56: {  	_ =	shalt  }
0x57: {  	_ =	shalt  }
0x58: {  	_ =	shalt  }
0x59: {  	_ =	shalt  }
0x5a: {  	_ =	shalt  }
0x5b: {  	_ =	shalt  }
0x5c: {  	_ =	shalt  }
0x5d: {  	_ =	shalt  }
0x5e: {  	_ =	shalt  }
0x5f: {  	_ =	shalt  }
0x60: {  	_ =	shalt  }
0x61: {  	_ =	shalt  }
0x62: {  	_ =	shalt  }
0x63: {  	_ =	shalt  }
0x64: {  	_ =	shalt  }
0x65: {  	_ =	shalt  }
0x66: {  	_ =	shalt  }
0x67: {  	_ =	shalt  }
0x68: {  	_ =	shalt  }
0x69: {  	_ =	shalt  }
0x6a: {  	_ =	shalt  }
0x6b: {  	_ =	shalt  }
0x6c: {  	_ =	shalt  }
0x6d: {  	_ =	shalt  }
0x6e: {  	_ =	shalt  }
0x6f: {  	_ =	shalt  }
0x70: {  	_ =	shalt  }
0x71: {  	_ =	shalt  }
0x72: {  	_ =	shalt  }
0x73: {  	_ =	shalt  }
0x74: {  	_ =	shalt  }
0x75: {  	_ =	shalt  }
0x76: {  	_ =	shalt  }
0x77: {  	_ =	shalt  }
0x78: {  	_ =	shalt  }
0x79: {  	_ =	shalt  }
0x7a: {  	_ =	shalt  }
0x7b: {  	_ =	shalt  }
0x7c: {  	_ =	shalt  }
0x7d: {  	_ =	shalt  }
0x7e: {  	_ =	shalt  }
0x7f: {  	_ =	shalt  }
0x80: {  	_ =	shalt  }
0x81: {  	_ =	shalt  }
0x82: {  	_ =	shalt  }
0x83: {  	_ =	shalt  }
0x84: {  	_ =	shalt  }
0x85: {  	_ =	shalt  }
0x86: {  	_ =	shalt  }
0x87: {  	_ =	shalt  }
.Lfunc_end0:
.L_simem_size_0:
called_computation_lowered:
.L_overlay_start_0:
0x88: {  	s2 =	sld [smem:$0x3FD9]  }
0x89: {  	s3 =	sld [smem:$0x3FFE];
	_ =	sdelay $0x1  }
0x8a: {  	s1 =	srdreg.scid  }
0x8b: {  	s0 =	sand.u32 $0x1, s1  }
0x8c: {  	s16 =	sshll.u32 s0, $0xA;
	s2 =	sadd.s32 s3, s2  }
0x8d: {  	s2 =	sadd.s32 s2, s16  }
0x8e: {  	[smem:$0x3FBF] =	sst s2  }
0x8f: {  	_ = 	snop  }
0x90: {  	(tm) =	ssettm $0x1  }
0x91: {  	s17 =	sld [smem:$0x3FFB];
	_ =	sdelay $0x3  }
0x92: {  	_ =	strace s17  }
0x93: {  	s2 =	sld [smem:$0x3FFC];
	_ =	sdelay $0x3  }
0x94: {  	_ =	strace s2  }
0x95: {  	s2 =	sld [smem:$0x3FFD];
	_ =	sdelay $0x3  }
0x96: {  	_ =	strace s2  }
0x97: {  	_ =	strace $0x8FFFFFFF  }
0x98: {  	s18 =	sld [smem:$0x3FDB];
	_ =	sdelay $0x1  }
0x99: {  	s19 =	simm.s32 $_scs_section_size  }
0x9a: {  	s4 =	simm.s32 $_size__tile_overlayer_lowered;
	s5 =	simm.s32 $_tile_overlayer_lowered  }
0x9b: {  	s22 =	simm.s32 $0x1BFF;
	s21 =	sshll.u32 s5, $0x1;
	s2 =	sadd.s32 s19, s18  }
0x9c: {  	s6 =	simm.s32 $0x0;
	s20 =	sshll.u32 s4, $0x1;
	s4 =	sadd.s32 s21, s2  }
0x9d: {  	[timem:s6], [sflag:s22] =	dma.local [hbm:s4], s20  }
0x9e: {  	_ =	swait.ge [sflag:s22], s20  }
0x9f: {  	s3 =	ssub.s32 $0x0, s20;
	[sflag:s22] =	ssyncset.done $0x0  }
0xa0: {  	[sflag:s22] =	ssyncadd.s32 s3;
	_ =	sdelay $0x1  }
0xa1: {  	s23 =	simm.s32 $0x1B8B  }
0xa2: {  	_ =	swait.ge [sflag:s23], $0x1  }
0xa3: {  	[sflag:s23] =	ssyncset.done $0x0  }
0xa4: {  	s25 =	simm.s32 $0x1B8E;
	s24 =	sld [smem:$0x3FFE];
	[sflag:s23] =	ssyncadd.s32 $0xFFFFFFFF  }
0xa5: {  	s26 =	simm.s32 $execute0_lowered;
	[smem:$0x3FD2] =	sst s25  }
0xa6: {  	s4 =	sshll.u32 s26, $0x1;
	_ =	strace $0x80000046;
	[dreg:$0x1] =	wrdreg $0xFFFFFFFF  }
0xa7: {  	s28 =	simm.s32 $_size_execute0_lowered;
	s2 =	sadd.s32 s2, s4;
	[dreg:$0x0] =	wrdreg $0x0  }
0xa8: {  	s4 =	sshll.u32 s28, $0x1;
	[dreg:$0x2] =	wrdreg s2  }
0xa9: {  	[dreg:$0x3] =	wrdreg s4  }
0xaa: {  	[dreg:$0x4] =	wrdreg $0xC0  }
0xab: {  	_ =	task [dreg:s6], $0x5FFFF  }
0xac: {  	[dreg:$0x1] =	wrdreg $0xFFFFFFFF  }
0xad: {  	[dreg:$0x0] =	wrdreg $0x60  }
0xae: {  	[dreg:$0x2] =	wrdreg s24  }
0xaf: {  	[dreg:$0x3] =	wrdreg $0xD5000  }
0xb0: {  	[dreg:$0x4] =	wrdreg $0x173000  }
0xb1: {  	[dreg:$0x5] =	wrdreg $0x9  }
0xb2: {  	_ =	task.clear_ibuf [dreg:s6], $0x6FFFF;
	_ =	strace $0x90000046  }
0xb3: {  	s29 =	simm.s32 $0x9;
	_ =	strace $0x80000048  }
0xb4: {  	_ =	swait.ge [sflag:s29], $0x1  }
0xb5: {  	[sflag:s29] =	ssyncadd.s32 $0xFFFFFFFF  }
0xb6: {  	_ =	strace $0x90000048  }
0xb7: {  	_ =	sfence  }
0xb8: {  	s30 =	sld [smem:$0x0];
	_ =	sdelay $0x2  }
0xb9: {  	s31 =	sshll.u32 s1, $0xD;
	s1 =	sshrl.u32 s1, $0x2  }
0xba: {  	s3 =	sand.u32 $0x4000, s31;
	s1 =	sadd.s32 s1, s30  }
0xbb: {  	s0 =	sor.u32 s3, s0;
	s1 =	sshll.u32 s1, $0x11  }
0xbc: {  	s0 =	sor.u32 s1, s0  }
0xbd: {  	s0 =	sadd.s32 $0x8F2B, s0  }
0xbe: {  	[sflag:s0] =	ssyncadd.remote.s32 $0x1  }
0xbf: {  	_ =	sfence.sel $0xFFFF  }
0xc0: {  	[dreg:$0x0] =	wrdreg $0xFFFFFFFF;
	(pc) =	sbr.abs _section_cstart, $3  }
0xc1: {  	[dreg:$0x1] =	wrdreg $0xFFFFFFFF  }
0xc2: {  	_ =	task.clear_ibuf [dreg:s6], $0x2FFFF;
	_ =	strace $0x9FFFFFFF  }
0xc3: {  	(tm) =	ssettm $0x7FFFFFFF  }
tec
execute0_lowered:
.L_overlay_start_1:
0x0: {  	(tag) =	ssettag $0x1  }
0x1: {  	s0 =	rddreg [dreg:$0x0]  }
0x2: {  	s1 =	rddreg [dreg:$0x1]  }
0x3: {  	s3 =	rddreg [dreg:$0x2];
	s4 =	simm.s32 $0x0  }
0x4: {  	s17 =	stileid.u32;
	s5 =	srdreg.scid;
	s28 =	simm.s32 $0x80  }
0x5: {  	s29 =	simm.s32 $0x8D00;
	s30 =	simm.s32 $0x8C80;
	s2 =	smul.u32 $0x9E00, s17  }
0x6: {  	s31 =	simm.s32 $0xAD00;
	[smem:$0x7FF] =	sst s4;
	s6 =	smul.u32 $0x2780, s17  }
0x7: {  	s7 =	sand.u32 $0x1, s5;
	s5 =	sadd.s32 $0xC6600, s0;
	s26 =	smul.u32 $0x1180, s17  }
0x8: {  	s12 =	sadd.s32 $0x1C000, s0;
	s13 =	sadd.s32 $0x3000, s0;
	s20 =	smul.u32 $0x780, s17  }
0x9: {  	s22 =	sadd.s32 $0x35000, s0;
	_ =	strace $0x80000047;
	s8 =	smul.u32 $0x9E000, s7  }
0xa: {  	s11 =	smul.u32 $0x27800, s7;
	[dreg:$0x4] =	wrdreg s22;
	s24 =	ssub.s32 $0x2, s7  }
0xb: {  	p0 =	seq.s32 s7, $0x1;
	s9 =	sshrl.u32 s2, $0x3;
	s10 =	sshrl.u32 s6, $0x3  }
0xc: {  	s25 =	sshrl.u32 s24, $0x1;
	s18 =	sadd.s32 $0x11800, s20;
	s21 =	sadd.s32 s13, s26  }
0xd: {  	s9 =	sadd.s32 s9, s0;
	s14 =	sadd.s32 s10, s0;
	s8 =	sadd.s32 s2, s8  }
0xe: {  	s23 =	sadd.s32 s6, s11;
	s19 =	ssub.s32 s24, s25;
	s2 =	sadd.s32 s2, s1  }
0xf: {  	s11 =	sshll.u32 s17, $0x6;
	s6 =	sadd.s32 s6, s3;
	[dreg:$0x9] =	wrdreg s21  }
0x10: {  	s17 =	sadd.s32 s12, s26;
	s22 =	sadd.s32 s12, s18;
	[dreg:$0x5] =	wrdreg s2  }
0x11: {  	s24 =	sadd.s32 $0x1160, s26;
	s25 =	sadd.s32 s20, s13;
	[dreg:$0x7] =	wrdreg s6  }
0x12: {  	s26 =	sadd.s32 $0x11F60, s20;
	s12 =	simm.s32 $0x2;
	[dreg:$0x8] =	wrdreg s17  }
0x13: {  	s8 =	sshrl.u32 s8, $0x3;
	s10 =	sshrl.u32 s23, $0x3;
	[dreg:$0xa] =	wrdreg s22  }
0x14: {  	s23 =	sadd.s32 s13, s18;
	s19 =	smax.u32 s19, $0x1;
	[dreg:$0xc] =	wrdreg s24  }
0x15: {  	[dreg:$0xd] =	wrdreg s26;
	s6 =	sadd.s32 $0x20, s21;
	s24 =	simm.s32 $0x5  }
0x16: {  	s26 =	simm.s32 $0x8C00;
	s2 =	simm.s32 $0x3;
	s15 =	sadd.s32 s8, s0  }
.Ltmp0:
0x17: {  	s16 =	sadd.s32 s10, s0;
	s10 =	sadd.s32 $0x35200, s9;
	(pc) =	sbr.rel .LBB2_1-.Ltmp0, $4  }
0x18: {  	s9 =	sor.u32 $0x1C05, s11;
	s11 =	sadd.s32 $0x48E00, s14;
	s14 =	sadd.s32 $0x3010, s0  }
0x19: {  	[dreg:$0xb] =	wrdreg s23;
	s23 =	sadd.s32 $0x11820, s25;
	s25 =	simm.s32 $0xCD00  }
0x1a: {  	s0 =	simm.s32 $0x1;
	[dreg:$0x6] =	wrdreg s10;
	s17 =	sadd.s32 $0x57C00, s15  }
0x1b: {  	s18 =	sadd.s32 $0x4DE00, s16;
	s15 =	simm.s32 $0x4;
	s16 =	simm.s32 $0x0  }
.LBB2_4:
0x1c: {  	s7 =	simm.s32 $0xFFFDD800  }
.LBB2_7:
0x1d: {  	s8 =	sadd.s32 $0xFFFFFFF0, s22;
	s7 =	sshra.s32 s7, $0x2;
	[sflag:s24] =	ssyncadd.s32 @p1 $0xFFFFF800  }
0x1e: {  	[tilespmem:s30], [sflag:$0x4] =	stream.linear.gather [hbm4b:s8+s4], $0x80, $0x38;
	[tilespmem:$0x19A80] =	vst v63  }
0x1f: {  	s13 =	sadd.s32 $0x8B80, s7  }
0x20: {  	[tilespmem:s31], [sflag:$0x2] =	stream.indirect.gather [hbm4b:s5+s28], $0x40, s13, s28, $0xb8;
	[tilespmem:$0x19A80] =	vst v63  }
0x21: {  	_ =	swait.ge [sflag:s0], $0x2000  }
0x22: {  	[sflag:s0] =	ssyncset.done $0x0  }
0x23: {  	[sflag:s0] =	ssyncadd.s32 $0xFFFFE000  }
0x24: {  	_ =	swait.ge [sflag:s2], $0x80  }
0x25: {  	[sflag:s2] =	ssyncset.done $0x0  }
0x26: {  	[sflag:s2] =	ssyncadd.s32 $0xFFFFFF80  }
0x27: {  	[spmem:s1] =	stream.indirect.scatter.add.f32 [tilespmem:s29], [sflag:$0x5], $0x40, s26, s28, $0xb8;
	[tilespmem:$0x19A80] =	vst v63  }
0x28: {  	_ =	swait.ge [sflag:s24], $0x2000  }
0x29: {  	[sflag:s24] =	ssyncset.done $0x0  }
0x2a: {  	[sflag:s24] =	ssyncadd.s32 $0xFFFFE000  }
0x2b: {  	[spmem:s3] =	stream.indirect.scatter.add.f32 [tilespmem:s25], [sflag:$0x5], $0x10, s26, s28, $0xb8;
	[tilespmem:$0x19A80] =	vst v63  }
0x2c: {  	_ =	swait.ge [sflag:s24], $0x800  }
0x2d: {  	[sflag:s24] =	ssyncset.done $0x0  }
0x2e: {  	[sflag:s24] =	ssyncadd.s32 $0xFFFFF800  }
0x2f: {  	[tilespmem:s26], [sflag:$0x3] =	stream.linear.gather [hbm4b:s22+s4], $0x80, $0x38;
	[tilespmem:$0x19A80] =	vst v63  }
0x30: {  	s7 =	sadd.s32 $0x8C00, s7  }
0x31: {  	[tilespmem:s29], [sflag:$0x1] =	stream.indirect.gather [hbm4b:s5+s28], $0x40, s7, s28, $0xb8;
	[tilespmem:$0x19A80] =	vst v63  }
0x32: {  	_ =	swait.ge [sflag:s12], $0x2000  }
0x33: {  	[sflag:s12] =	ssyncset.done $0x0  }
0x34: {  	[sflag:s12] =	ssyncadd.s32 $0xFFFFE000  }
0x35: {  	_ =	swait.ge [sflag:s15], $0x80  }
0x36: {  	[sflag:s15] =	ssyncset.done $0x0  }
0x37: {  	[sflag:s15] =	ssyncadd.s32 $0xFFFFFF80  }
0x38: {  	[spmem:s1] =	stream.indirect.scatter.add.f32 [tilespmem:s31], [sflag:$0x5], $0x40, s30, s28, $0xb8;
	[tilespmem:$0x19A80] =	vst v63  }
0x39: {  	_ =	swait.ge [sflag:s24], $0x2000  }
0x3a: {  	[sflag:s24] =	ssyncset.done $0x0  }
0x3b: {  	[sflag:s24] =	ssyncadd.s32 $0xFFFFE000  }
0x3c: {  	[spmem:s3] =	stream.indirect.scatter.add.f32 [tilespmem:s25], [sflag:$0x5], $0x10, s30, s28, $0xb8;
	[tilespmem:$0x19A80] =	vst v63  }
0x3d: {  	_ =	swait.ge [sflag:s24], $0x800  }
0x3e: {  	[sflag:s24] =	ssyncset.done $0x0  }
0x3f: {  	s7 =	simm.s32 $0x8B80;
	s13 =	rddreg [dreg:$0xc];
	[sflag:s24] =	ssyncadd.s32 $0xFFFFF800  }
.LBB2_11:
0x40: {  	s8 =	sadd.s32 s13, s14  }
0x41: {  	[tilespmem:s30], [sflag:$0x4] =	stream.linear.gather [hbm4b:s8+s4], $0x80, $0x38;
	[tilespmem:$0x19A80] =	vst v63  }
0x42: {  	_ = 	snop  }
0x43: {  	[tilespmem:s31], [sflag:$0x2] =	stream.indirect.gather [hbm4b:s5+s28], $0x40, s7, s28, $0xb8;
	[tilespmem:$0x19A80] =	vst v63  }
0x44: {  	_ =	swait.ge [sflag:s0], $0x2000  }
0x45: {  	[sflag:s0] =	ssyncset.done $0x0  }
0x46: {  	[sflag:s0] =	ssyncadd.s32 $0xFFFFE000  }
0x47: {  	_ =	swait.ge [sflag:s2], $0x80  }
0x48: {  	[sflag:s2] =	ssyncset.done $0x0  }
0x49: {  	[sflag:s2] =	ssyncadd.s32 $0xFFFFFF80  }
0x4a: {  	[spmem:s1] =	stream.indirect.scatter.add.f32 [tilespmem:s29], [sflag:$0x5], $0x40, s26, s28, $0xb8;
	[tilespmem:$0x19A80] =	vst v63  }
0x4b: {  	_ =	swait.ge [sflag:s24], $0x2000  }
0x4c: {  	[sflag:s24] =	ssyncset.done $0x0  }
0x4d: {  	[sflag:s24] =	ssyncadd.s32 $0xFFFFE000  }
0x4e: {  	[spmem:s3] =	stream.indirect.scatter.add.f32 [tilespmem:s25], [sflag:$0x5], $0x10, s26, s28, $0xb8;
	[tilespmem:$0x19A80] =	vst v63  }
0x4f: {  	_ =	swait.ge [sflag:s24], $0x800  }
0x50: {  	[sflag:s24] =	ssyncset.done $0x0  }
0x51: {  	[sflag:s24] =	ssyncadd.s32 $0xFFFFF800  }
0x52: {  	_ =	swait.ge [sflag:s12], $0x2000  }
0x53: {  	[sflag:s12] =	ssyncset.done $0x0  }
0x54: {  	[sflag:s12] =	ssyncadd.s32 $0xFFFFE000  }
0x55: {  	_ =	swait.ge [sflag:s15], $0x80  }
0x56: {  	[sflag:s15] =	ssyncset.done $0x0  }
0x57: {  	[sflag:s15] =	ssyncadd.s32 $0xFFFFFF80  }
0x58: {  	[spmem:s1] =	stream.indirect.scatter.add.f32 [tilespmem:s31], [sflag:$0x5], $0x40, s30, s28, $0xb8;
	[tilespmem:$0x19A80] =	vst v63  }
0x59: {  	_ =	swait.ge [sflag:s24], $0x2000  }
0x5a: {  	[sflag:s24] =	ssyncset.done $0x0  }
0x5b: {  	[sflag:s24] =	ssyncadd.s32 $0xFFFFE000  }
0x5c: {  	[spmem:s3] =	stream.indirect.scatter.add.f32 [tilespmem:s25], [sflag:$0x5], $0x10, s30, s28, $0xb8;
	[tilespmem:$0x19A80] =	vst v63  }
0x5d: {  	_ =	swait.ge [sflag:s24], $0x800  }
0x5e: {  	[sflag:s24] =	ssyncset.done $0x0  }
0x5f: {  	[sflag:s24] =	ssyncadd.s32 $0xFFFFF800  }
0x60: {  	[bflag:$0x0] =	sbarrier.arrive $0xFFFF  }
0x61: {  	[hbm:s17], [sflag:s9] =	dma.local [spmem:s20], $0x13C0  }
0x62: {  	s16 =	sadd.s32 $0x1, s16;
	_ =	swait.ge [sflag:s24], $0x13C0  }
0x63: {  	p1 =	sne.s32 s16, s19;
	[sflag:s24] =	ssyncset.done $0x0  }
.Ltmp1:
0x64: {  	[sflag:s24] =	ssyncadd.s32 $0xFFFFEC40;
	(pc) =	sbr.rel @!p1 .LBB2_12-.Ltmp1, $4  }
0x65: {  	[hbm:s18], [sflag:s9] =	dma.local [spmem:s21], $0x4F0  }
0x66: {  	_ =	swait.ge [sflag:s24], $0x4F0  }
0x67: {  	[sflag:s24] =	ssyncset.done $0x0  }
0x68: {  	[sflag:s24] =	ssyncadd.s32 $0xFFFFFB10  }
.LBB2_1:
0x69: {  	s7 =	rddreg [dreg:$0x5]  }
0x6a: {  	s13 =	rddreg [dreg:$0x6];
	s20 =	sshrl.u32 s7, $0x3  }
0x6b: {  	[spmem:s20], [sflag:s9] =	dma.local [hbm:s13], $0x13C0  }
0x6c: {  	_ =	swait.ge [sflag:s24], $0x13C0  }
0x6d: {  	[sflag:s24] =	ssyncset.done $0x0;
	s21 =	rddreg [dreg:$0x7]  }
0x6e: {  	[sflag:s24] =	ssyncadd.s32 $0xFFFFEC40;
	s21 =	sshrl.u32 s21, $0x3  }
0x6f: {  	[spmem:s21], [sflag:s9] =	dma.local [hbm:s11], $0x4F0  }
0x70: {  	_ =	swait.ge [sflag:s24], $0x4F0  }
0x71: {  	[sflag:s24] =	ssyncset.done $0x0  }
0x72: {  	s22 =	rddreg [dreg:$0x4];
	[sflag:s24] =	ssyncadd.s32 $0xFFFFFB10  }
0x73: {  	[tilespmem:s25], [sflag:$0x5] =	stream.linear.gather [hbm4b:s22+s4], $0x800, $0x38;
	[tilespmem:$0x19A80] =	vst v63  }
.Ltmp2:
0x74: {  	_ =	swait.ge [sflag:s24], $0x800;
	(pc) =	sbr.rel @!p0 .LBB2_2-.Ltmp2, $3  }
0x75: {  	[sflag:s24] =	ssyncset.done $0x0  }
0x76: {  	[sflag:s24] =	ssyncadd.s32 $0xFFFFF800  }
0x77: {  	[bflag:$0x0] =	sbarrier.arrive $0xFFFF;
	_ =	sdelay $0x1  }
0x78: {  	s7 =	rddreg [dreg:$0xa]  }
0x79: {  	[tilespmem:s4], [sflag:$0x5] =	stream.linear.gather [hbm4b:s7+s4], $0x3C00, $0x38;
	[tilespmem:$0x19A80] =	vst v63  }
0x7a: {  	_ =	swait.ge [sflag:s24], $0x3C00  }
0x7b: {  	[sflag:s24] =	ssyncset.done $0x0  }
0x7c: {  	s8 =	rddreg [dreg:$0xb];
	[sflag:s24] =	ssyncadd.s32 $0xFFFFC400  }
0x7d: {  	[tilespmem:s26], [sflag:$0x3] =	stream.linear.gather [hbm4b:s8+s4], $0x80, $0x38;
	[tilespmem:$0x19A80] =	vst v63  }
0x7e: {  	_ = 	snop  }
0x7f: {  	[tilespmem:s29], [sflag:$0x1] =	stream.indirect.gather [hbm4b:s5+s28], $0x40, s4, s28, $0xb8;
	[tilespmem:$0x19A80] =	vst v63  }
0x80: {  	s10 =	sadd.s32 $0xFFFFFFF0, s23  }
0x81: {  	[tilespmem:s30], [sflag:$0x4] =	stream.linear.gather [hbm4b:s10+s4], $0x80, $0x38;
	[tilespmem:$0x19A80] =	vst v63  }
0x82: {  	s13 =	simm.s32 $0x80  }
0x83: {  	[tilespmem:s31], [sflag:$0x2] =	stream.indirect.gather [hbm4b:s5+s28], $0x40, s13, s28, $0xb8;
	[tilespmem:$0x19A80] =	vst v63  }
0x84: {  	_ =	swait.ge [sflag:s0], $0x2000  }
0x85: {  	[sflag:s0] =	ssyncset.done $0x0  }
0x86: {  	[sflag:s0] =	ssyncadd.s32 $0xFFFFE000  }
0x87: {  	_ =	swait.ge [sflag:s2], $0x80  }
0x88: {  	[sflag:s2] =	ssyncset.done $0x0  }
0x89: {  	[sflag:s2] =	ssyncadd.s32 $0xFFFFFF80  }
0x8a: {  	[spmem:s1] =	stream.indirect.scatter.add.f32 [tilespmem:s29], [sflag:$0x5], $0x40, s26, s28, $0xb8;
	[tilespmem:$0x19A80] =	vst v63  }
0x8b: {  	_ =	swait.ge [sflag:s24], $0x2000  }
0x8c: {  	[sflag:s24] =	ssyncset.done $0x0  }
0x8d: {  	[sflag:s24] =	ssyncadd.s32 $0xFFFFE000  }
0x8e: {  	[spmem:s3] =	stream.indirect.scatter.add.f32 [tilespmem:s25], [sflag:$0x5], $0x10, s26, s28, $0xb8;
	[tilespmem:$0x19A80] =	vst v63  }
0x8f: {  	_ =	swait.ge [sflag:s24], $0x800  }
0x90: {  	[sflag:s24] =	ssyncset.done $0x0  }
0x91: {  	[sflag:s24] =	ssyncadd.s32 $0xFFFFF800  }
0x92: {  	[tilespmem:s26], [sflag:$0x3] =	stream.linear.gather [hbm4b:s23+s4], $0x80, $0x38;
	[tilespmem:$0x19A80] =	vst v63  }
0x93: {  	s22 =	simm.s32 $0x100  }
0x94: {  	[tilespmem:s29], [sflag:$0x1] =	stream.indirect.gather [hbm4b:s5+s28], $0x40, s22, s28, $0xb8;
	[tilespmem:$0x19A80] =	vst v63  }
0x95: {  	_ =	swait.ge [sflag:s12], $0x2000  }
0x96: {  	[sflag:s12] =	ssyncset.done $0x0  }
0x97: {  	[sflag:s12] =	ssyncadd.s32 $0xFFFFE000  }
0x98: {  	_ =	swait.ge [sflag:s15], $0x80  }
0x99: {  	[sflag:s15] =	ssyncset.done $0x0  }
0x9a: {  	[sflag:s15] =	ssyncadd.s32 $0xFFFFFF80  }
0x9b: {  	[spmem:s1] =	stream.indirect.scatter.add.f32 [tilespmem:s31], [sflag:$0x5], $0x40, s30, s28, $0xb8;
	[tilespmem:$0x19A80] =	vst v63  }
0x9c: {  	_ =	swait.ge [sflag:s24], $0x2000  }
0x9d: {  	[sflag:s24] =	ssyncset.done $0x0  }
0x9e: {  	[sflag:s24] =	ssyncadd.s32 $0xFFFFE000  }
0x9f: {  	[spmem:s3] =	stream.indirect.scatter.add.f32 [tilespmem:s25], [sflag:$0x5], $0x10, s30, s28, $0xb8;
	[tilespmem:$0x19A80] =	vst v63  }
0xa0: {  	s7 =	simm.s32 $0xFFFF1800;
	_ =	swait.ge [sflag:s24], $0x800  }
0xa1: {  	s13 =	sadd.s32 $0x20, s23;
	s22 =	simm.s32 $0xFFFF1C00;
	[sflag:s24] =	ssyncset.done $0x0  }
.LBB2_9:
0xa2: {  	s8 =	sadd.s32 $0xFFFFFFF0, s13  }
0xa3: {  	s10 =	sshra.s32 s7, $0x2;
	[sflag:s24] =	ssyncadd.s32 $0xFFFFF800;
	s7 =	smov.u32 s22  }
0xa4: {  	[tilespmem:s30], [sflag:$0x4] =	stream.linear.gather [hbm4b:s8+s4], $0x80, $0x38;
	[tilespmem:$0x19A80] =	vst v63  }
0xa5: {  	p1 =	sne.s32 s22, $0xFFFFFC00;
	s22 =	sadd.s32 $0x400, s22;
	s8 =	sadd.s32 $0x3B80, s10  }
0xa6: {  	[tilespmem:s31], [sflag:$0x2] =	stream.indirect.gather [hbm4b:s5+s28], $0x40, s8, s28, $0xb8;
	[tilespmem:$0x19A80] =	vst v63  }
0xa7: {  	_ =	swait.ge [sflag:s0], $0x2000  }
0xa8: {  	[sflag:s0] =	ssyncset.done $0x0  }
0xa9: {  	[sflag:s0] =	ssyncadd.s32 $0xFFFFE000  }
0xaa: {  	_ =	swait.ge [sflag:s2], $0x80  }
0xab: {  	[sflag:s2] =	ssyncset.done $0x0  }
0xac: {  	[sflag:s2] =	ssyncadd.s32 $0xFFFFFF80  }
0xad: {  	[spmem:s1] =	stream.indirect.scatter.add.f32 [tilespmem:s29], [sflag:$0x5], $0x40, s26, s28, $0xb8;
	[tilespmem:$0x19A80] =	vst v63  }
0xae: {  	_ =	swait.ge [sflag:s24], $0x2000  }
0xaf: {  	[sflag:s24] =	ssyncset.done $0x0  }
0xb0: {  	[sflag:s24] =	ssyncadd.s32 $0xFFFFE000  }
0xb1: {  	[spmem:s3] =	stream.indirect.scatter.add.f32 [tilespmem:s25], [sflag:$0x5], $0x10, s26, s28, $0xb8;
	[tilespmem:$0x19A80] =	vst v63  }
0xb2: {  	_ =	swait.ge [sflag:s24], $0x800  }
0xb3: {  	[sflag:s24] =	ssyncset.done $0x0  }
0xb4: {  	[sflag:s24] =	ssyncadd.s32 $0xFFFFF800  }
0xb5: {  	[tilespmem:s26], [sflag:$0x3] =	stream.linear.gather [hbm4b:s13+s4], $0x80, $0x38;
	[tilespmem:$0x19A80] =	vst v63  }
0xb6: {  	s8 =	sadd.s32 $0x3C00, s10  }
0xb7: {  	[tilespmem:s29], [sflag:$0x1] =	stream.indirect.gather [hbm4b:s5+s28], $0x40, s8, s28, $0xb8;
	[tilespmem:$0x19A80] =	vst v63  }
0xb8: {  	_ =	swait.ge [sflag:s12], $0x2000  }
0xb9: {  	[sflag:s12] =	ssyncset.done $0x0  }
0xba: {  	[sflag:s12] =	ssyncadd.s32 $0xFFFFE000  }
0xbb: {  	_ =	swait.ge [sflag:s15], $0x80  }
0xbc: {  	[sflag:s15] =	ssyncset.done $0x0  }
0xbd: {  	[sflag:s15] =	ssyncadd.s32 $0xFFFFFF80  }
0xbe: {  	[spmem:s1] =	stream.indirect.scatter.add.f32 [tilespmem:s31], [sflag:$0x5], $0x40, s30, s28, $0xb8;
	[tilespmem:$0x19A80] =	vst v63  }
0xbf: {  	_ =	swait.ge [sflag:s24], $0x2000  }
.Ltmp3:
0xc0: {  	[sflag:s24] =	ssyncset.done $0x0;
	(pc) =	sbr.rel @p1 .LBB2_9-.Ltmp3, $4  }
0xc1: {  	[sflag:s24] =	ssyncadd.s32 $0xFFFFE000  }
0xc2: {  	[spmem:s3] =	stream.indirect.scatter.add.f32 [tilespmem:s25], [sflag:$0x5], $0x10, s30, s28, $0xb8;
	[tilespmem:$0x19A80] =	vst v63  }
0xc3: {  	_ =	swait.ge [sflag:s24], $0x800  }
0xc4: {  	s13 =	sadd.s32 $0x20, s13;
	[sflag:s24] =	ssyncset.done $0x0  }
0xc5: {  	s8 =	sadd.s32 $0xFFFFFFF0, s13;
	s7 =	sshra.s32 s7, $0x2;
	[sflag:s24] =	ssyncadd.s32 $0xFFFFF800  }
0xc6: {  	[tilespmem:s30], [sflag:$0x4] =	stream.linear.gather [hbm4b:s8+s4], $0x80, $0x38;
	[tilespmem:$0x19A80] =	vst v63  }
0xc7: {  	s22 =	sadd.s32 $0x3B80, s7  }
0xc8: {  	[tilespmem:s31], [sflag:$0x2] =	stream.indirect.gather [hbm4b:s5+s28], $0x40, s22, s28, $0xb8;
	[tilespmem:$0x19A80] =	vst v63  }
0xc9: {  	_ =	swait.ge [sflag:s0], $0x2000  }
0xca: {  	[sflag:s0] =	ssyncset.done $0x0  }
0xcb: {  	[sflag:s0] =	ssyncadd.s32 $0xFFFFE000  }
0xcc: {  	_ =	swait.ge [sflag:s2], $0x80  }
0xcd: {  	[sflag:s2] =	ssyncset.done $0x0  }
0xce: {  	[sflag:s2] =	ssyncadd.s32 $0xFFFFFF80  }
0xcf: {  	[spmem:s1] =	stream.indirect.scatter.add.f32 [tilespmem:s29], [sflag:$0x5], $0x40, s26, s28, $0xb8;
	[tilespmem:$0x19A80] =	vst v63  }
0xd0: {  	_ =	swait.ge [sflag:s24], $0x2000  }
0xd1: {  	[sflag:s24] =	ssyncset.done $0x0  }
0xd2: {  	[sflag:s24] =	ssyncadd.s32 $0xFFFFE000  }
0xd3: {  	[spmem:s3] =	stream.indirect.scatter.add.f32 [tilespmem:s25], [sflag:$0x5], $0x10, s26, s28, $0xb8;
	[tilespmem:$0x19A80] =	vst v63  }
0xd4: {  	_ =	swait.ge [sflag:s24], $0x800  }
0xd5: {  	[sflag:s24] =	ssyncset.done $0x0  }
0xd6: {  	[sflag:s24] =	ssyncadd.s32 $0xFFFFF800  }
0xd7: {  	[tilespmem:s26], [sflag:$0x3] =	stream.linear.gather [hbm4b:s13+s4], $0x80, $0x38;
	[tilespmem:$0x19A80] =	vst v63  }
0xd8: {  	s7 =	sadd.s32 $0x3C00, s7  }
0xd9: {  	[tilespmem:s29], [sflag:$0x1] =	stream.indirect.gather [hbm4b:s5+s28], $0x40, s7, s28, $0xb8;
	[tilespmem:$0x19A80] =	vst v63  }
0xda: {  	_ =	swait.ge [sflag:s12], $0x2000  }
0xdb: {  	[sflag:s12] =	ssyncset.done $0x0  }
0xdc: {  	[sflag:s12] =	ssyncadd.s32 $0xFFFFE000  }
0xdd: {  	_ =	swait.ge [sflag:s15], $0x80  }
0xde: {  	[sflag:s15] =	ssyncset.done $0x0  }
0xdf: {  	[sflag:s15] =	ssyncadd.s32 $0xFFFFFF80  }
0xe0: {  	[spmem:s1] =	stream.indirect.scatter.add.f32 [tilespmem:s31], [sflag:$0x5], $0x40, s30, s28, $0xb8;
	[tilespmem:$0x19A80] =	vst v63  }
0xe1: {  	_ =	swait.ge [sflag:s24], $0x2000  }
0xe2: {  	[sflag:s24] =	ssyncset.done $0x0  }
.Ltmp4:
0xe3: {  	[sflag:s24] =	ssyncadd.s32 $0xFFFFE000;
	(pc) =	sbr.rel .LBB2_11-.Ltmp4, $4  }
0xe4: {  	[spmem:s3] =	stream.indirect.scatter.add.f32 [tilespmem:s25], [sflag:$0x5], $0x10, s30, s28, $0xb8;
	[tilespmem:$0x19A80] =	vst v63  }
0xe5: {  	_ =	swait.ge [sflag:s24], $0x800  }
0xe6: {  	[sflag:s24] =	ssyncset.done $0x0  }
0xe7: {  	s7 =	simm.s32 $0x3B80;
	s13 =	rddreg [dreg:$0xd];
	[sflag:s24] =	ssyncadd.s32 $0xFFFFF800  }
.LBB2_2:
0xe8: {  	s7 =	rddreg [dreg:$0x8]  }
0xe9: {  	[tilespmem:s4], [sflag:$0x5] =	stream.linear.gather [hbm4b:s7+s4], $0x8C00, $0x38;
	[tilespmem:$0x19A80] =	vst v63  }
0xea: {  	p2 =	por $0x0, $0x0;
	_ =	swait.ge [sflag:s24], $0x8C00  }
.Ltmp5:
0xeb: {  	[sflag:s24] =	ssyncset.done $0x0;
	(pc) =	sbr.rel @p2 .LBB2_7-.Ltmp5, $4  }
0xec: {  	s13 =	simm.s32 $0xFFFDD800;
	s22 =	rddreg [dreg:$0x9];
	[sflag:s24] =	ssyncadd.s32 $0xFFFF7400  }
0xed: {  	[tilespmem:s26], [sflag:$0x3] =	stream.linear.gather [hbm4b:s22+s4], $0x80, $0x38;
	[tilespmem:$0x19A80] =	vst v63  }
0xee: {  	p1 =	por $0x0, $0x0;
	s7 =	simm.s32 $0xFFFDD400;
	s22 =	smov.u32 s6  }
0xef: {  	[tilespmem:s29], [sflag:$0x1] =	stream.indirect.gather [hbm4b:s5+s28], $0x40, s4, s28, $0xb8;
	[tilespmem:$0x19A80] =	vst v63  }
0xf0: {  	s7 =	sadd.s32 $0xFFFFFFF0, s6  }
0xf1: {  	[tilespmem:s30], [sflag:$0x4] =	stream.linear.gather [hbm4b:s7+s4], $0x80, $0x38;
	[tilespmem:$0x19A80] =	vst v63  }
0xf2: {  	s10 =	simm.s32 $0x80  }
0xf3: {  	[tilespmem:s31], [sflag:$0x2] =	stream.indirect.gather [hbm4b:s5+s28], $0x40, s10, s28, $0xb8;
	[tilespmem:$0x19A80] =	vst v63  }
0xf4: {  	_ =	swait.ge [sflag:s0], $0x2000  }
0xf5: {  	[sflag:s0] =	ssyncset.done $0x0  }
0xf6: {  	[sflag:s0] =	ssyncadd.s32 $0xFFFFE000  }
0xf7: {  	_ =	swait.ge [sflag:s2], $0x80  }
0xf8: {  	[sflag:s2] =	ssyncset.done $0x0  }
0xf9: {  	[sflag:s2] =	ssyncadd.s32 $0xFFFFFF80  }
0xfa: {  	[spmem:s1] =	stream.indirect.scatter.add.f32 [tilespmem:s29], [sflag:$0x5], $0x40, s26, s28, $0xb8;
	[tilespmem:$0x19A80] =	vst v63  }
0xfb: {  	_ =	swait.ge [sflag:s24], $0x2000  }
0xfc: {  	[sflag:s24] =	ssyncset.done $0x0  }
0xfd: {  	[sflag:s24] =	ssyncadd.s32 $0xFFFFE000  }
0xfe: {  	[spmem:s3] =	stream.indirect.scatter.add.f32 [tilespmem:s25], [sflag:$0x5], $0x10, s26, s28, $0xb8;
	[tilespmem:$0x19A80] =	vst v63  }
0xff: {  	_ =	swait.ge [sflag:s24], $0x800  }
0x100: {  	[sflag:s24] =	ssyncset.done $0x0  }
0x101: {  	[sflag:s24] =	ssyncadd.s32 $0xFFFFF800  }
0x102: {  	[tilespmem:s26], [sflag:$0x3] =	stream.linear.gather [hbm4b:s6+s4], $0x80, $0x38;
	[tilespmem:$0x19A80] =	vst v63  }
0x103: {  	s22 =	simm.s32 $0x100  }
0x104: {  	[tilespmem:s29], [sflag:$0x1] =	stream.indirect.gather [hbm4b:s5+s28], $0x40, s22, s28, $0xb8;
	[tilespmem:$0x19A80] =	vst v63  }
0x105: {  	_ =	swait.ge [sflag:s12], $0x2000  }
0x106: {  	[sflag:s12] =	ssyncset.done $0x0  }
0x107: {  	[sflag:s12] =	ssyncadd.s32 $0xFFFFE000  }
0x108: {  	_ =	swait.ge [sflag:s15], $0x80  }
0x109: {  	[sflag:s15] =	ssyncset.done $0x0  }
0x10a: {  	[sflag:s15] =	ssyncadd.s32 $0xFFFFFF80  }
0x10b: {  	[spmem:s1] =	stream.indirect.scatter.add.f32 [tilespmem:s31], [sflag:$0x5], $0x40, s30, s28, $0xb8;
	[tilespmem:$0x19A80] =	vst v63  }
0x10c: {  	p2 =	por $0x0, $0x0;
	_ =	swait.ge [sflag:s24], $0x2000  }
.Ltmp6:
0x10d: {  	[sflag:s24] =	ssyncset.done $0x0;
	(pc) =	sbr.rel @p2 .LBB2_4-.Ltmp6, $4  }
0x10e: {  	[sflag:s24] =	ssyncadd.s32 $0xFFFFE000  }
0x10f: {  	[spmem:s3] =	stream.indirect.scatter.add.f32 [tilespmem:s25], [sflag:$0x5], $0x10, s30, s28, $0xb8;
	[tilespmem:$0x19A80] =	vst v63  }
0x110: {  	p1 =	por $0x1, $0x1;
	_ =	swait.ge [sflag:s24], $0x800  }
0x111: {  	s7 =	simm.s32 $0xFFFDDC00;
	s22 =	sadd.s32 $0x20, s6;
	[sflag:s24] =	ssyncset.done $0x0  }
.LBB2_5:
0x112: {  	s8 =	sadd.s32 $0xFFFFFFF0, s22  }
0x113: {  	s10 =	sshra.s32 s13, $0x2;
	[sflag:s24] =	ssyncadd.s32 $0xFFFFF800;
	s13 =	smov.u32 s7  }
0x114: {  	[tilespmem:s30], [sflag:$0x4] =	stream.linear.gather [hbm4b:s8+s4], $0x80, $0x38;
	[tilespmem:$0x19A80] =	vst v63  }
0x115: {  	p2 =	seq.s32 s7, $0xFFFFFC00;
	s7 =	sadd.s32 $0x400, s7;
	s8 =	sadd.s32 $0x8B80, s10  }
0x116: {  	[tilespmem:s31], [sflag:$0x2] =	stream.indirect.gather [hbm4b:s5+s28], $0x40, s8, s28, $0xb8;
	[tilespmem:$0x19A80] =	vst v63  }
0x117: {  	_ =	swait.ge [sflag:s0], $0x2000  }
0x118: {  	[sflag:s0] =	ssyncset.done $0x0  }
0x119: {  	[sflag:s0] =	ssyncadd.s32 $0xFFFFE000  }
0x11a: {  	_ =	swait.ge [sflag:s2], $0x80  }
0x11b: {  	[sflag:s2] =	ssyncset.done $0x0  }
0x11c: {  	[sflag:s2] =	ssyncadd.s32 $0xFFFFFF80  }
0x11d: {  	[spmem:s1] =	stream.indirect.scatter.add.f32 [tilespmem:s29], [sflag:$0x5], $0x40, s26, s28, $0xb8;
	[tilespmem:$0x19A80] =	vst v63  }
0x11e: {  	_ =	swait.ge [sflag:s24], $0x2000  }
0x11f: {  	[sflag:s24] =	ssyncset.done $0x0  }
0x120: {  	[sflag:s24] =	ssyncadd.s32 $0xFFFFE000  }
0x121: {  	[spmem:s3] =	stream.indirect.scatter.add.f32 [tilespmem:s25], [sflag:$0x5], $0x10, s26, s28, $0xb8;
	[tilespmem:$0x19A80] =	vst v63  }
0x122: {  	_ =	swait.ge [sflag:s24], $0x800  }
0x123: {  	[sflag:s24] =	ssyncset.done $0x0  }
0x124: {  	[sflag:s24] =	ssyncadd.s32 $0xFFFFF800  }
0x125: {  	[tilespmem:s26], [sflag:$0x3] =	stream.linear.gather [hbm4b:s22+s4], $0x80, $0x38;
	[tilespmem:$0x19A80] =	vst v63  }
0x126: {  	s8 =	sadd.s32 $0x8C00, s10  }
0x127: {  	[tilespmem:s29], [sflag:$0x1] =	stream.indirect.gather [hbm4b:s5+s28], $0x40, s8, s28, $0xb8;
	[tilespmem:$0x19A80] =	vst v63  }
0x128: {  	_ =	swait.ge [sflag:s12], $0x2000  }
0x129: {  	[sflag:s12] =	ssyncset.done $0x0  }
0x12a: {  	[sflag:s12] =	ssyncadd.s32 $0xFFFFE000  }
0x12b: {  	_ =	swait.ge [sflag:s15], $0x80  }
0x12c: {  	[sflag:s15] =	ssyncset.done $0x0  }
0x12d: {  	[sflag:s15] =	ssyncadd.s32 $0xFFFFFF80  }
0x12e: {  	[spmem:s1] =	stream.indirect.scatter.add.f32 [tilespmem:s31], [sflag:$0x5], $0x40, s30, s28, $0xb8;
	[tilespmem:$0x19A80] =	vst v63  }
0x12f: {  	_ =	swait.ge [sflag:s24], $0x2000  }
.Ltmp7:
0x130: {  	[sflag:s24] =	ssyncset.done $0x0;
	(pc) =	sbr.rel @!p2 .LBB2_5-.Ltmp7, $4  }
0x131: {  	[sflag:s24] =	ssyncadd.s32 $0xFFFFE000  }
0x132: {  	[spmem:s3] =	stream.indirect.scatter.add.f32 [tilespmem:s25], [sflag:$0x5], $0x10, s30, s28, $0xb8;
	[tilespmem:$0x19A80] =	vst v63  }
0x133: {  	_ =	swait.ge [sflag:s24], $0x800  }
0x134: {  	s22 =	sadd.s32 $0x20, s22;
	[sflag:s24] =	ssyncset.done $0x0  }
.Ltmp8:
0x135: {  	(pc) =	sbr.rel .LBB2_7-.Ltmp8, $2  }
0x136: {  	_ =	sdelay $0x2  }
0x137: {  	s7 =	smov.u32 s13  }
.LBB2_12:
0x138: {  	_ =	sfence.sel $0x180000  }
0x139: {  	[bflag:$0x0] =	sbarrier.arrive $0xFFFF  }
0x13a: {  	_ =	strace $0x90000047  }
0x13b: {  	s0 =	stileid.u32;
	[bflag:$0x2] =	sbarrier.arrive $0xFFFF  }
0x13c: {  	p0 =	sne.s32 s0, $0x0;
	s0 =	rddreg [dreg:$0x3]  }
0x13d: {  	s0 =	sadd.s32 @!p0 $0x100000, s0  }
0x13e: {  	[sflag:s0] =	ssyncadd.tile.s32 @!p0 $0x1;
	_ =	shalt  }
.Lfunc_end2:
_tile_overlayer_lowered:
.L_overlay_start_2:
0x13f: {  	(tag) =	ssettag $0x2  }
0x140: {  	s0 =	rddreg [dreg:$0x0];
	s2 =	stileid.u32  }
0x141: {  	s1 =	rddreg [dreg:$0x1];
	p0 =	sne.s32 s2, $0x0  }
0x142: {  	s3 =	rddreg [dreg:$0x2];
	[bflag:$0x3] =	sbarrier.arrive $0xFFFF;
	s2 =	simm.s32 @!p0 $0x1C05  }
0x143: {  	[timem:s3], [sflag:s2] =	dma.local @!p0 [hbm:s0], s1  }
0x144: {  	s0 =	simm.s32 @!p0 $0x5  }
0x145: {  	_ =	swait.ge @!p0 [sflag:s0], s1  }
0x146: {  	s1 =	ssub.s32 @!p0 $0x0, s1;
	[sflag:s0] =	ssyncset.done @!p0 $0x0  }
0x147: {  	[sflag:s0] =	ssyncadd.s32 @!p0 s1  }
0x148: {  	[bflag:$0x3] =	sbarrier.arrive $0xFFFF  }
0x149: {  	_ =	shalt  }

</sc_bundles>
